<compile_context>
chip_gen: v7x
topology: tpu7x:2x2x1
jax: 0.10.2.dev20260603
libtpu: 0.0.44.dev20260713+nightly
codegen_flags: <defaults>
</compile_context>

<pallas_src>
import functools

import jax
import jax.numpy as jnp
from jax import lax
from jax.experimental import pallas as pl
from jax.experimental.pallas import tpu as pltpu
from jax.experimental.pallas import tpu_sc as plsc

N = 10000
E = 320000
H = 128
R = 200
RRELU_SLOPE = (1.0 / 8.0 + 1.0 / 3.0) / 2.0

NC = 2
NS = 16
NW = NC * NS

WROWS = 320
NPAD = NW * WROWS
CCHUNK = 16000
NCC = E // CCHUNK
EPW = E // NW
K = 80
NCH = EPW // K
G = 25
NG = NCH // G
SROWS = 632
APAD = NS * SROWS


def _sc_mesh():
    return plsc.VectorSubcoreMesh(core_axis_name="c", subcore_axis_name="s")


@functools.partial(
    pl.kernel,
    out_type=jax.ShapeDtypeStruct((NPAD * R,), jnp.float32),
    mesh=_sc_mesh(),
    compiler_params=pltpu.CompilerParams(needs_layout_passes=False),
    scratch_types=[
        pltpu.VMEM((WROWS * R,), jnp.float32),
        pltpu.VMEM((CCHUNK,), jnp.int32),
        pltpu.VMEM((CCHUNK,), jnp.int32),
        pltpu.VMEM((CCHUNK,), jnp.int32),
        pltpu.VMEM((CCHUNK,), jnp.int32),
        pltpu.SemaphoreType.DMA,
        pltpu.SemaphoreType.DMA,
    ],
)
def _sc_counts(dst_hbm, typ_hbm, zero_hbm, c_hbm, cbuf,
               dbuf0, tbuf0, dbuf1, tbuf1, sem0, sem1):
    w = lax.axis_index("c") * NS + lax.axis_index("s")
    base = w * WROWS
    pltpu.sync_copy(zero_hbm, cbuf)
    ones = jnp.full((16,), 1.0, jnp.float32)
    dbufs = (dbuf0, dbuf1)
    tbufs = (tbuf0, tbuf1)
    sems = (sem0, sem1)

    def stage(i, b):
        pltpu.async_copy(dst_hbm.at[pl.ds(i * CCHUNK, CCHUNK)],
                         dbufs[b], sems[b])
        pltpu.async_copy(typ_hbm.at[pl.ds(i * CCHUNK, CCHUNK)],
                         tbufs[b], sems[b])

    def wait_stage(i, b):
        pltpu.make_async_copy(dst_hbm.at[pl.ds(i * CCHUNK, CCHUNK)],
                              dbufs[b], sems[b]).wait()
        pltpu.make_async_copy(typ_hbm.at[pl.ds(i * CCHUNK, CCHUNK)],
                              tbufs[b], sems[b]).wait()

    def process(b):
        UNROLL = 5

        def vec(j5, _):
            for u in range(UNROLL):
                j = j5 * UNROLL + u
                d = dbufs[b][pl.ds(j * 16, 16)]
                t = tbufs[b][pl.ds(j * 16, 16)]
                local = d - base
                mask = (local >= 0) & (local < WROWS)
                lc = jnp.minimum(jnp.maximum(local, 0), WROWS - 1)
                plsc.addupdate_scatter(cbuf, [lc * R + t], ones, mask=mask)
            return 0

        lax.fori_loop(0, CCHUNK // 16 // UNROLL, vec, 0)

    stage(0, 0)

    def pair(i2, _):
        i = i2 * 2
        stage(i + 1, 1)
        wait_stage(i, 0)
        process(0)

        @pl.when(i2 < NCC // 2 - 1)
        def _():
            stage(i + 2, 0)

        wait_stage(i + 1, 1)
        process(1)
        return 0

    lax.fori_loop(0, NCC // 2, pair, 0)
    pltpu.sync_copy(cbuf, c_hbm.at[pl.ds(base * R, WROWS * R)])


@functools.partial(
    pl.kernel,
    out_type=[jax.ShapeDtypeStruct((APAD, H), jnp.float32),
              jax.ShapeDtypeStruct((APAD, H), jnp.float32)],
    mesh=_sc_mesh(),
    compiler_params=pltpu.CompilerParams(needs_layout_passes=False),
    scratch_types=[
        pltpu.VMEM_SHARED((APAD, H), jnp.float32),
        pltpu.VMEM((G * K,), jnp.int32),
        pltpu.VMEM((G * K,), jnp.int32),
        pltpu.VMEM((K, H), jnp.float32),
        pltpu.VMEM((K, H), jnp.float32),
        pltpu.VMEM((K, H), jnp.float32),
        pltpu.VMEM((K, H), jnp.float32),
        pltpu.SemaphoreType.DMA,
        pltpu.SemaphoreType.DMA,
        pltpu.SemaphoreType.DMA,
        pltpu.SemaphoreType.DMA,
    ],
)
def _sc_scatter(hw_hbm, src_hbm, dst_hbm, zero_hbm, out0_hbm, out1_hbm,
                agg, sbuf, dbuf, rows0, rows1, rows2, rows3,
                gsem0, gsem1, gsem2, gsem3):
    c = lax.axis_index("c")
    s = lax.axis_index("s")
    w = c * NS + s
    pltpu.sync_copy(zero_hbm, agg.at[pl.ds(s * SROWS, SROWS)])
    plsc.subcore_barrier()

    rowsb = (rows0, rows1, rows2, rows3)
    gsems = (gsem0, gsem1, gsem2, gsem3)
    DEPTH = 4

    def gather(b, i):
        pltpu.async_copy(hw_hbm.at[sbuf.at[pl.ds(i * K, K)]],
                         rowsb[b], gsems[b])

    def gwait(b, i):
        pltpu.make_async_copy(hw_hbm.at[sbuf.at[pl.ds(i * K, K)]],
                              rowsb[b], gsems[b]).wait()

    def scat(b, i):
        pltpu.sync_copy(rowsb[b], agg.at[dbuf.at[pl.ds(i * K, K)]],
                        add=True)

    def group(g, _):
        off = w * EPW + g * (G * K)
        pltpu.sync_copy(src_hbm.at[pl.ds(off, G * K)], sbuf)
        pltpu.sync_copy(dst_hbm.at[pl.ds(off, G * K)], dbuf)
        for b in range(DEPTH):
            gather(b, b)

        def rot(iD, _):
            i = iD * DEPTH
            for b in range(DEPTH):
                gwait(b, i + b)
                scat(b, i + b)

                @pl.when(i + b + DEPTH < G)
                def _():
                    gather(b, i + b + DEPTH)

            return 0

        lax.fori_loop(0, G // DEPTH, rot, 0)
        gwait(0, G - 1)
        scat(0, G - 1)
        return 0

    lax.fori_loop(0, NG, group, 0)
    plsc.subcore_barrier()

    @pl.when(c == 0)
    def _():
        pltpu.sync_copy(agg.at[pl.ds(s * SROWS, SROWS)],
                        out0_hbm.at[pl.ds(s * SROWS, SROWS)])

    @pl.when(c == 1)
    def _():
        pltpu.sync_copy(agg.at[pl.ds(s * SROWS, SROWS)],
                        out1_hbm.at[pl.ds(s * SROWS, SROWS)])


BN = 1000


def _selfloop_and_rest(h, C, rel, wn, wl, we, norm, hw_out, rest_out):
    f32 = jnp.float32
    rW = jnp.dot(rel, wn, preferred_element_type=f32)
    hw_out[...] = jnp.dot(h, wn, preferred_element_type=f32)
    aggrel = jnp.dot(C, rW, preferred_element_type=f32)
    indeg = jnp.sum(C, axis=1, keepdims=True)
    loop_msg = jnp.where(indeg > 0,
                         jnp.dot(h, wl, preferred_element_type=f32),
                         jnp.dot(h, we, preferred_element_type=f32))
    rest_out[...] = aggrel * norm + loop_msg


def _rrelu(x):
    return jnp.where(x >= 0, x, x * RRELU_SLOPE)


def _tc_layer0_body(h_ref, c_ref, rel_ref,
                    wn_ref, wl_ref, we_ref, norm_ref, hw_out, rest_out):
    _selfloop_and_rest(h_ref[...], c_ref[...],
                       rel_ref[...], wn_ref[...],
                       wl_ref[...], we_ref[...], norm_ref[...],
                       hw_out, rest_out)


def _tc_layer1_body(pa_ref, pb_ref, restp_ref, c_ref, rel_ref,
                    wn_ref, wl_ref, we_ref, norm_ref, hw_out, rest_out):
    h = _rrelu((pa_ref[...] + pb_ref[...]) * norm_ref[...] + restp_ref[...])
    _selfloop_and_rest(h, c_ref[...],
                       rel_ref[...], wn_ref[...],
                       wl_ref[...], we_ref[...], norm_ref[...],
                       hw_out, rest_out)


def _tc_final_body(pa_ref, pb_ref, rest_ref, norm_ref, out_ref):
    out_ref[...] = _rrelu((pa_ref[...] + pb_ref[...]) * norm_ref[...]
                          + rest_ref[...])


def _row_spec(cols):
    return pl.BlockSpec((BN, cols), lambda i: (i, 0))


def _full_spec(rows, cols):
    return pl.BlockSpec((rows, cols), lambda i: (0, 0))


_GRID = N // BN


def _tc_layer0(h, C, rel, wn, wl, we, norm):
    return pl.pallas_call(
        _tc_layer0_body,
        grid=(_GRID,),
        in_specs=[_row_spec(H), _row_spec(R),
                  _full_spec(R, H), _full_spec(H, H), _full_spec(H, H),
                  _full_spec(H, H), _row_spec(1)],
        out_specs=[_row_spec(H), _row_spec(H)],
        out_shape=[jax.ShapeDtypeStruct((N, H), jnp.float32),
                   jax.ShapeDtypeStruct((N, H), jnp.float32)],
    )(h, C, rel, wn, wl, we, norm)


def _tc_layer1(pa, pb, restp, C, rel, wn, wl, we, norm):
    return pl.pallas_call(
        _tc_layer1_body,
        grid=(_GRID,),
        in_specs=[_row_spec(H), _row_spec(H), _row_spec(H),
                  _row_spec(R),
                  _full_spec(R, H), _full_spec(H, H), _full_spec(H, H),
                  _full_spec(H, H), _row_spec(1)],
        out_specs=[_row_spec(H), _row_spec(H)],
        out_shape=[jax.ShapeDtypeStruct((N, H), jnp.float32),
                   jax.ShapeDtypeStruct((N, H), jnp.float32)],
    )(pa, pb, restp, C, rel, wn, wl, we, norm)


def _tc_final(pa, pb, rest, norm):
    return pl.pallas_call(
        _tc_final_body,
        grid=(_GRID,),
        in_specs=[_row_spec(H), _row_spec(H), _row_spec(H), _row_spec(1)],
        out_specs=_row_spec(H),
        out_shape=jax.ShapeDtypeStruct((N, H), jnp.float32),
    )(pa, pb, rest, norm)


@jax.jit
def _run(node_id, edge_index, edge_type, norm, init_ent_emb, init_rel_emb,
         W_neighbor_0, loop_weight_0, evolve_loop_weight_0,
         W_neighbor_1, loop_weight_1, evolve_loop_weight_1):
    h0 = init_ent_emb
    src3 = edge_index[0]
    dst3 = edge_index[1]
    zc = jnp.zeros((WROWS * R,), jnp.float32)
    zs = jnp.zeros((SROWS, H), jnp.float32)

    C = _sc_counts(dst3, edge_type, zc).reshape(NPAD, R)

    hw0, rest0 = _tc_layer0(h0, C, init_rel_emb,
                            W_neighbor_0, loop_weight_0,
                            evolve_loop_weight_0, norm)
    pa0, pb0 = _sc_scatter(hw0, src3, dst3, zs)
    hw1, rest1 = _tc_layer1(pa0, pb0, rest0, C, init_rel_emb,
                            W_neighbor_1, loop_weight_1,
                            evolve_loop_weight_1, norm)
    pa1, pb1 = _sc_scatter(hw1, src3, dst3, zs)
    return _tc_final(pa1, pb1, rest1, norm)


def kernel(node_id, edge_index, edge_type, norm, init_ent_emb, init_rel_emb,
           W_neighbor_0, loop_weight_0, evolve_loop_weight_0,
           W_neighbor_1, loop_weight_1, evolve_loop_weight_1):
    return _run(node_id, edge_index, edge_type, norm, init_ent_emb,
                init_rel_emb, W_neighbor_0, loop_weight_0,
                evolve_loop_weight_0, W_neighbor_1, loop_weight_1,
                evolve_loop_weight_1)

# --- scband reference (transcript-rebuilt; emitter-appended) ---
"""Pipeline reference for scband-rgcncell-19696720020161 (READ-ONLY COPY).

The authoritative reference and input builder live on the scoring server;
editing this copy changes nothing except your own understanding.
"""

import jax, jax.numpy as jnp
import numpy as np

N = 10000
E = 320000
H = 128
R = 200
NUM_LAYERS = 2
# F.rrelu in eval mode: negative slope = (lower + upper) / 2 = (1/8 + 1/3) / 2
RRELU_SLOPE = (1.0 / 8.0 + 1.0 / 3.0) / 2.0


def _xavier_uniform(key, shape, gain):
    fan_in, fan_out = shape
    a = gain * np.sqrt(6.0 / (fan_in + fan_out))
    return jax.random.uniform(key, shape, minval=-a, maxval=a, dtype=jnp.float32)


def setup_inputs(seed: int = 0) -> dict:
    key = jax.random.key(seed)
    ks = jax.random.split(key, 12)
    relu_gain = float(np.sqrt(2.0))
    inp = {
        'node_id': jnp.arange(N, dtype=jnp.int32),
        'edge_index': jax.random.randint(ks[0], (2, E), 0, N, dtype=jnp.int32),
        'edge_type': jax.random.randint(ks[1], (E,), 0, R, dtype=jnp.int32),
        'norm': jax.random.uniform(ks[2], (N, 1), dtype=jnp.float32),
        'init_ent_emb': jax.random.normal(ks[3], (N, H), dtype=jnp.float32),
        'init_rel_emb': jax.random.normal(ks[4], (R, H), dtype=jnp.float32),
        # UnionRGCNLayer parameters, 2 hidden layers (xavier_uniform, relu gain)
        'W_neighbor_0': _xavier_uniform(ks[5], (H, H), relu_gain),
        'loop_weight_0': _xavier_uniform(ks[6], (H, H), relu_gain),
        'evolve_loop_weight_0': _xavier_uniform(ks[7], (H, H), relu_gain),
        'W_neighbor_1': _xavier_uniform(ks[8], (H, H), relu_gain),
        'loop_weight_1': _xavier_uniform(ks[9], (H, H), relu_gain),
        'evolve_loop_weight_1': _xavier_uniform(ks[10], (H, H), relu_gain),
    }
    return inp


def _rrelu_eval(x):
    return jnp.where(x >= 0, x, x * RRELU_SLOPE)


def _union_rgcn_layer(h, edge_src, edge_dst, edge_type, norm, rel_emb, W_n, W_loop, W_evolve):
    # self-loop: nodes with in_degree > 0 use loop_weight, isolated dst nodes use evolve_loop_weight
    in_deg = jnp.zeros((h.shape[0],), dtype=jnp.float32).at[edge_dst].add(1.0)
    loop_evolve = h @ W_evolve
    loop_main = h @ W_loop
    loop_message = jnp.where((in_deg > 0)[:, None], loop_main, loop_evolve)
    # msg_func: (src_h + rel_emb[type]) @ weight_neighbor
    msg = (h[edge_src] + rel_emb[edge_type]) @ W_n
    # fn.sum aggregation (scatter-add to dst)
    agg = jnp.zeros_like(h).at[edge_dst].add(msg)
    # apply_func: h * norm
    node_repr = agg * norm
    node_repr = node_repr + loop_message
    node_repr = _rrelu_eval(node_repr)
    # dropout = 0 -> identity
    return node_repr


def reference(node_id, edge_index, edge_type, norm, init_ent_emb, init_rel_emb,
              W_neighbor_0, loop_weight_0, evolve_loop_weight_0,
              W_neighbor_1, loop_weight_1, evolve_loop_weight_1):
    # encoder_name == 'uvrgcn' branch of RGCNCell.forward
    h = init_ent_emb[node_id]
    edge_src = edge_index[0]
    edge_dst = edge_index[1]
    r = init_rel_emb
    h = _union_rgcn_layer(h, edge_src, edge_dst, edge_type, norm, r,
                          W_neighbor_0, loop_weight_0, evolve_loop_weight_0)
    h = _union_rgcn_layer(h, edge_src, edge_dst, edge_type, norm, r,
                          W_neighbor_1, loop_weight_1, evolve_loop_weight_1)
    return h

if __name__ == "__main__":
    import jax
    _d = setup_inputs()
    print(jax.jit(kernel)(*tuple(_d.values())))

</pallas_src>

<mosaic_0001>
#map = affine_map<(d0, d1) -> (0, 0)>
#map1 = affine_map<(d0, d1) -> (0)>
module attributes {stable_mosaic.version = 14 : i64} {
  func.func @_sc_scatter(%arg0: i32, %arg1: i32, %arg2: memref<10000x128xf32, #tpu.memory_space<hbm>>, %arg3: memref<320000xi32, #tpu.memory_space<hbm>>, %arg4: memref<320000xi32, #tpu.memory_space<hbm>>, %arg5: memref<632x128xf32, #tpu.memory_space<hbm>>, %arg6: memref<10112x128xf32, #tpu.memory_space<hbm>>, %arg7: memref<10112x128xf32, #tpu.memory_space<hbm>>, %arg8: memref<10112x128xf32, #tpu.memory_space<vmem_shared>>, %arg9: memref<2000xi32, #tpu.memory_space<vmem>>, %arg10: memref<2000xi32, #tpu.memory_space<vmem>>, %arg11: memref<80x128xf32, #tpu.memory_space<vmem>>, %arg12: memref<80x128xf32, #tpu.memory_space<vmem>>, %arg13: memref<80x128xf32, #tpu.memory_space<vmem>>, %arg14: memref<80x128xf32, #tpu.memory_space<vmem>>, %arg15: memref<!tpu.dma_semaphore, #tpu.memory_space<semaphore_mem>>, %arg16: memref<!tpu.dma_semaphore, #tpu.memory_space<semaphore_mem>>, %arg17: memref<!tpu.dma_semaphore, #tpu.memory_space<semaphore_mem>>, %arg18: memref<!tpu.dma_semaphore, #tpu.memory_space<semaphore_mem>>) attributes {dimension_semantics = [#tpu.dimension_semantics<core_parallel>, #tpu.dimension_semantics<subcore_parallel>], iteration_bounds = array<i64: 2, 16>, scalar_prefetch = 0 : i64, scratch_operands = 11 : i64, tpu.core_type = #tpu.core_type<sc_vector_subcore>, window_params = [{transform_indices = #map}, {transform_indices = #map1}, {transform_indices = #map1}, {transform_indices = #map}, {transform_indices = #map}, {transform_indices = #map}]} {
    %mul3A = arith.constant 16 : i32
    %mul3A_0 = arith.muli %arg0, %mul3A : i32
    %add3A = arith.addi %mul3A_0, %arg1 : i32
    %mul3A_1 = arith.constant 632 : i32
    %mul3A_2 = arith.muli %arg1, %mul3A_1 : i32
    "tpu.region"() ({
      %run_scoped3A = tpu.sem_alloc : memref<!tpu.dma_semaphore, #tpu.memory_space<semaphore_mem>>
      %dma_start3A = arith.constant 0 : i32
      %dma_start3A_17 = tpu.memref_slice %arg8[%mul3A_2, %dma_start3A] : memref<10112x128xf32, #tpu.memory_space<vmem_shared>> -> memref<632x128xf32, #tpu.memory_space<vmem_shared>>
      tpu.enqueue_dma source(%arg5 : memref<632x128xf32, #tpu.memory_space<hbm>>) target(%dma_start3A_17 : memref<632x128xf32, #tpu.memory_space<vmem_shared>>) target_semaphore(%run_scoped3A : memref<!tpu.dma_semaphore, #tpu.memory_space<semaphore_mem>>)
      %dma_wait3A = arith.constant 0 : i32
      %dma_wait3A_18 = tpu.memref_slice %arg8[%mul3A_2, %dma_wait3A] : memref<10112x128xf32, #tpu.memory_space<vmem_shared>> -> memref<632x128xf32, #tpu.memory_space<vmem_shared>>
      tpu.wait_dma2 semaphore(%run_scoped3A : memref<!tpu.dma_semaphore, #tpu.memory_space<semaphore_mem>>) src(%arg5 : memref<632x128xf32, #tpu.memory_space<hbm>>) dst(%dma_wait3A_18 : memref<632x128xf32, #tpu.memory_space<vmem_shared>>)
      tpu.yield
    }) : () -> ()
    %barrier3A = arith.constant 0 : index
    tpu.barrier barrier_id(%barrier3A)
    %scan3A = arith.constant 0 : i32
    %scan3A_3 = arith.constant 0 : i32
    %scan3A_4 = arith.constant 5 : i32
    %scan3A_5 = arith.addi %scan3A_3, %scan3A_4 : i32
    %scan3A_6 = arith.constant 1 : i32
    %scan3A_7 = scf.for %scan3A_17 = %scan3A_3 to %scan3A_5 step %scan3A_6 iter_args(%scan3A_18 = %scan3A) -> (i32)  : i32 {
      %mul3A_19 = arith.constant 10000 : i32
      %mul3A_20 = arith.muli %add3A, %mul3A_19 : i32
      %mul3A_21 = arith.constant 2000 : i32
      %mul3A_22 = arith.muli %scan3A_17, %mul3A_21 : i32
      %add3A_23 = arith.addi %mul3A_20, %mul3A_22 : i32
      "tpu.region"() ({
        %run_scoped3A = tpu.sem_alloc : memref<!tpu.dma_semaphore, #tpu.memory_space<semaphore_mem>>
        %dma_start3A_55 = tpu.memref_slice %arg3[%add3A_23] : memref<320000xi32, #tpu.memory_space<hbm>> -> memref<2000xi32, #tpu.memory_space<hbm>>
        %dma_start3A_56 = tpu.memref_slice %arg3[%add3A_23] : memref<320000xi32, #tpu.memory_space<hbm>> -> memref<2000xi32, #tpu.memory_space<hbm>>
        tpu.enqueue_dma source(%dma_start3A_56 : memref<2000xi32, #tpu.memory_space<hbm>>) target(%arg9 : memref<2000xi32, #tpu.memory_space<vmem>>) target_semaphore(%run_scoped3A : memref<!tpu.dma_semaphore, #tpu.memory_space<semaphore_mem>>)
        %dma_wait3A_57 = tpu.memref_slice %arg3[%add3A_23] : memref<320000xi32, #tpu.memory_space<hbm>> -> memref<2000xi32, #tpu.memory_space<hbm>>
        %dma_wait3A_58 = tpu.memref_slice %arg3[%add3A_23] : memref<320000xi32, #tpu.memory_space<hbm>> -> memref<2000xi32, #tpu.memory_space<hbm>>
        tpu.wait_dma2 semaphore(%run_scoped3A : memref<!tpu.dma_semaphore, #tpu.memory_space<semaphore_mem>>) src(%dma_wait3A_58 : memref<2000xi32, #tpu.memory_space<hbm>>) dst(%arg9 : memref<2000xi32, #tpu.memory_space<vmem>>)
        tpu.yield
      }) : () -> ()
      "tpu.region"() ({
        %run_scoped3A = tpu.sem_alloc : memref<!tpu.dma_semaphore, #tpu.memory_space<semaphore_mem>>
        %dma_start3A_55 = tpu.memref_slice %arg4[%add3A_23] : memref<320000xi32, #tpu.memory_space<hbm>> -> memref<2000xi32, #tpu.memory_space<hbm>>
        %dma_start3A_56 = tpu.memref_slice %arg4[%add3A_23] : memref<320000xi32, #tpu.memory_space<hbm>> -> memref<2000xi32, #tpu.memory_space<hbm>>
        tpu.enqueue_dma source(%dma_start3A_56 : memref<2000xi32, #tpu.memory_space<hbm>>) target(%arg10 : memref<2000xi32, #tpu.memory_space<vmem>>) target_semaphore(%run_scoped3A : memref<!tpu.dma_semaphore, #tpu.memory_space<semaphore_mem>>)
        %dma_wait3A_57 = tpu.memref_slice %arg4[%add3A_23] : memref<320000xi32, #tpu.memory_space<hbm>> -> memref<2000xi32, #tpu.memory_space<hbm>>
        %dma_wait3A_58 = tpu.memref_slice %arg4[%add3A_23] : memref<320000xi32, #tpu.memory_space<hbm>> -> memref<2000xi32, #tpu.memory_space<hbm>>
        tpu.wait_dma2 semaphore(%run_scoped3A : memref<!tpu.dma_semaphore, #tpu.memory_space<semaphore_mem>>) src(%dma_wait3A_58 : memref<2000xi32, #tpu.memory_space<hbm>>) dst(%arg10 : memref<2000xi32, #tpu.memory_space<vmem>>)
        tpu.yield
      }) : () -> ()
      %dma_start3A = arith.constant 0 : i32
      %dma_start3A_24 = tpu.memref_slice %arg9[%dma_start3A] : memref<2000xi32, #tpu.memory_space<vmem>> -> memref<80xi32, #tpu.memory_space<vmem>>
      %dma_start3A_25 = arith.constant 0 : i32
      %dma_start3A_26 = arith.constant 0 : i32
      %dma_start3A_27 = tpu.memref_slice %arg2[%dma_start3A_25, %dma_start3A_26] : memref<10000x128xf32, #tpu.memory_space<hbm>> -> memref<10000x128xf32, #tpu.memory_space<hbm>>
      tpu.enqueue_indirect_dma source(%dma_start3A_27 : memref<10000x128xf32, #tpu.memory_space<hbm>>) target(%arg11 : memref<80x128xf32, #tpu.memory_space<vmem>>) offsets(%dma_start3A_24 : memref<80xi32, #tpu.memory_space<vmem>>) semaphore(%arg15 : memref<!tpu.dma_semaphore, #tpu.memory_space<semaphore_mem>>)
      %dma_start3A_28 = arith.constant 80 : i32
      %dma_start3A_29 = tpu.memref_slice %arg9[%dma_start3A_28] : memref<2000xi32, #tpu.memory_space<vmem>> -> memref<80xi32, #tpu.memory_space<vmem>>
      %dma_start3A_30 = arith.constant 0 : i32
      %dma_start3A_31 = arith.constant 0 : i32
      %dma_start3A_32 = tpu.memref_slice %arg2[%dma_start3A_30, %dma_start3A_31] : memref<10000x128xf32, #tpu.memory_space<hbm>> -> memref<10000x128xf32, #tpu.memory_space<hbm>>
      tpu.enqueue_indirect_dma source(%dma_start3A_32 : memref<10000x128xf32, #tpu.memory_space<hbm>>) target(%arg12 : memref<80x128xf32, #tpu.memory_space<vmem>>) offsets(%dma_start3A_29 : memref<80xi32, #tpu.memory_space<vmem>>) semaphore(%arg16 : memref<!tpu.dma_semaphore, #tpu.memory_space<semaphore_mem>>)
      %dma_start3A_33 = arith.constant 160 : i32
      %dma_start3A_34 = tpu.memref_slice %arg9[%dma_start3A_33] : memref<2000xi32, #tpu.memory_space<vmem>> -> memref<80xi32, #tpu.memory_space<vmem>>
      %dma_start3A_35 = arith.constant 0 : i32
      %dma_start3A_36 = arith.constant 0 : i32
      %dma_start3A_37 = tpu.memref_slice %arg2[%dma_start3A_35, %dma_start3A_36] : memref<10000x128xf32, #tpu.memory_space<hbm>> -> memref<10000x128xf32, #tpu.memory_space<hbm>>
      tpu.enqueue_indirect_dma source(%dma_start3A_37 : memref<10000x128xf32, #tpu.memory_space<hbm>>) target(%arg13 : memref<80x128xf32, #tpu.memory_space<vmem>>) offsets(%dma_start3A_34 : memref<80xi32, #tpu.memory_space<vmem>>) semaphore(%arg17 : memref<!tpu.dma_semaphore, #tpu.memory_space<semaphore_mem>>)
      %dma_start3A_38 = arith.constant 240 : i32
      %dma_start3A_39 = tpu.memref_slice %arg9[%dma_start3A_38] : memref<2000xi32, #tpu.memory_space<vmem>> -> memref<80xi32, #tpu.memory_space<vmem>>
      %dma_start3A_40 = arith.constant 0 : i32
      %dma_start3A_41 = arith.constant 0 : i32
      %dma_start3A_42 = tpu.memref_slice %arg2[%dma_start3A_40, %dma_start3A_41] : memref<10000x128xf32, #tpu.memory_space<hbm>> -> memref<10000x128xf32, #tpu.memory_space<hbm>>
      tpu.enqueue_indirect_dma source(%dma_start3A_42 : memref<10000x128xf32, #tpu.memory_space<hbm>>) target(%arg14 : memref<80x128xf32, #tpu.memory_space<vmem>>) offsets(%dma_start3A_39 : memref<80xi32, #tpu.memory_space<vmem>>) semaphore(%arg18 : memref<!tpu.dma_semaphore, #tpu.memory_space<semaphore_mem>>)
      %scan3A_43 = arith.constant 0 : i32
      %scan3A_44 = arith.constant 0 : i32
      %scan3A_45 = arith.constant 6 : i32
      %scan3A_46 = arith.addi %scan3A_44, %scan3A_45 : i32
      %scan3A_47 = arith.constant 1 : i32
      %scan3A_48 = scf.for %scan3A_55 = %scan3A_44 to %scan3A_46 step %scan3A_47 iter_args(%scan3A_56 = %scan3A_43) -> (i32)  : i32 {
        %mul3A_57 = arith.constant 4 : i32
        %mul3A_58 = arith.muli %scan3A_55, %mul3A_57 : i32
        %add3A_59 = arith.constant 0 : i32
        %add3A_60 = arith.addi %mul3A_58, %add3A_59 : i32
        %mul3A_61 = arith.constant 80 : i32
        %mul3A_62 = arith.muli %add3A_60, %mul3A_61 : i32
        %dma_wait3A_63 = tpu.memref_slice %arg9[%mul3A_62] : memref<2000xi32, #tpu.memory_space<vmem>> -> memref<80xi32, #tpu.memory_space<vmem>>
        %dma_wait3A_64 = arith.constant 0 : i32
        %dma_wait3A_65 = arith.constant 0 : i32
        %dma_wait3A_66 = tpu.memref_slice %arg2[%dma_wait3A_64, %dma_wait3A_65] : memref<10000x128xf32, #tpu.memory_space<hbm>> -> memref<10000x128xf32, #tpu.memory_space<hbm>>
        tpu.wait_indirect_dma semaphore(%arg15 : memref<!tpu.dma_semaphore, #tpu.memory_space<semaphore_mem>>) src(%dma_wait3A_66 : memref<10000x128xf32, #tpu.memory_space<hbm>>) dst(%arg11 : memref<80x128xf32, #tpu.memory_space<vmem>>)
        %add3A_67 = arith.constant 0 : i32
        %add3A_68 = arith.addi %mul3A_58, %add3A_67 : i32
        %mul3A_69 = arith.constant 80 : i32
        %mul3A_70 = arith.muli %add3A_68, %mul3A_69 : i32
        "tpu.region"() ({
          %run_scoped3A = tpu.sem_alloc : memref<!tpu.dma_semaphore, #tpu.memory_space<semaphore_mem>>
          %dma_start3A_143 = tpu.memref_slice %arg10[%mul3A_70] : memref<2000xi32, #tpu.memory_space<vmem>> -> memref<80xi32, #tpu.memory_space<vmem>>
          %dma_start3A_144 = arith.constant 0 : i32
          %dma_start3A_145 = arith.constant 0 : i32
          %dma_start3A_146 = tpu.memref_slice %arg8[%dma_start3A_144, %dma_start3A_145] : memref<10112x128xf32, #tpu.memory_space<vmem_shared>> -> memref<10112x128xf32, #tpu.memory_space<vmem_shared>>
          tpu.enqueue_indirect_dma source(%arg11 : memref<80x128xf32, #tpu.memory_space<vmem>>) target(%dma_start3A_146 : memref<10112x128xf32, #tpu.memory_space<vmem_shared>>) offsets(%dma_start3A_143 : memref<80xi32, #tpu.memory_space<vmem>>) semaphore(%run_scoped3A : memref<!tpu.dma_semaphore, #tpu.memory_space<semaphore_mem>>) {add = true}
          %dma_wait3A_147 = tpu.memref_slice %arg10[%mul3A_70] : memref<2000xi32, #tpu.memory_space<vmem>> -> memref<80xi32, #tpu.memory_space<vmem>>
          %dma_wait3A_148 = arith.constant 0 : i32
          %dma_wait3A_149 = arith.constant 0 : i32
          %dma_wait3A_150 = tpu.memref_slice %arg8[%dma_wait3A_148, %dma_wait3A_149] : memref<10112x128xf32, #tpu.memory_space<vmem_shared>> -> memref<10112x128xf32, #tpu.memory_space<vmem_shared>>
          tpu.wait_indirect_dma semaphore(%run_scoped3A : memref<!tpu.dma_semaphore, #tpu.memory_space<semaphore_mem>>) src(%arg11 : memref<80x128xf32, #tpu.memory_space<vmem>>) dst(%dma_wait3A_150 : memref<10112x128xf32, #tpu.memory_space<vmem_shared>>)
          tpu.yield
        }) : () -> ()
        %add3A_71 = arith.constant 0 : i32
        %add3A_72 = arith.addi %mul3A_58, %add3A_71 : i32
        %add3A_73 = arith.constant 4 : i32
        %add3A_74 = arith.addi %add3A_72, %add3A_73 : i32
        %lt3A = arith.constant 25 : i32
        %lt3A_75 = arith.cmpi slt, %add3A_74, %lt3A : i32
        %convert_element_type3A_76 = arith.extui %lt3A_75 : i1 to i32
        %cond3A_77 = arith.constant 0 : i32
        %cond3A_78 = arith.cmpi ne, %convert_element_type3A_76, %cond3A_77 : i32
        scf.if %cond3A_78 {
          %add3A_143 = arith.constant 0 : i32
          %add3A_144 = arith.addi %mul3A_58, %add3A_143 : i32
          %add3A_145 = arith.constant 4 : i32
          %add3A_146 = arith.addi %add3A_144, %add3A_145 : i32
          %mul3A_147 = arith.constant 80 : i32
          %mul3A_148 = arith.muli %add3A_146, %mul3A_147 : i32
          %dma_start3A_149 = tpu.memref_slice %arg9[%mul3A_148] : memref<2000xi32, #tpu.memory_space<vmem>> -> memref<80xi32, #tpu.memory_space<vmem>>
          %dma_start3A_150 = arith.constant 0 : i32
          %dma_start3A_151 = arith.constant 0 : i32
          %dma_start3A_152 = tpu.memref_slice %arg2[%dma_start3A_150, %dma_start3A_151] : memref<10000x128xf32, #tpu.memory_space<hbm>> -> memref<10000x128xf32, #tpu.memory_space<hbm>>
          tpu.enqueue_indirect_dma source(%dma_start3A_152 : memref<10000x128xf32, #tpu.memory_space<hbm>>) target(%arg11 : memref<80x128xf32, #tpu.memory_space<vmem>>) offsets(%dma_start3A_149 : memref<80xi32, #tpu.memory_space<vmem>>) semaphore(%arg15 : memref<!tpu.dma_semaphore, #tpu.memory_space<semaphore_mem>>)
        } else {
        }
        %add3A_79 = arith.constant 1 : i32
        %add3A_80 = arith.addi %mul3A_58, %add3A_79 : i32
        %mul3A_81 = arith.constant 80 : i32
        %mul3A_82 = arith.muli %add3A_80, %mul3A_81 : i32
        %dma_wait3A_83 = tpu.memref_slice %arg9[%mul3A_82] : memref<2000xi32, #tpu.memory_space<vmem>> -> memref<80xi32, #tpu.memory_space<vmem>>
        %dma_wait3A_84 = arith.constant 0 : i32
        %dma_wait3A_85 = arith.constant 0 : i32
        %dma_wait3A_86 = tpu.memref_slice %arg2[%dma_wait3A_84, %dma_wait3A_85] : memref<10000x128xf32, #tpu.memory_space<hbm>> -> memref<10000x128xf32, #tpu.memory_space<hbm>>
        tpu.wait_indirect_dma semaphore(%arg16 : memref<!tpu.dma_semaphore, #tpu.memory_space<semaphore_mem>>) src(%dma_wait3A_86 : memref<10000x128xf32, #tpu.memory_space<hbm>>) dst(%arg12 : memref<80x128xf32, #tpu.memory_space<vmem>>)
        %add3A_87 = arith.constant 1 : i32
        %add3A_88 = arith.addi %mul3A_58, %add3A_87 : i32
        %mul3A_89 = arith.constant 80 : i32
        %mul3A_90 = arith.muli %add3A_88, %mul3A_89 : i32
        "tpu.region"() ({
          %run_scoped3A = tpu.sem_alloc : memref<!tpu.dma_semaphore, #tpu.memory_space<semaphore_mem>>
          %dma_start3A_143 = tpu.memref_slice %arg10[%mul3A_90] : memref<2000xi32, #tpu.memory_space<vmem>> -> memref<80xi32, #tpu.memory_space<vmem>>
          %dma_start3A_144 = arith.constant 0 : i32
          %dma_start3A_145 = arith.constant 0 : i32
          %dma_start3A_146 = tpu.memref_slice %arg8[%dma_start3A_144, %dma_start3A_145] : memref<10112x128xf32, #tpu.memory_space<vmem_shared>> -> memref<10112x128xf32, #tpu.memory_space<vmem_shared>>
          tpu.enqueue_indirect_dma source(%arg12 : memref<80x128xf32, #tpu.memory_space<vmem>>) target(%dma_start3A_146 : memref<10112x128xf32, #tpu.memory_space<vmem_shared>>) offsets(%dma_start3A_143 : memref<80xi32, #tpu.memory_space<vmem>>) semaphore(%run_scoped3A : memref<!tpu.dma_semaphore, #tpu.memory_space<semaphore_mem>>) {add = true}
          %dma_wait3A_147 = tpu.memref_slice %arg10[%mul3A_90] : memref<2000xi32, #tpu.memory_space<vmem>> -> memref<80xi32, #tpu.memory_space<vmem>>
          %dma_wait3A_148 = arith.constant 0 : i32
          %dma_wait3A_149 = arith.constant 0 : i32
          %dma_wait3A_150 = tpu.memref_slice %arg8[%dma_wait3A_148, %dma_wait3A_149] : memref<10112x128xf32, #tpu.memory_space<vmem_shared>> -> memref<10112x128xf32, #tpu.memory_space<vmem_shared>>
          tpu.wait_indirect_dma semaphore(%run_scoped3A : memref<!tpu.dma_semaphore, #tpu.memory_space<semaphore_mem>>) src(%arg12 : memref<80x128xf32, #tpu.memory_space<vmem>>) dst(%dma_wait3A_150 : memref<10112x128xf32, #tpu.memory_space<vmem_shared>>)
          tpu.yield
        }) : () -> ()
        %add3A_91 = arith.constant 1 : i32
        %add3A_92 = arith.addi %mul3A_58, %add3A_91 : i32
        %add3A_93 = arith.constant 4 : i32
        %add3A_94 = arith.addi %add3A_92, %add3A_93 : i32
        %lt3A_95 = arith.constant 25 : i32
        %lt3A_96 = arith.cmpi slt, %add3A_94, %lt3A_95 : i32
        %convert_element_type3A_97 = arith.extui %lt3A_96 : i1 to i32
        %cond3A_98 = arith.constant 0 : i32
        %cond3A_99 = arith.cmpi ne, %convert_element_type3A_97, %cond3A_98 : i32
        scf.if %cond3A_99 {
          %add3A_143 = arith.constant 1 : i32
          %add3A_144 = arith.addi %mul3A_58, %add3A_143 : i32
          %add3A_145 = arith.constant 4 : i32
          %add3A_146 = arith.addi %add3A_144, %add3A_145 : i32
          %mul3A_147 = arith.constant 80 : i32
          %mul3A_148 = arith.muli %add3A_146, %mul3A_147 : i32
          %dma_start3A_149 = tpu.memref_slice %arg9[%mul3A_148] : memref<2000xi32, #tpu.memory_space<vmem>> -> memref<80xi32, #tpu.memory_space<vmem>>
          %dma_start3A_150 = arith.constant 0 : i32
          %dma_start3A_151 = arith.constant 0 : i32
          %dma_start3A_152 = tpu.memref_slice %arg2[%dma_start3A_150, %dma_start3A_151] : memref<10000x128xf32, #tpu.memory_space<hbm>> -> memref<10000x128xf32, #tpu.memory_space<hbm>>
          tpu.enqueue_indirect_dma source(%dma_start3A_152 : memref<10000x128xf32, #tpu.memory_space<hbm>>) target(%arg12 : memref<80x128xf32, #tpu.memory_space<vmem>>) offsets(%dma_start3A_149 : memref<80xi32, #tpu.memory_space<vmem>>) semaphore(%arg16 : memref<!tpu.dma_semaphore, #tpu.memory_space<semaphore_mem>>)
        } else {
        }
        %add3A_100 = arith.constant 2 : i32
        %add3A_101 = arith.addi %mul3A_58, %add3A_100 : i32
        %mul3A_102 = arith.constant 80 : i32
        %mul3A_103 = arith.muli %add3A_101, %mul3A_102 : i32
        %dma_wait3A_104 = tpu.memref_slice %arg9[%mul3A_103] : memref<2000xi32, #tpu.memory_space<vmem>> -> memref<80xi32, #tpu.memory_space<vmem>>
        %dma_wait3A_105 = arith.constant 0 : i32
        %dma_wait3A_106 = arith.constant 0 : i32
        %dma_wait3A_107 = tpu.memref_slice %arg2[%dma_wait3A_105, %dma_wait3A_106] : memref<10000x128xf32, #tpu.memory_space<hbm>> -> memref<10000x128xf32, #tpu.memory_space<hbm>>
        tpu.wait_indirect_dma semaphore(%arg17 : memref<!tpu.dma_semaphore, #tpu.memory_space<semaphore_mem>>) src(%dma_wait3A_107 : memref<10000x128xf32, #tpu.memory_space<hbm>>) dst(%arg13 : memref<80x128xf32, #tpu.memory_space<vmem>>)
        %add3A_108 = arith.constant 2 : i32
        %add3A_109 = arith.addi %mul3A_58, %add3A_108 : i32
        %mul3A_110 = arith.constant 80 : i32
        %mul3A_111 = arith.muli %add3A_109, %mul3A_110 : i32
        "tpu.region"() ({
          %run_scoped3A = tpu.sem_alloc : memref<!tpu.dma_semaphore, #tpu.memory_space<semaphore_mem>>
          %dma_start3A_143 = tpu.memref_slice %arg10[%mul3A_111] : memref<2000xi32, #tpu.memory_space<vmem>> -> memref<80xi32, #tpu.memory_space<vmem>>
          %dma_start3A_144 = arith.constant 0 : i32
          %dma_start3A_145 = arith.constant 0 : i32
          %dma_start3A_146 = tpu.memref_slice %arg8[%dma_start3A_144, %dma_start3A_145] : memref<10112x128xf32, #tpu.memory_space<vmem_shared>> -> memref<10112x128xf32, #tpu.memory_space<vmem_shared>>
          tpu.enqueue_indirect_dma source(%arg13 : memref<80x128xf32, #tpu.memory_space<vmem>>) target(%dma_start3A_146 : memref<10112x128xf32, #tpu.memory_space<vmem_shared>>) offsets(%dma_start3A_143 : memref<80xi32, #tpu.memory_space<vmem>>) semaphore(%run_scoped3A : memref<!tpu.dma_semaphore, #tpu.memory_space<semaphore_mem>>) {add = true}
          %dma_wait3A_147 = tpu.memref_slice %arg10[%mul3A_111] : memref<2000xi32, #tpu.memory_space<vmem>> -> memref<80xi32, #tpu.memory_space<vmem>>
          %dma_wait3A_148 = arith.constant 0 : i32
          %dma_wait3A_149 = arith.constant 0 : i32
          %dma_wait3A_150 = tpu.memref_slice %arg8[%dma_wait3A_148, %dma_wait3A_149] : memref<10112x128xf32, #tpu.memory_space<vmem_shared>> -> memref<10112x128xf32, #tpu.memory_space<vmem_shared>>
          tpu.wait_indirect_dma semaphore(%run_scoped3A : memref<!tpu.dma_semaphore, #tpu.memory_space<semaphore_mem>>) src(%arg13 : memref<80x128xf32, #tpu.memory_space<vmem>>) dst(%dma_wait3A_150 : memref<10112x128xf32, #tpu.memory_space<vmem_shared>>)
          tpu.yield
        }) : () -> ()
        %add3A_112 = arith.constant 2 : i32
        %add3A_113 = arith.addi %mul3A_58, %add3A_112 : i32
        %add3A_114 = arith.constant 4 : i32
        %add3A_115 = arith.addi %add3A_113, %add3A_114 : i32
        %lt3A_116 = arith.constant 25 : i32
        %lt3A_117 = arith.cmpi slt, %add3A_115, %lt3A_116 : i32
        %convert_element_type3A_118 = arith.extui %lt3A_117 : i1 to i32
        %cond3A_119 = arith.constant 0 : i32
        %cond3A_120 = arith.cmpi ne, %convert_element_type3A_118, %cond3A_119 : i32
        scf.if %cond3A_120 {
          %add3A_143 = arith.constant 2 : i32
          %add3A_144 = arith.addi %mul3A_58, %add3A_143 : i32
          %add3A_145 = arith.constant 4 : i32
          %add3A_146 = arith.addi %add3A_144, %add3A_145 : i32
          %mul3A_147 = arith.constant 80 : i32
          %mul3A_148 = arith.muli %add3A_146, %mul3A_147 : i32
          %dma_start3A_149 = tpu.memref_slice %arg9[%mul3A_148] : memref<2000xi32, #tpu.memory_space<vmem>> -> memref<80xi32, #tpu.memory_space<vmem>>
          %dma_start3A_150 = arith.constant 0 : i32
          %dma_start3A_151 = arith.constant 0 : i32
          %dma_start3A_152 = tpu.memref_slice %arg2[%dma_start3A_150, %dma_start3A_151] : memref<10000x128xf32, #tpu.memory_space<hbm>> -> memref<10000x128xf32, #tpu.memory_space<hbm>>
          tpu.enqueue_indirect_dma source(%dma_start3A_152 : memref<10000x128xf32, #tpu.memory_space<hbm>>) target(%arg13 : memref<80x128xf32, #tpu.memory_space<vmem>>) offsets(%dma_start3A_149 : memref<80xi32, #tpu.memory_space<vmem>>) semaphore(%arg17 : memref<!tpu.dma_semaphore, #tpu.memory_space<semaphore_mem>>)
        } else {
        }
        %add3A_121 = arith.constant 3 : i32
        %add3A_122 = arith.addi %mul3A_58, %add3A_121 : i32
        %mul3A_123 = arith.constant 80 : i32
        %mul3A_124 = arith.muli %add3A_122, %mul3A_123 : i32
        %dma_wait3A_125 = tpu.memref_slice %arg9[%mul3A_124] : memref<2000xi32, #tpu.memory_space<vmem>> -> memref<80xi32, #tpu.memory_space<vmem>>
        %dma_wait3A_126 = arith.constant 0 : i32
        %dma_wait3A_127 = arith.constant 0 : i32
        %dma_wait3A_128 = tpu.memref_slice %arg2[%dma_wait3A_126, %dma_wait3A_127] : memref<10000x128xf32, #tpu.memory_space<hbm>> -> memref<10000x128xf32, #tpu.memory_space<hbm>>
        tpu.wait_indirect_dma semaphore(%arg18 : memref<!tpu.dma_semaphore, #tpu.memory_space<semaphore_mem>>) src(%dma_wait3A_128 : memref<10000x128xf32, #tpu.memory_space<hbm>>) dst(%arg14 : memref<80x128xf32, #tpu.memory_space<vmem>>)
        %add3A_129 = arith.constant 3 : i32
        %add3A_130 = arith.addi %mul3A_58, %add3A_129 : i32
        %mul3A_131 = arith.constant 80 : i32
        %mul3A_132 = arith.muli %add3A_130, %mul3A_131 : i32
        "tpu.region"() ({
          %run_scoped3A = tpu.sem_alloc : memref<!tpu.dma_semaphore, #tpu.memory_space<semaphore_mem>>
          %dma_start3A_143 = tpu.memref_slice %arg10[%mul3A_132] : memref<2000xi32, #tpu.memory_space<vmem>> -> memref<80xi32, #tpu.memory_space<vmem>>
          %dma_start3A_144 = arith.constant 0 : i32
          %dma_start3A_145 = arith.constant 0 : i32
          %dma_start3A_146 = tpu.memref_slice %arg8[%dma_start3A_144, %dma_start3A_145] : memref<10112x128xf32, #tpu.memory_space<vmem_shared>> -> memref<10112x128xf32, #tpu.memory_space<vmem_shared>>
          tpu.enqueue_indirect_dma source(%arg14 : memref<80x128xf32, #tpu.memory_space<vmem>>) target(%dma_start3A_146 : memref<10112x128xf32, #tpu.memory_space<vmem_shared>>) offsets(%dma_start3A_143 : memref<80xi32, #tpu.memory_space<vmem>>) semaphore(%run_scoped3A : memref<!tpu.dma_semaphore, #tpu.memory_space<semaphore_mem>>) {add = true}
          %dma_wait3A_147 = tpu.memref_slice %arg10[%mul3A_132] : memref<2000xi32, #tpu.memory_space<vmem>> -> memref<80xi32, #tpu.memory_space<vmem>>
          %dma_wait3A_148 = arith.constant 0 : i32
          %dma_wait3A_149 = arith.constant 0 : i32
          %dma_wait3A_150 = tpu.memref_slice %arg8[%dma_wait3A_148, %dma_wait3A_149] : memref<10112x128xf32, #tpu.memory_space<vmem_shared>> -> memref<10112x128xf32, #tpu.memory_space<vmem_shared>>
          tpu.wait_indirect_dma semaphore(%run_scoped3A : memref<!tpu.dma_semaphore, #tpu.memory_space<semaphore_mem>>) src(%arg14 : memref<80x128xf32, #tpu.memory_space<vmem>>) dst(%dma_wait3A_150 : memref<10112x128xf32, #tpu.memory_space<vmem_shared>>)
          tpu.yield
        }) : () -> ()
        %add3A_133 = arith.constant 3 : i32
        %add3A_134 = arith.addi %mul3A_58, %add3A_133 : i32
        %add3A_135 = arith.constant 4 : i32
        %add3A_136 = arith.addi %add3A_134, %add3A_135 : i32
        %lt3A_137 = arith.constant 25 : i32
        %lt3A_138 = arith.cmpi slt, %add3A_136, %lt3A_137 : i32
        %convert_element_type3A_139 = arith.extui %lt3A_138 : i1 to i32
        %cond3A_140 = arith.constant 0 : i32
        %cond3A_141 = arith.cmpi ne, %convert_element_type3A_139, %cond3A_140 : i32
        scf.if %cond3A_141 {
          %add3A_143 = arith.constant 3 : i32
          %add3A_144 = arith.addi %mul3A_58, %add3A_143 : i32
          %add3A_145 = arith.constant 4 : i32
          %add3A_146 = arith.addi %add3A_144, %add3A_145 : i32
          %mul3A_147 = arith.constant 80 : i32
          %mul3A_148 = arith.muli %add3A_146, %mul3A_147 : i32
          %dma_start3A_149 = tpu.memref_slice %arg9[%mul3A_148] : memref<2000xi32, #tpu.memory_space<vmem>> -> memref<80xi32, #tpu.memory_space<vmem>>
          %dma_start3A_150 = arith.constant 0 : i32
          %dma_start3A_151 = arith.constant 0 : i32
          %dma_start3A_152 = tpu.memref_slice %arg2[%dma_start3A_150, %dma_start3A_151] : memref<10000x128xf32, #tpu.memory_space<hbm>> -> memref<10000x128xf32, #tpu.memory_space<hbm>>
          tpu.enqueue_indirect_dma source(%dma_start3A_152 : memref<10000x128xf32, #tpu.memory_space<hbm>>) target(%arg14 : memref<80x128xf32, #tpu.memory_space<vmem>>) offsets(%dma_start3A_149 : memref<80xi32, #tpu.memory_space<vmem>>) semaphore(%arg18 : memref<!tpu.dma_semaphore, #tpu.memory_space<semaphore_mem>>)
        } else {
        }
        %scan3A_142 = arith.constant 0 : i32
        scf.yield %scan3A_142 : i32
      }
      %scan3A_49 = arith.constant 6 : i32
      %dma_wait3A = arith.constant 1920 : i32
      %dma_wait3A_50 = tpu.memref_slice %arg9[%dma_wait3A] : memref<2000xi32, #tpu.memory_space<vmem>> -> memref<80xi32, #tpu.memory_space<vmem>>
      %dma_wait3A_51 = arith.constant 0 : i32
      %dma_wait3A_52 = arith.constant 0 : i32
      %dma_wait3A_53 = tpu.memref_slice %arg2[%dma_wait3A_51, %dma_wait3A_52] : memref<10000x128xf32, #tpu.memory_space<hbm>> -> memref<10000x128xf32, #tpu.memory_space<hbm>>
      tpu.wait_indirect_dma semaphore(%arg15 : memref<!tpu.dma_semaphore, #tpu.memory_space<semaphore_mem>>) src(%dma_wait3A_53 : memref<10000x128xf32, #tpu.memory_space<hbm>>) dst(%arg11 : memref<80x128xf32, #tpu.memory_space<vmem>>)
      "tpu.region"() ({
        %run_scoped3A = tpu.sem_alloc : memref<!tpu.dma_semaphore, #tpu.memory_space<semaphore_mem>>
        %dma_start3A_55 = arith.constant 1920 : i32
        %dma_start3A_56 = tpu.memref_slice %arg10[%dma_start3A_55] : memref<2000xi32, #tpu.memory_space<vmem>> -> memref<80xi32, #tpu.memory_space<vmem>>
        %dma_start3A_57 = arith.constant 0 : i32
        %dma_start3A_58 = arith.constant 0 : i32
        %dma_start3A_59 = tpu.memref_slice %arg8[%dma_start3A_57, %dma_start3A_58] : memref<10112x128xf32, #tpu.memory_space<vmem_shared>> -> memref<10112x128xf32, #tpu.memory_space<vmem_shared>>
        tpu.enqueue_indirect_dma source(%arg11 : memref<80x128xf32, #tpu.memory_space<vmem>>) target(%dma_start3A_59 : memref<10112x128xf32, #tpu.memory_space<vmem_shared>>) offsets(%dma_start3A_56 : memref<80xi32, #tpu.memory_space<vmem>>) semaphore(%run_scoped3A : memref<!tpu.dma_semaphore, #tpu.memory_space<semaphore_mem>>) {add = true}
        %dma_wait3A_60 = arith.constant 1920 : i32
        %dma_wait3A_61 = tpu.memref_slice %arg10[%dma_wait3A_60] : memref<2000xi32, #tpu.memory_space<vmem>> -> memref<80xi32, #tpu.memory_space<vmem>>
        %dma_wait3A_62 = arith.constant 0 : i32
        %dma_wait3A_63 = arith.constant 0 : i32
        %dma_wait3A_64 = tpu.memref_slice %arg8[%dma_wait3A_62, %dma_wait3A_63] : memref<10112x128xf32, #tpu.memory_space<vmem_shared>> -> memref<10112x128xf32, #tpu.memory_space<vmem_shared>>
        tpu.wait_indirect_dma semaphore(%run_scoped3A : memref<!tpu.dma_semaphore, #tpu.memory_space<semaphore_mem>>) src(%arg11 : memref<80x128xf32, #tpu.memory_space<vmem>>) dst(%dma_wait3A_64 : memref<10112x128xf32, #tpu.memory_space<vmem_shared>>)
        tpu.yield
      }) : () -> ()
      %scan3A_54 = arith.constant 0 : i32
      scf.yield %scan3A_54 : i32
    }
    %scan3A_8 = arith.constant 5 : i32
    %barrier3A_9 = arith.constant 0 : index
    tpu.barrier barrier_id(%barrier3A_9)
    %eq3A = arith.constant 0 : i32
    %eq3A_10 = arith.cmpi eq, %arg0, %eq3A : i32
    %convert_element_type3A = arith.extui %eq3A_10 : i1 to i32
    %cond3A = arith.constant 0 : i32
    %cond3A_11 = arith.cmpi ne, %convert_element_type3A, %cond3A : i32
    scf.if %cond3A_11 {
      %mul3A_17 = arith.constant 632 : i32
      %mul3A_18 = arith.muli %arg1, %mul3A_17 : i32
      %mul3A_19 = arith.constant 632 : i32
      %mul3A_20 = arith.muli %arg1, %mul3A_19 : i32
      "tpu.region"() ({
        %run_scoped3A = tpu.sem_alloc : memref<!tpu.dma_semaphore, #tpu.memory_space<semaphore_mem>>
        %dma_start3A = arith.constant 0 : i32
        %dma_start3A_21 = tpu.memref_slice %arg6[%mul3A_20, %dma_start3A] : memref<10112x128xf32, #tpu.memory_space<hbm>> -> memref<632x128xf32, #tpu.memory_space<hbm>>
        %dma_start3A_22 = arith.constant 0 : i32
        %dma_start3A_23 = tpu.memref_slice %arg8[%mul3A_18, %dma_start3A_22] : memref<10112x128xf32, #tpu.memory_space<vmem_shared>> -> memref<632x128xf32, #tpu.memory_space<vmem_shared>>
        tpu.enqueue_dma source(%dma_start3A_23 : memref<632x128xf32, #tpu.memory_space<vmem_shared>>) target(%dma_start3A_21 : memref<632x128xf32, #tpu.memory_space<hbm>>) target_semaphore(%run_scoped3A : memref<!tpu.dma_semaphore, #tpu.memory_space<semaphore_mem>>)
        %dma_wait3A = arith.constant 0 : i32
        %dma_wait3A_24 = tpu.memref_slice %arg6[%mul3A_20, %dma_wait3A] : memref<10112x128xf32, #tpu.memory_space<hbm>> -> memref<632x128xf32, #tpu.memory_space<hbm>>
        %dma_wait3A_25 = arith.constant 0 : i32
        %dma_wait3A_26 = tpu.memref_slice %arg8[%mul3A_18, %dma_wait3A_25] : memref<10112x128xf32, #tpu.memory_space<vmem_shared>> -> memref<632x128xf32, #tpu.memory_space<vmem_shared>>
        tpu.wait_dma2 semaphore(%run_scoped3A : memref<!tpu.dma_semaphore, #tpu.memory_space<semaphore_mem>>) src(%dma_wait3A_26 : memref<632x128xf32, #tpu.memory_space<vmem_shared>>) dst(%dma_wait3A_24 : memref<632x128xf32, #tpu.memory_space<hbm>>)
        tpu.yield
      }) : () -> ()
    } else {
    }
    %eq3A_12 = arith.constant 1 : i32
    %eq3A_13 = arith.cmpi eq, %arg0, %eq3A_12 : i32
    %convert_element_type3A_14 = arith.extui %eq3A_13 : i1 to i32
    %cond3A_15 = arith.constant 0 : i32
    %cond3A_16 = arith.cmpi ne, %convert_element_type3A_14, %cond3A_15 : i32
    scf.if %cond3A_16 {
      %mul3A_17 = arith.constant 632 : i32
      %mul3A_18 = arith.muli %arg1, %mul3A_17 : i32
      %mul3A_19 = arith.constant 632 : i32
      %mul3A_20 = arith.muli %arg1, %mul3A_19 : i32
      "tpu.region"() ({
        %run_scoped3A = tpu.sem_alloc : memref<!tpu.dma_semaphore, #tpu.memory_space<semaphore_mem>>
        %dma_start3A = arith.constant 0 : i32
        %dma_start3A_21 = tpu.memref_slice %arg7[%mul3A_20, %dma_start3A] : memref<10112x128xf32, #tpu.memory_space<hbm>> -> memref<632x128xf32, #tpu.memory_space<hbm>>
        %dma_start3A_22 = arith.constant 0 : i32
        %dma_start3A_23 = tpu.memref_slice %arg8[%mul3A_18, %dma_start3A_22] : memref<10112x128xf32, #tpu.memory_space<vmem_shared>> -> memref<632x128xf32, #tpu.memory_space<vmem_shared>>
        tpu.enqueue_dma source(%dma_start3A_23 : memref<632x128xf32, #tpu.memory_space<vmem_shared>>) target(%dma_start3A_21 : memref<632x128xf32, #tpu.memory_space<hbm>>) target_semaphore(%run_scoped3A : memref<!tpu.dma_semaphore, #tpu.memory_space<semaphore_mem>>)
        %dma_wait3A = arith.constant 0 : i32
        %dma_wait3A_24 = tpu.memref_slice %arg7[%mul3A_20, %dma_wait3A] : memref<10112x128xf32, #tpu.memory_space<hbm>> -> memref<632x128xf32, #tpu.memory_space<hbm>>
        %dma_wait3A_25 = arith.constant 0 : i32
        %dma_wait3A_26 = tpu.memref_slice %arg8[%mul3A_18, %dma_wait3A_25] : memref<10112x128xf32, #tpu.memory_space<vmem_shared>> -> memref<632x128xf32, #tpu.memory_space<vmem_shared>>
        tpu.wait_dma2 semaphore(%run_scoped3A : memref<!tpu.dma_semaphore, #tpu.memory_space<semaphore_mem>>) src(%dma_wait3A_26 : memref<632x128xf32, #tpu.memory_space<vmem_shared>>) dst(%dma_wait3A_24 : memref<632x128xf32, #tpu.memory_space<hbm>>)
        tpu.yield
      }) : () -> ()
    } else {
    }
    return
  }
}

#map = affine_map<(d0, d1) -> (0)>
module attributes {stable_mosaic.version = 14 : i64} {
  func.func @_sc_counts(%arg0: i32, %arg1: i32, %arg2: memref<320000xi32, #tpu.memory_space<hbm>>, %arg3: memref<320000xi32, #tpu.memory_space<hbm>>, %arg4: memref<64000xf32, #tpu.memory_space<hbm>>, %arg5: memref<2048000xf32, #tpu.memory_space<hbm>>, %arg6: memref<64000xf32, #tpu.memory_space<vmem>>, %arg7: memref<16000xi32, #tpu.memory_space<vmem>>, %arg8: memref<16000xi32, #tpu.memory_space<vmem>>, %arg9: memref<16000xi32, #tpu.memory_space<vmem>>, %arg10: memref<16000xi32, #tpu.memory_space<vmem>>, %arg11: memref<!tpu.dma_semaphore, #tpu.memory_space<semaphore_mem>>, %arg12: memref<!tpu.dma_semaphore, #tpu.memory_space<semaphore_mem>>) attributes {dimension_semantics = [#tpu.dimension_semantics<core_parallel>, #tpu.dimension_semantics<subcore_parallel>], iteration_bounds = array<i64: 2, 16>, scalar_prefetch = 0 : i64, scratch_operands = 7 : i64, tpu.core_type = #tpu.core_type<sc_vector_subcore>, window_params = [{transform_indices = #map}, {transform_indices = #map}, {transform_indices = #map}, {transform_indices = #map}]} {
    %mul3A = arith.constant 16 : i32
    %mul3A_0 = arith.muli %arg0, %mul3A : i32
    %add3A = arith.addi %mul3A_0, %arg1 : i32
    %mul3A_1 = arith.constant 320 : i32
    %mul3A_2 = arith.muli %add3A, %mul3A_1 : i32
    "tpu.region"() ({
      %run_scoped3A = tpu.sem_alloc : memref<!tpu.dma_semaphore, #tpu.memory_space<semaphore_mem>>
      tpu.enqueue_dma source(%arg4 : memref<64000xf32, #tpu.memory_space<hbm>>) target(%arg6 : memref<64000xf32, #tpu.memory_space<vmem>>) target_semaphore(%run_scoped3A : memref<!tpu.dma_semaphore, #tpu.memory_space<semaphore_mem>>)
      tpu.wait_dma2 semaphore(%run_scoped3A : memref<!tpu.dma_semaphore, #tpu.memory_space<semaphore_mem>>) src(%arg4 : memref<64000xf32, #tpu.memory_space<hbm>>) dst(%arg6 : memref<64000xf32, #tpu.memory_space<vmem>>)
      tpu.yield
    }) : () -> ()
    %broadcast_in_dim3A = arith.constant 1.000000e+00 : f32
    %broadcast_in_dim3A_3 = vector.broadcast %broadcast_in_dim3A : f32 to vector<16xf32>
    %dma_start3A = arith.constant 0 : i32
    %dma_start3A_4 = tpu.memref_slice %arg2[%dma_start3A] : memref<320000xi32, #tpu.memory_space<hbm>> -> memref<16000xi32, #tpu.memory_space<hbm>>
    %dma_start3A_5 = arith.constant 0 : i32
    %dma_start3A_6 = tpu.memref_slice %arg2[%dma_start3A_5] : memref<320000xi32, #tpu.memory_space<hbm>> -> memref<16000xi32, #tpu.memory_space<hbm>>
    tpu.enqueue_dma source(%dma_start3A_6 : memref<16000xi32, #tpu.memory_space<hbm>>) target(%arg7 : memref<16000xi32, #tpu.memory_space<vmem>>) target_semaphore(%arg11 : memref<!tpu.dma_semaphore, #tpu.memory_space<semaphore_mem>>)
    %dma_start3A_7 = arith.constant 0 : i32
    %dma_start3A_8 = tpu.memref_slice %arg3[%dma_start3A_7] : memref<320000xi32, #tpu.memory_space<hbm>> -> memref<16000xi32, #tpu.memory_space<hbm>>
    %dma_start3A_9 = arith.constant 0 : i32
    %dma_start3A_10 = tpu.memref_slice %arg3[%dma_start3A_9] : memref<320000xi32, #tpu.memory_space<hbm>> -> memref<16000xi32, #tpu.memory_space<hbm>>
    tpu.enqueue_dma source(%dma_start3A_10 : memref<16000xi32, #tpu.memory_space<hbm>>) target(%arg8 : memref<16000xi32, #tpu.memory_space<vmem>>) target_semaphore(%arg11 : memref<!tpu.dma_semaphore, #tpu.memory_space<semaphore_mem>>)
    %scan3A = arith.constant 0 : i32
    %scan3A_11 = arith.constant 0 : i32
    %scan3A_12 = arith.constant 10 : i32
    %scan3A_13 = arith.addi %scan3A_11, %scan3A_12 : i32
    %scan3A_14 = arith.constant 1 : i32
    %scan3A_15 = scf.for %scan3A_19 = %scan3A_11 to %scan3A_13 step %scan3A_14 iter_args(%scan3A_20 = %scan3A) -> (i32)  : i32 {
      %mul3A_21 = arith.constant 2 : i32
      %mul3A_22 = arith.muli %scan3A_19, %mul3A_21 : i32
      %add3A_23 = arith.constant 1 : i32
      %add3A_24 = arith.addi %mul3A_22, %add3A_23 : i32
      %mul3A_25 = arith.constant 16000 : i32
      %mul3A_26 = arith.muli %add3A_24, %mul3A_25 : i32
      %dma_start3A_27 = tpu.memref_slice %arg2[%mul3A_26] : memref<320000xi32, #tpu.memory_space<hbm>> -> memref<16000xi32, #tpu.memory_space<hbm>>
      %dma_start3A_28 = tpu.memref_slice %arg2[%mul3A_26] : memref<320000xi32, #tpu.memory_space<hbm>> -> memref<16000xi32, #tpu.memory_space<hbm>>
      tpu.enqueue_dma source(%dma_start3A_28 : memref<16000xi32, #tpu.memory_space<hbm>>) target(%arg9 : memref<16000xi32, #tpu.memory_space<vmem>>) target_semaphore(%arg12 : memref<!tpu.dma_semaphore, #tpu.memory_space<semaphore_mem>>)
      %mul3A_29 = arith.constant 16000 : i32
      %mul3A_30 = arith.muli %add3A_24, %mul3A_29 : i32
      %dma_start3A_31 = tpu.memref_slice %arg3[%mul3A_30] : memref<320000xi32, #tpu.memory_space<hbm>> -> memref<16000xi32, #tpu.memory_space<hbm>>
      %dma_start3A_32 = tpu.memref_slice %arg3[%mul3A_30] : memref<320000xi32, #tpu.memory_space<hbm>> -> memref<16000xi32, #tpu.memory_space<hbm>>
      tpu.enqueue_dma source(%dma_start3A_32 : memref<16000xi32, #tpu.memory_space<hbm>>) target(%arg10 : memref<16000xi32, #tpu.memory_space<vmem>>) target_semaphore(%arg12 : memref<!tpu.dma_semaphore, #tpu.memory_space<semaphore_mem>>)
      %mul3A_33 = arith.constant 16000 : i32
      %mul3A_34 = arith.muli %mul3A_22, %mul3A_33 : i32
      %dma_wait3A = tpu.memref_slice %arg2[%mul3A_34] : memref<320000xi32, #tpu.memory_space<hbm>> -> memref<16000xi32, #tpu.memory_space<hbm>>
      %dma_wait3A_35 = tpu.memref_slice %arg2[%mul3A_34] : memref<320000xi32, #tpu.memory_space<hbm>> -> memref<16000xi32, #tpu.memory_space<hbm>>
      tpu.wait_dma2 semaphore(%arg11 : memref<!tpu.dma_semaphore, #tpu.memory_space<semaphore_mem>>) src(%dma_wait3A_35 : memref<16000xi32, #tpu.memory_space<hbm>>) dst(%arg7 : memref<16000xi32, #tpu.memory_space<vmem>>)
      %mul3A_36 = arith.constant 16000 : i32
      %mul3A_37 = arith.muli %mul3A_22, %mul3A_36 : i32
      %dma_wait3A_38 = tpu.memref_slice %arg3[%mul3A_37] : memref<320000xi32, #tpu.memory_space<hbm>> -> memref<16000xi32, #tpu.memory_space<hbm>>
      %dma_wait3A_39 = tpu.memref_slice %arg3[%mul3A_37] : memref<320000xi32, #tpu.memory_space<hbm>> -> memref<16000xi32, #tpu.memory_space<hbm>>
      tpu.wait_dma2 semaphore(%arg11 : memref<!tpu.dma_semaphore, #tpu.memory_space<semaphore_mem>>) src(%dma_wait3A_39 : memref<16000xi32, #tpu.memory_space<hbm>>) dst(%arg8 : memref<16000xi32, #tpu.memory_space<vmem>>)
      %scan3A_40 = arith.constant 0 : i32
      %scan3A_41 = arith.constant 0 : i32
      %scan3A_42 = arith.constant 200 : i32
      %scan3A_43 = arith.addi %scan3A_41, %scan3A_42 : i32
      %scan3A_44 = arith.constant 1 : i32
      %scan3A_45 = scf.for %scan3A_67 = %scan3A_41 to %scan3A_43 step %scan3A_44 iter_args(%scan3A_68 = %scan3A_40) -> (i32)  : i32 {
        %mul3A_69 = arith.constant 5 : i32
        %mul3A_70 = arith.muli %scan3A_67, %mul3A_69 : i32
        %add3A_71 = arith.constant 0 : i32
        %add3A_72 = arith.addi %mul3A_70, %add3A_71 : i32
        %mul3A_73 = arith.constant 16 : i32
        %mul3A_74 = arith.muli %add3A_72, %mul3A_73 : i32
        %get3A = arith.index_cast %mul3A_74 : i32 to index
        %get3A_75 = tpu.vector_load %arg7[%get3A] {strides = array<i32>} : memref<16000xi32, #tpu.memory_space<vmem>>, vector<16xi32>,
        %mul3A_76 = arith.constant 16 : i32
        %mul3A_77 = arith.muli %add3A_72, %mul3A_76 : i32
        %get3A_78 = arith.index_cast %mul3A_77 : i32 to index
        %get3A_79 = tpu.vector_load %arg8[%get3A_78] {strides = array<i32>} : memref<16000xi32, #tpu.memory_space<vmem>>, vector<16xi32>,
        %sub3A = vector.broadcast %mul3A_2 : i32 to vector<16xi32>
        %sub3A_80 = arith.subi %get3A_75, %sub3A : vector<16xi32>
        %ge3A = arith.constant 0 : i32
        %ge3A_81 = vector.broadcast %ge3A : i32 to vector<16xi32>
        %ge3A_82 = arith.cmpi sge, %sub3A_80, %ge3A_81 : vector<16xi32>
        %lt3A_83 = arith.constant 320 : i32
        %lt3A_84 = vector.broadcast %lt3A_83 : i32 to vector<16xi32>
        %lt3A_85 = arith.cmpi slt, %sub3A_80, %lt3A_84 : vector<16xi32>
        %and3A = arith.andi %ge3A_82, %lt3A_85 : vector<16xi1>
        %max3A = arith.constant 0 : i32
        %max3A_86 = vector.broadcast %max3A : i32 to vector<16xi32>
        %max3A_87 = arith.maxsi %sub3A_80, %max3A_86 : vector<16xi32>
        %min3A = arith.constant 319 : i32
        %min3A_88 = vector.broadcast %min3A : i32 to vector<16xi32>
        %min3A_89 = arith.minsi %max3A_87, %min3A_88 : vector<16xi32>
        %mul3A_90 = arith.constant 200 : i32
        %mul3A_91 = vector.broadcast %mul3A_90 : i32 to vector<16xi32>
        %mul3A_92 = arith.muli %min3A_89, %mul3A_91 : vector<16xi32>
        %add3A_93 = arith.addi %mul3A_92, %get3A_79 : vector<16xi32>
        tpu.vector_store_idx %arg6[%add3A_93], %broadcast_in_dim3A_3 masked %and3A {add = true} : memref<64000xf32, #tpu.memory_space<vmem>>[vector<16xi32>], vector<16xf32>, vector<16xi1>
        %mul3A_94 = arith.constant 5 : i32
        %mul3A_95 = arith.muli %scan3A_67, %mul3A_94 : i32
        %add3A_96 = arith.constant 1 : i32
        %add3A_97 = arith.addi %mul3A_95, %add3A_96 : i32
        %mul3A_98 = arith.constant 16 : i32
        %mul3A_99 = arith.muli %add3A_97, %mul3A_98 : i32
        %get3A_100 = arith.index_cast %mul3A_99 : i32 to index
        %get3A_101 = tpu.vector_load %arg7[%get3A_100] {strides = array<i32>} : memref<16000xi32, #tpu.memory_space<vmem>>, vector<16xi32>,
        %mul3A_102 = arith.constant 16 : i32
        %mul3A_103 = arith.muli %add3A_97, %mul3A_102 : i32
        %get3A_104 = arith.index_cast %mul3A_103 : i32 to index
        %get3A_105 = tpu.vector_load %arg8[%get3A_104] {strides = array<i32>} : memref<16000xi32, #tpu.memory_space<vmem>>, vector<16xi32>,
        %sub3A_106 = vector.broadcast %mul3A_2 : i32 to vector<16xi32>
        %sub3A_107 = arith.subi %get3A_101, %sub3A_106 : vector<16xi32>
        %ge3A_108 = arith.constant 0 : i32
        %ge3A_109 = vector.broadcast %ge3A_108 : i32 to vector<16xi32>
        %ge3A_110 = arith.cmpi sge, %sub3A_107, %ge3A_109 : vector<16xi32>
        %lt3A_111 = arith.constant 320 : i32
        %lt3A_112 = vector.broadcast %lt3A_111 : i32 to vector<16xi32>
        %lt3A_113 = arith.cmpi slt, %sub3A_107, %lt3A_112 : vector<16xi32>
        %and3A_114 = arith.andi %ge3A_110, %lt3A_113 : vector<16xi1>
        %max3A_115 = arith.constant 0 : i32
        %max3A_116 = vector.broadcast %max3A_115 : i32 to vector<16xi32>
        %max3A_117 = arith.maxsi %sub3A_107, %max3A_116 : vector<16xi32>
        %min3A_118 = arith.constant 319 : i32
        %min3A_119 = vector.broadcast %min3A_118 : i32 to vector<16xi32>
        %min3A_120 = arith.minsi %max3A_117, %min3A_119 : vector<16xi32>
        %mul3A_121 = arith.constant 200 : i32
        %mul3A_122 = vector.broadcast %mul3A_121 : i32 to vector<16xi32>
        %mul3A_123 = arith.muli %min3A_120, %mul3A_122 : vector<16xi32>
        %add3A_124 = arith.addi %mul3A_123, %get3A_105 : vector<16xi32>
        tpu.vector_store_idx %arg6[%add3A_124], %broadcast_in_dim3A_3 masked %and3A_114 {add = true} : memref<64000xf32, #tpu.memory_space<vmem>>[vector<16xi32>], vector<16xf32>, vector<16xi1>
        %mul3A_125 = arith.constant 5 : i32
        %mul3A_126 = arith.muli %scan3A_67, %mul3A_125 : i32
        %add3A_127 = arith.constant 2 : i32
        %add3A_128 = arith.addi %mul3A_126, %add3A_127 : i32
        %mul3A_129 = arith.constant 16 : i32
        %mul3A_130 = arith.muli %add3A_128, %mul3A_129 : i32
        %get3A_131 = arith.index_cast %mul3A_130 : i32 to index
        %get3A_132 = tpu.vector_load %arg7[%get3A_131] {strides = array<i32>} : memref<16000xi32, #tpu.memory_space<vmem>>, vector<16xi32>,
        %mul3A_133 = arith.constant 16 : i32
        %mul3A_134 = arith.muli %add3A_128, %mul3A_133 : i32
        %get3A_135 = arith.index_cast %mul3A_134 : i32 to index
        %get3A_136 = tpu.vector_load %arg8[%get3A_135] {strides = array<i32>} : memref<16000xi32, #tpu.memory_space<vmem>>, vector<16xi32>,
        %sub3A_137 = vector.broadcast %mul3A_2 : i32 to vector<16xi32>
        %sub3A_138 = arith.subi %get3A_132, %sub3A_137 : vector<16xi32>
        %ge3A_139 = arith.constant 0 : i32
        %ge3A_140 = vector.broadcast %ge3A_139 : i32 to vector<16xi32>
        %ge3A_141 = arith.cmpi sge, %sub3A_138, %ge3A_140 : vector<16xi32>
        %lt3A_142 = arith.constant 320 : i32
        %lt3A_143 = vector.broadcast %lt3A_142 : i32 to vector<16xi32>
        %lt3A_144 = arith.cmpi slt, %sub3A_138, %lt3A_143 : vector<16xi32>
        %and3A_145 = arith.andi %ge3A_141, %lt3A_144 : vector<16xi1>
        %max3A_146 = arith.constant 0 : i32
        %max3A_147 = vector.broadcast %max3A_146 : i32 to vector<16xi32>
        %max3A_148 = arith.maxsi %sub3A_138, %max3A_147 : vector<16xi32>
        %min3A_149 = arith.constant 319 : i32
        %min3A_150 = vector.broadcast %min3A_149 : i32 to vector<16xi32>
        %min3A_151 = arith.minsi %max3A_148, %min3A_150 : vector<16xi32>
        %mul3A_152 = arith.constant 200 : i32
        %mul3A_153 = vector.broadcast %mul3A_152 : i32 to vector<16xi32>
        %mul3A_154 = arith.muli %min3A_151, %mul3A_153 : vector<16xi32>
        %add3A_155 = arith.addi %mul3A_154, %get3A_136 : vector<16xi32>
        tpu.vector_store_idx %arg6[%add3A_155], %broadcast_in_dim3A_3 masked %and3A_145 {add = true} : memref<64000xf32, #tpu.memory_space<vmem>>[vector<16xi32>], vector<16xf32>, vector<16xi1>
        %mul3A_156 = arith.constant 5 : i32
        %mul3A_157 = arith.muli %scan3A_67, %mul3A_156 : i32
        %add3A_158 = arith.constant 3 : i32
        %add3A_159 = arith.addi %mul3A_157, %add3A_158 : i32
        %mul3A_160 = arith.constant 16 : i32
        %mul3A_161 = arith.muli %add3A_159, %mul3A_160 : i32
        %get3A_162 = arith.index_cast %mul3A_161 : i32 to index
        %get3A_163 = tpu.vector_load %arg7[%get3A_162] {strides = array<i32>} : memref<16000xi32, #tpu.memory_space<vmem>>, vector<16xi32>,
        %mul3A_164 = arith.constant 16 : i32
        %mul3A_165 = arith.muli %add3A_159, %mul3A_164 : i32
        %get3A_166 = arith.index_cast %mul3A_165 : i32 to index
        %get3A_167 = tpu.vector_load %arg8[%get3A_166] {strides = array<i32>} : memref<16000xi32, #tpu.memory_space<vmem>>, vector<16xi32>,
        %sub3A_168 = vector.broadcast %mul3A_2 : i32 to vector<16xi32>
        %sub3A_169 = arith.subi %get3A_163, %sub3A_168 : vector<16xi32>
        %ge3A_170 = arith.constant 0 : i32
        %ge3A_171 = vector.broadcast %ge3A_170 : i32 to vector<16xi32>
        %ge3A_172 = arith.cmpi sge, %sub3A_169, %ge3A_171 : vector<16xi32>
        %lt3A_173 = arith.constant 320 : i32
        %lt3A_174 = vector.broadcast %lt3A_173 : i32 to vector<16xi32>
        %lt3A_175 = arith.cmpi slt, %sub3A_169, %lt3A_174 : vector<16xi32>
        %and3A_176 = arith.andi %ge3A_172, %lt3A_175 : vector<16xi1>
        %max3A_177 = arith.constant 0 : i32
        %max3A_178 = vector.broadcast %max3A_177 : i32 to vector<16xi32>
        %max3A_179 = arith.maxsi %sub3A_169, %max3A_178 : vector<16xi32>
        %min3A_180 = arith.constant 319 : i32
        %min3A_181 = vector.broadcast %min3A_180 : i32 to vector<16xi32>
        %min3A_182 = arith.minsi %max3A_179, %min3A_181 : vector<16xi32>
        %mul3A_183 = arith.constant 200 : i32
        %mul3A_184 = vector.broadcast %mul3A_183 : i32 to vector<16xi32>
        %mul3A_185 = arith.muli %min3A_182, %mul3A_184 : vector<16xi32>
        %add3A_186 = arith.addi %mul3A_185, %get3A_167 : vector<16xi32>
        tpu.vector_store_idx %arg6[%add3A_186], %broadcast_in_dim3A_3 masked %and3A_176 {add = true} : memref<64000xf32, #tpu.memory_space<vmem>>[vector<16xi32>], vector<16xf32>, vector<16xi1>
        %mul3A_187 = arith.constant 5 : i32
        %mul3A_188 = arith.muli %scan3A_67, %mul3A_187 : i32
        %add3A_189 = arith.constant 4 : i32
        %add3A_190 = arith.addi %mul3A_188, %add3A_189 : i32
        %mul3A_191 = arith.constant 16 : i32
        %mul3A_192 = arith.muli %add3A_190, %mul3A_191 : i32
        %get3A_193 = arith.index_cast %mul3A_192 : i32 to index
        %get3A_194 = tpu.vector_load %arg7[%get3A_193] {strides = array<i32>} : memref<16000xi32, #tpu.memory_space<vmem>>, vector<16xi32>,
        %mul3A_195 = arith.constant 16 : i32
        %mul3A_196 = arith.muli %add3A_190, %mul3A_195 : i32
        %get3A_197 = arith.index_cast %mul3A_196 : i32 to index
        %get3A_198 = tpu.vector_load %arg8[%get3A_197] {strides = array<i32>} : memref<16000xi32, #tpu.memory_space<vmem>>, vector<16xi32>,
        %sub3A_199 = vector.broadcast %mul3A_2 : i32 to vector<16xi32>
        %sub3A_200 = arith.subi %get3A_194, %sub3A_199 : vector<16xi32>
        %ge3A_201 = arith.constant 0 : i32
        %ge3A_202 = vector.broadcast %ge3A_201 : i32 to vector<16xi32>
        %ge3A_203 = arith.cmpi sge, %sub3A_200, %ge3A_202 : vector<16xi32>
        %lt3A_204 = arith.constant 320 : i32
        %lt3A_205 = vector.broadcast %lt3A_204 : i32 to vector<16xi32>
        %lt3A_206 = arith.cmpi slt, %sub3A_200, %lt3A_205 : vector<16xi32>
        %and3A_207 = arith.andi %ge3A_203, %lt3A_206 : vector<16xi1>
        %max3A_208 = arith.constant 0 : i32
        %max3A_209 = vector.broadcast %max3A_208 : i32 to vector<16xi32>
        %max3A_210 = arith.maxsi %sub3A_200, %max3A_209 : vector<16xi32>
        %min3A_211 = arith.constant 319 : i32
        %min3A_212 = vector.broadcast %min3A_211 : i32 to vector<16xi32>
        %min3A_213 = arith.minsi %max3A_210, %min3A_212 : vector<16xi32>
        %mul3A_214 = arith.constant 200 : i32
        %mul3A_215 = vector.broadcast %mul3A_214 : i32 to vector<16xi32>
        %mul3A_216 = arith.muli %min3A_213, %mul3A_215 : vector<16xi32>
        %add3A_217 = arith.addi %mul3A_216, %get3A_198 : vector<16xi32>
        tpu.vector_store_idx %arg6[%add3A_217], %broadcast_in_dim3A_3 masked %and3A_207 {add = true} : memref<64000xf32, #tpu.memory_space<vmem>>[vector<16xi32>], vector<16xf32>, vector<16xi1>
        %scan3A_218 = arith.constant 0 : i32
        scf.yield %scan3A_218 : i32
      }
      %scan3A_46 = arith.constant 200 : i32
      %lt3A = arith.constant 9 : i32
      %lt3A_47 = arith.cmpi slt, %scan3A_19, %lt3A : i32
      %convert_element_type3A = arith.extui %lt3A_47 : i1 to i32
      %cond3A = arith.constant 0 : i32
      %cond3A_48 = arith.cmpi ne, %convert_element_type3A, %cond3A : i32
      scf.if %cond3A_48 {
        %add3A_67 = arith.constant 2 : i32
        %add3A_68 = arith.addi %mul3A_22, %add3A_67 : i32
        %mul3A_69 = arith.constant 16000 : i32
        %mul3A_70 = arith.muli %add3A_68, %mul3A_69 : i32
        %dma_start3A_71 = tpu.memref_slice %arg2[%mul3A_70] : memref<320000xi32, #tpu.memory_space<hbm>> -> memref<16000xi32, #tpu.memory_space<hbm>>
        %dma_start3A_72 = tpu.memref_slice %arg2[%mul3A_70] : memref<320000xi32, #tpu.memory_space<hbm>> -> memref<16000xi32, #tpu.memory_space<hbm>>
        tpu.enqueue_dma source(%dma_start3A_72 : memref<16000xi32, #tpu.memory_space<hbm>>) target(%arg7 : memref<16000xi32, #tpu.memory_space<vmem>>) target_semaphore(%arg11 : memref<!tpu.dma_semaphore, #tpu.memory_space<semaphore_mem>>)
        %mul3A_73 = arith.constant 16000 : i32
        %mul3A_74 = arith.muli %add3A_68, %mul3A_73 : i32
        %dma_start3A_75 = tpu.memref_slice %arg3[%mul3A_74] : memref<320000xi32, #tpu.memory_space<hbm>> -> memref<16000xi32, #tpu.memory_space<hbm>>
        %dma_start3A_76 = tpu.memref_slice %arg3[%mul3A_74] : memref<320000xi32, #tpu.memory_space<hbm>> -> memref<16000xi32, #tpu.memory_space<hbm>>
        tpu.enqueue_dma source(%dma_start3A_76 : memref<16000xi32, #tpu.memory_space<hbm>>) target(%arg8 : memref<16000xi32, #tpu.memory_space<vmem>>) target_semaphore(%arg11 : memref<!tpu.dma_semaphore, #tpu.memory_space<semaphore_mem>>)
      } else {
      }
      %add3A_49 = arith.constant 1 : i32
      %add3A_50 = arith.addi %mul3A_22, %add3A_49 : i32
      %mul3A_51 = arith.constant 16000 : i32
      %mul3A_52 = arith.muli %add3A_50, %mul3A_51 : i32
      %dma_wait3A_53 = tpu.memref_slice %arg2[%mul3A_52] : memref<320000xi32, #tpu.memory_space<hbm>> -> memref<16000xi32, #tpu.memory_space<hbm>>
      %dma_wait3A_54 = tpu.memref_slice %arg2[%mul3A_52] : memref<320000xi32, #tpu.memory_space<hbm>> -> memref<16000xi32, #tpu.memory_space<hbm>>
      tpu.wait_dma2 semaphore(%arg12 : memref<!tpu.dma_semaphore, #tpu.memory_space<semaphore_mem>>) src(%dma_wait3A_54 : memref<16000xi32, #tpu.memory_space<hbm>>) dst(%arg9 : memref<16000xi32, #tpu.memory_space<vmem>>)
      %mul3A_55 = arith.constant 16000 : i32
      %mul3A_56 = arith.muli %add3A_50, %mul3A_55 : i32
      %dma_wait3A_57 = tpu.memref_slice %arg3[%mul3A_56] : memref<320000xi32, #tpu.memory_space<hbm>> -> memref<16000xi32, #tpu.memory_space<hbm>>
      %dma_wait3A_58 = tpu.memref_slice %arg3[%mul3A_56] : memref<320000xi32, #tpu.memory_space<hbm>> -> memref<16000xi32, #tpu.memory_space<hbm>>
      tpu.wait_dma2 semaphore(%arg12 : memref<!tpu.dma_semaphore, #tpu.memory_space<semaphore_mem>>) src(%dma_wait3A_58 : memref<16000xi32, #tpu.memory_space<hbm>>) dst(%arg10 : memref<16000xi32, #tpu.memory_space<vmem>>)
      %scan3A_59 = arith.constant 0 : i32
      %scan3A_60 = arith.constant 0 : i32
      %scan3A_61 = arith.constant 200 : i32
      %scan3A_62 = arith.addi %scan3A_60, %scan3A_61 : i32
      %scan3A_63 = arith.constant 1 : i32
      %scan3A_64 = scf.for %scan3A_67 = %scan3A_60 to %scan3A_62 step %scan3A_63 iter_args(%scan3A_68 = %scan3A_59) -> (i32)  : i32 {
        %mul3A_69 = arith.constant 5 : i32
        %mul3A_70 = arith.muli %scan3A_67, %mul3A_69 : i32
        %add3A_71 = arith.constant 0 : i32
        %add3A_72 = arith.addi %mul3A_70, %add3A_71 : i32
        %mul3A_73 = arith.constant 16 : i32
        %mul3A_74 = arith.muli %add3A_72, %mul3A_73 : i32
        %get3A = arith.index_cast %mul3A_74 : i32 to index
        %get3A_75 = tpu.vector_load %arg9[%get3A] {strides = array<i32>} : memref<16000xi32, #tpu.memory_space<vmem>>, vector<16xi32>,
        %mul3A_76 = arith.constant 16 : i32
        %mul3A_77 = arith.muli %add3A_72, %mul3A_76 : i32
        %get3A_78 = arith.index_cast %mul3A_77 : i32 to index
        %get3A_79 = tpu.vector_load %arg10[%get3A_78] {strides = array<i32>} : memref<16000xi32, #tpu.memory_space<vmem>>, vector<16xi32>,
        %sub3A = vector.broadcast %mul3A_2 : i32 to vector<16xi32>
        %sub3A_80 = arith.subi %get3A_75, %sub3A : vector<16xi32>
        %ge3A = arith.constant 0 : i32
        %ge3A_81 = vector.broadcast %ge3A : i32 to vector<16xi32>
        %ge3A_82 = arith.cmpi sge, %sub3A_80, %ge3A_81 : vector<16xi32>
        %lt3A_83 = arith.constant 320 : i32
        %lt3A_84 = vector.broadcast %lt3A_83 : i32 to vector<16xi32>
        %lt3A_85 = arith.cmpi slt, %sub3A_80, %lt3A_84 : vector<16xi32>
        %and3A = arith.andi %ge3A_82, %lt3A_85 : vector<16xi1>
        %max3A = arith.constant 0 : i32
        %max3A_86 = vector.broadcast %max3A : i32 to vector<16xi32>
        %max3A_87 = arith.maxsi %sub3A_80, %max3A_86 : vector<16xi32>
        %min3A = arith.constant 319 : i32
        %min3A_88 = vector.broadcast %min3A : i32 to vector<16xi32>
        %min3A_89 = arith.minsi %max3A_87, %min3A_88 : vector<16xi32>
        %mul3A_90 = arith.constant 200 : i32
        %mul3A_91 = vector.broadcast %mul3A_90 : i32 to vector<16xi32>
        %mul3A_92 = arith.muli %min3A_89, %mul3A_91 : vector<16xi32>
        %add3A_93 = arith.addi %mul3A_92, %get3A_79 : vector<16xi32>
        tpu.vector_store_idx %arg6[%add3A_93], %broadcast_in_dim3A_3 masked %and3A {add = true} : memref<64000xf32, #tpu.memory_space<vmem>>[vector<16xi32>], vector<16xf32>, vector<16xi1>
        %mul3A_94 = arith.constant 5 : i32
        %mul3A_95 = arith.muli %scan3A_67, %mul3A_94 : i32
        %add3A_96 = arith.constant 1 : i32
        %add3A_97 = arith.addi %mul3A_95, %add3A_96 : i32
        %mul3A_98 = arith.constant 16 : i32
        %mul3A_99 = arith.muli %add3A_97, %mul3A_98 : i32
        %get3A_100 = arith.index_cast %mul3A_99 : i32 to index
        %get3A_101 = tpu.vector_load %arg9[%get3A_100] {strides = array<i32>} : memref<16000xi32, #tpu.memory_space<vmem>>, vector<16xi32>,
        %mul3A_102 = arith.constant 16 : i32
        %mul3A_103 = arith.muli %add3A_97, %mul3A_102 : i32
        %get3A_104 = arith.index_cast %mul3A_103 : i32 to index
        %get3A_105 = tpu.vector_load %arg10[%get3A_104] {strides = array<i32>} : memref<16000xi32, #tpu.memory_space<vmem>>, vector<16xi32>,
        %sub3A_106 = vector.broadcast %mul3A_2 : i32 to vector<16xi32>
        %sub3A_107 = arith.subi %get3A_101, %sub3A_106 : vector<16xi32>
        %ge3A_108 = arith.constant 0 : i32
        %ge3A_109 = vector.broadcast %ge3A_108 : i32 to vector<16xi32>
        %ge3A_110 = arith.cmpi sge, %sub3A_107, %ge3A_109 : vector<16xi32>
        %lt3A_111 = arith.constant 320 : i32
        %lt3A_112 = vector.broadcast %lt3A_111 : i32 to vector<16xi32>
        %lt3A_113 = arith.cmpi slt, %sub3A_107, %lt3A_112 : vector<16xi32>
        %and3A_114 = arith.andi %ge3A_110, %lt3A_113 : vector<16xi1>
        %max3A_115 = arith.constant 0 : i32
        %max3A_116 = vector.broadcast %max3A_115 : i32 to vector<16xi32>
        %max3A_117 = arith.maxsi %sub3A_107, %max3A_116 : vector<16xi32>
        %min3A_118 = arith.constant 319 : i32
        %min3A_119 = vector.broadcast %min3A_118 : i32 to vector<16xi32>
        %min3A_120 = arith.minsi %max3A_117, %min3A_119 : vector<16xi32>
        %mul3A_121 = arith.constant 200 : i32
        %mul3A_122 = vector.broadcast %mul3A_121 : i32 to vector<16xi32>
        %mul3A_123 = arith.muli %min3A_120, %mul3A_122 : vector<16xi32>
        %add3A_124 = arith.addi %mul3A_123, %get3A_105 : vector<16xi32>
        tpu.vector_store_idx %arg6[%add3A_124], %broadcast_in_dim3A_3 masked %and3A_114 {add = true} : memref<64000xf32, #tpu.memory_space<vmem>>[vector<16xi32>], vector<16xf32>, vector<16xi1>
        %mul3A_125 = arith.constant 5 : i32
        %mul3A_126 = arith.muli %scan3A_67, %mul3A_125 : i32
        %add3A_127 = arith.constant 2 : i32
        %add3A_128 = arith.addi %mul3A_126, %add3A_127 : i32
        %mul3A_129 = arith.constant 16 : i32
        %mul3A_130 = arith.muli %add3A_128, %mul3A_129 : i32
        %get3A_131 = arith.index_cast %mul3A_130 : i32 to index
        %get3A_132 = tpu.vector_load %arg9[%get3A_131] {strides = array<i32>} : memref<16000xi32, #tpu.memory_space<vmem>>, vector<16xi32>,
        %mul3A_133 = arith.constant 16 : i32
        %mul3A_134 = arith.muli %add3A_128, %mul3A_133 : i32
        %get3A_135 = arith.index_cast %mul3A_134 : i32 to index
        %get3A_136 = tpu.vector_load %arg10[%get3A_135] {strides = array<i32>} : memref<16000xi32, #tpu.memory_space<vmem>>, vector<16xi32>,
        %sub3A_137 = vector.broadcast %mul3A_2 : i32 to vector<16xi32>
        %sub3A_138 = arith.subi %get3A_132, %sub3A_137 : vector<16xi32>
        %ge3A_139 = arith.constant 0 : i32
        %ge3A_140 = vector.broadcast %ge3A_139 : i32 to vector<16xi32>
        %ge3A_141 = arith.cmpi sge, %sub3A_138, %ge3A_140 : vector<16xi32>
        %lt3A_142 = arith.constant 320 : i32
        %lt3A_143 = vector.broadcast %lt3A_142 : i32 to vector<16xi32>
        %lt3A_144 = arith.cmpi slt, %sub3A_138, %lt3A_143 : vector<16xi32>
        %and3A_145 = arith.andi %ge3A_141, %lt3A_144 : vector<16xi1>
        %max3A_146 = arith.constant 0 : i32
        %max3A_147 = vector.broadcast %max3A_146 : i32 to vector<16xi32>
        %max3A_148 = arith.maxsi %sub3A_138, %max3A_147 : vector<16xi32>
        %min3A_149 = arith.constant 319 : i32
        %min3A_150 = vector.broadcast %min3A_149 : i32 to vector<16xi32>
        %min3A_151 = arith.minsi %max3A_148, %min3A_150 : vector<16xi32>
        %mul3A_152 = arith.constant 200 : i32
        %mul3A_153 = vector.broadcast %mul3A_152 : i32 to vector<16xi32>
        %mul3A_154 = arith.muli %min3A_151, %mul3A_153 : vector<16xi32>
        %add3A_155 = arith.addi %mul3A_154, %get3A_136 : vector<16xi32>
        tpu.vector_store_idx %arg6[%add3A_155], %broadcast_in_dim3A_3 masked %and3A_145 {add = true} : memref<64000xf32, #tpu.memory_space<vmem>>[vector<16xi32>], vector<16xf32>, vector<16xi1>
        %mul3A_156 = arith.constant 5 : i32
        %mul3A_157 = arith.muli %scan3A_67, %mul3A_156 : i32
        %add3A_158 = arith.constant 3 : i32
        %add3A_159 = arith.addi %mul3A_157, %add3A_158 : i32
        %mul3A_160 = arith.constant 16 : i32
        %mul3A_161 = arith.muli %add3A_159, %mul3A_160 : i32
        %get3A_162 = arith.index_cast %mul3A_161 : i32 to index
        %get3A_163 = tpu.vector_load %arg9[%get3A_162] {strides = array<i32>} : memref<16000xi32, #tpu.memory_space<vmem>>, vector<16xi32>,
        %mul3A_164 = arith.constant 16 : i32
        %mul3A_165 = arith.muli %add3A_159, %mul3A_164 : i32
        %get3A_166 = arith.index_cast %mul3A_165 : i32 to index
        %get3A_167 = tpu.vector_load %arg10[%get3A_166] {strides = array<i32>} : memref<16000xi32, #tpu.memory_space<vmem>>, vector<16xi32>,
        %sub3A_168 = vector.broadcast %mul3A_2 : i32 to vector<16xi32>
        %sub3A_169 = arith.subi %get3A_163, %sub3A_168 : vector<16xi32>
        %ge3A_170 = arith.constant 0 : i32
        %ge3A_171 = vector.broadcast %ge3A_170 : i32 to vector<16xi32>
        %ge3A_172 = arith.cmpi sge, %sub3A_169, %ge3A_171 : vector<16xi32>
        %lt3A_173 = arith.constant 320 : i32
        %lt3A_174 = vector.broadcast %lt3A_173 : i32 to vector<16xi32>
        %lt3A_175 = arith.cmpi slt, %sub3A_169, %lt3A_174 : vector<16xi32>
        %and3A_176 = arith.andi %ge3A_172, %lt3A_175 : vector<16xi1>
        %max3A_177 = arith.constant 0 : i32
        %max3A_178 = vector.broadcast %max3A_177 : i32 to vector<16xi32>
        %max3A_179 = arith.maxsi %sub3A_169, %max3A_178 : vector<16xi32>
        %min3A_180 = arith.constant 319 : i32
        %min3A_181 = vector.broadcast %min3A_180 : i32 to vector<16xi32>
        %min3A_182 = arith.minsi %max3A_179, %min3A_181 : vector<16xi32>
        %mul3A_183 = arith.constant 200 : i32
        %mul3A_184 = vector.broadcast %mul3A_183 : i32 to vector<16xi32>
        %mul3A_185 = arith.muli %min3A_182, %mul3A_184 : vector<16xi32>
        %add3A_186 = arith.addi %mul3A_185, %get3A_167 : vector<16xi32>
        tpu.vector_store_idx %arg6[%add3A_186], %broadcast_in_dim3A_3 masked %and3A_176 {add = true} : memref<64000xf32, #tpu.memory_space<vmem>>[vector<16xi32>], vector<16xf32>, vector<16xi1>
        %mul3A_187 = arith.constant 5 : i32
        %mul3A_188 = arith.muli %scan3A_67, %mul3A_187 : i32
        %add3A_189 = arith.constant 4 : i32
        %add3A_190 = arith.addi %mul3A_188, %add3A_189 : i32
        %mul3A_191 = arith.constant 16 : i32
        %mul3A_192 = arith.muli %add3A_190, %mul3A_191 : i32
        %get3A_193 = arith.index_cast %mul3A_192 : i32 to index
        %get3A_194 = tpu.vector_load %arg9[%get3A_193] {strides = array<i32>} : memref<16000xi32, #tpu.memory_space<vmem>>, vector<16xi32>,
        %mul3A_195 = arith.constant 16 : i32
        %mul3A_196 = arith.muli %add3A_190, %mul3A_195 : i32
        %get3A_197 = arith.index_cast %mul3A_196 : i32 to index
        %get3A_198 = tpu.vector_load %arg10[%get3A_197] {strides = array<i32>} : memref<16000xi32, #tpu.memory_space<vmem>>, vector<16xi32>,
        %sub3A_199 = vector.broadcast %mul3A_2 : i32 to vector<16xi32>
        %sub3A_200 = arith.subi %get3A_194, %sub3A_199 : vector<16xi32>
        %ge3A_201 = arith.constant 0 : i32
        %ge3A_202 = vector.broadcast %ge3A_201 : i32 to vector<16xi32>
        %ge3A_203 = arith.cmpi sge, %sub3A_200, %ge3A_202 : vector<16xi32>
        %lt3A_204 = arith.constant 320 : i32
        %lt3A_205 = vector.broadcast %lt3A_204 : i32 to vector<16xi32>
        %lt3A_206 = arith.cmpi slt, %sub3A_200, %lt3A_205 : vector<16xi32>
        %and3A_207 = arith.andi %ge3A_203, %lt3A_206 : vector<16xi1>
        %max3A_208 = arith.constant 0 : i32
        %max3A_209 = vector.broadcast %max3A_208 : i32 to vector<16xi32>
        %max3A_210 = arith.maxsi %sub3A_200, %max3A_209 : vector<16xi32>
        %min3A_211 = arith.constant 319 : i32
        %min3A_212 = vector.broadcast %min3A_211 : i32 to vector<16xi32>
        %min3A_213 = arith.minsi %max3A_210, %min3A_212 : vector<16xi32>
        %mul3A_214 = arith.constant 200 : i32
        %mul3A_215 = vector.broadcast %mul3A_214 : i32 to vector<16xi32>
        %mul3A_216 = arith.muli %min3A_213, %mul3A_215 : vector<16xi32>
        %add3A_217 = arith.addi %mul3A_216, %get3A_198 : vector<16xi32>
        tpu.vector_store_idx %arg6[%add3A_217], %broadcast_in_dim3A_3 masked %and3A_207 {add = true} : memref<64000xf32, #tpu.memory_space<vmem>>[vector<16xi32>], vector<16xf32>, vector<16xi1>
        %scan3A_218 = arith.constant 0 : i32
        scf.yield %scan3A_218 : i32
      }
      %scan3A_65 = arith.constant 200 : i32
      %scan3A_66 = arith.constant 0 : i32
      scf.yield %scan3A_66 : i32
    }
    %scan3A_16 = arith.constant 10 : i32
    %mul3A_17 = arith.constant 200 : i32
    %mul3A_18 = arith.muli %mul3A_2, %mul3A_17 : i32
    "tpu.region"() ({
      %run_scoped3A = tpu.sem_alloc : memref<!tpu.dma_semaphore, #tpu.memory_space<semaphore_mem>>
      %dma_start3A_19 = tpu.memref_slice %arg5[%mul3A_18] : memref<2048000xf32, #tpu.memory_space<hbm>> -> memref<64000xf32, #tpu.memory_space<hbm>>
      %dma_start3A_20 = tpu.memref_slice %arg5[%mul3A_18] : memref<2048000xf32, #tpu.memory_space<hbm>> -> memref<64000xf32, #tpu.memory_space<hbm>>
      tpu.enqueue_dma source(%arg6 : memref<64000xf32, #tpu.memory_space<vmem>>) target(%dma_start3A_20 : memref<64000xf32, #tpu.memory_space<hbm>>) target_semaphore(%run_scoped3A : memref<!tpu.dma_semaphore, #tpu.memory_space<semaphore_mem>>)
      %dma_wait3A = tpu.memref_slice %arg5[%mul3A_18] : memref<2048000xf32, #tpu.memory_space<hbm>> -> memref<64000xf32, #tpu.memory_space<hbm>>
      %dma_wait3A_21 = tpu.memref_slice %arg5[%mul3A_18] : memref<2048000xf32, #tpu.memory_space<hbm>> -> memref<64000xf32, #tpu.memory_space<hbm>>
      tpu.wait_dma2 semaphore(%run_scoped3A : memref<!tpu.dma_semaphore, #tpu.memory_space<semaphore_mem>>) src(%arg6 : memref<64000xf32, #tpu.memory_space<vmem>>) dst(%dma_wait3A_21 : memref<64000xf32, #tpu.memory_space<hbm>>)
      tpu.yield
    }) : () -> ()
    return
  }
}

#map = affine_map<(d0, d1) -> (0, 0)>
#map1 = affine_map<(d0, d1) -> (0)>
module attributes {stable_mosaic.version = 14 : i64} {
  func.func @_sc_scatter(%arg0: i32, %arg1: i32, %arg2: memref<10000x128xf32, #tpu.memory_space<hbm>>, %arg3: memref<320000xi32, #tpu.memory_space<hbm>>, %arg4: memref<320000xi32, #tpu.memory_space<hbm>>, %arg5: memref<632x128xf32, #tpu.memory_space<hbm>>, %arg6: memref<10112x128xf32, #tpu.memory_space<hbm>>, %arg7: memref<10112x128xf32, #tpu.memory_space<hbm>>, %arg8: memref<10112x128xf32, #tpu.memory_space<vmem_shared>>, %arg9: memref<2000xi32, #tpu.memory_space<vmem>>, %arg10: memref<2000xi32, #tpu.memory_space<vmem>>, %arg11: memref<80x128xf32, #tpu.memory_space<vmem>>, %arg12: memref<80x128xf32, #tpu.memory_space<vmem>>, %arg13: memref<80x128xf32, #tpu.memory_space<vmem>>, %arg14: memref<80x128xf32, #tpu.memory_space<vmem>>, %arg15: memref<!tpu.dma_semaphore, #tpu.memory_space<semaphore_mem>>, %arg16: memref<!tpu.dma_semaphore, #tpu.memory_space<semaphore_mem>>, %arg17: memref<!tpu.dma_semaphore, #tpu.memory_space<semaphore_mem>>, %arg18: memref<!tpu.dma_semaphore, #tpu.memory_space<semaphore_mem>>) attributes {dimension_semantics = [#tpu.dimension_semantics<core_parallel>, #tpu.dimension_semantics<subcore_parallel>], iteration_bounds = array<i64: 2, 16>, scalar_prefetch = 0 : i64, scratch_operands = 11 : i64, tpu.core_type = #tpu.core_type<sc_vector_subcore>, window_params = [{transform_indices = #map}, {transform_indices = #map1}, {transform_indices = #map1}, {transform_indices = #map}, {transform_indices = #map}, {transform_indices = #map}]} {
    %mul3A = arith.constant 16 : i32
    %mul3A_0 = arith.muli %arg0, %mul3A : i32
    %add3A = arith.addi %mul3A_0, %arg1 : i32
    %mul3A_1 = arith.constant 632 : i32
    %mul3A_2 = arith.muli %arg1, %mul3A_1 : i32
    "tpu.region"() ({
      %run_scoped3A = tpu.sem_alloc : memref<!tpu.dma_semaphore, #tpu.memory_space<semaphore_mem>>
      %dma_start3A = arith.constant 0 : i32
      %dma_start3A_17 = tpu.memref_slice %arg8[%mul3A_2, %dma_start3A] : memref<10112x128xf32, #tpu.memory_space<vmem_shared>> -> memref<632x128xf32, #tpu.memory_space<vmem_shared>>
      tpu.enqueue_dma source(%arg5 : memref<632x128xf32, #tpu.memory_space<hbm>>) target(%dma_start3A_17 : memref<632x128xf32, #tpu.memory_space<vmem_shared>>) target_semaphore(%run_scoped3A : memref<!tpu.dma_semaphore, #tpu.memory_space<semaphore_mem>>)
      %dma_wait3A = arith.constant 0 : i32
      %dma_wait3A_18 = tpu.memref_slice %arg8[%mul3A_2, %dma_wait3A] : memref<10112x128xf32, #tpu.memory_space<vmem_shared>> -> memref<632x128xf32, #tpu.memory_space<vmem_shared>>
      tpu.wait_dma2 semaphore(%run_scoped3A : memref<!tpu.dma_semaphore, #tpu.memory_space<semaphore_mem>>) src(%arg5 : memref<632x128xf32, #tpu.memory_space<hbm>>) dst(%dma_wait3A_18 : memref<632x128xf32, #tpu.memory_space<vmem_shared>>)
      tpu.yield
    }) : () -> ()
    %barrier3A = arith.constant 0 : index
    tpu.barrier barrier_id(%barrier3A)
    %scan3A = arith.constant 0 : i32
    %scan3A_3 = arith.constant 0 : i32
    %scan3A_4 = arith.constant 5 : i32
    %scan3A_5 = arith.addi %scan3A_3, %scan3A_4 : i32
    %scan3A_6 = arith.constant 1 : i32
    %scan3A_7 = scf.for %scan3A_17 = %scan3A_3 to %scan3A_5 step %scan3A_6 iter_args(%scan3A_18 = %scan3A) -> (i32)  : i32 {
      %mul3A_19 = arith.constant 10000 : i32
      %mul3A_20 = arith.muli %add3A, %mul3A_19 : i32
      %mul3A_21 = arith.constant 2000 : i32
      %mul3A_22 = arith.muli %scan3A_17, %mul3A_21 : i32
      %add3A_23 = arith.addi %mul3A_20, %mul3A_22 : i32
      "tpu.region"() ({
        %run_scoped3A = tpu.sem_alloc : memref<!tpu.dma_semaphore, #tpu.memory_space<semaphore_mem>>
        %dma_start3A_55 = tpu.memref_slice %arg3[%add3A_23] : memref<320000xi32, #tpu.memory_space<hbm>> -> memref<2000xi32, #tpu.memory_space<hbm>>
        %dma_start3A_56 = tpu.memref_slice %arg3[%add3A_23] : memref<320000xi32, #tpu.memory_space<hbm>> -> memref<2000xi32, #tpu.memory_space<hbm>>
        tpu.enqueue_dma source(%dma_start3A_56 : memref<2000xi32, #tpu.memory_space<hbm>>) target(%arg9 : memref<2000xi32, #tpu.memory_space<vmem>>) target_semaphore(%run_scoped3A : memref<!tpu.dma_semaphore, #tpu.memory_space<semaphore_mem>>)
        %dma_wait3A_57 = tpu.memref_slice %arg3[%add3A_23] : memref<320000xi32, #tpu.memory_space<hbm>> -> memref<2000xi32, #tpu.memory_space<hbm>>
        %dma_wait3A_58 = tpu.memref_slice %arg3[%add3A_23] : memref<320000xi32, #tpu.memory_space<hbm>> -> memref<2000xi32, #tpu.memory_space<hbm>>
        tpu.wait_dma2 semaphore(%run_scoped3A : memref<!tpu.dma_semaphore, #tpu.memory_space<semaphore_mem>>) src(%dma_wait3A_58 : memref<2000xi32, #tpu.memory_space<hbm>>) dst(%arg9 : memref<2000xi32, #tpu.memory_space<vmem>>)
        tpu.yield
      }) : () -> ()
      "tpu.region"() ({
        %run_scoped3A = tpu.sem_alloc : memref<!tpu.dma_semaphore, #tpu.memory_space<semaphore_mem>>
        %dma_start3A_55 = tpu.memref_slice %arg4[%add3A_23] : memref<320000xi32, #tpu.memory_space<hbm>> -> memref<2000xi32, #tpu.memory_space<hbm>>
        %dma_start3A_56 = tpu.memref_slice %arg4[%add3A_23] : memref<320000xi32, #tpu.memory_space<hbm>> -> memref<2000xi32, #tpu.memory_space<hbm>>
        tpu.enqueue_dma source(%dma_start3A_56 : memref<2000xi32, #tpu.memory_space<hbm>>) target(%arg10 : memref<2000xi32, #tpu.memory_space<vmem>>) target_semaphore(%run_scoped3A : memref<!tpu.dma_semaphore, #tpu.memory_space<semaphore_mem>>)
        %dma_wait3A_57 = tpu.memref_slice %arg4[%add3A_23] : memref<320000xi32, #tpu.memory_space<hbm>> -> memref<2000xi32, #tpu.memory_space<hbm>>
        %dma_wait3A_58 = tpu.memref_slice %arg4[%add3A_23] : memref<320000xi32, #tpu.memory_space<hbm>> -> memref<2000xi32, #tpu.memory_space<hbm>>
        tpu.wait_dma2 semaphore(%run_scoped3A : memref<!tpu.dma_semaphore, #tpu.memory_space<semaphore_mem>>) src(%dma_wait3A_58 : memref<2000xi32, #tpu.memory_space<hbm>>) dst(%arg10 : memref<2000xi32, #tpu.memory_space<vmem>>)
        tpu.yield
      }) : () -> ()
      %dma_start3A = arith.constant 0 : i32
      %dma_start3A_24 = tpu.memref_slice %arg9[%dma_start3A] : memref<2000xi32, #tpu.memory_space<vmem>> -> memref<80xi32, #tpu.memory_space<vmem>>
      %dma_start3A_25 = arith.constant 0 : i32
      %dma_start3A_26 = arith.constant 0 : i32
      %dma_start3A_27 = tpu.memref_slice %arg2[%dma_start3A_25, %dma_start3A_26] : memref<10000x128xf32, #tpu.memory_space<hbm>> -> memref<10000x128xf32, #tpu.memory_space<hbm>>
      tpu.enqueue_indirect_dma source(%dma_start3A_27 : memref<10000x128xf32, #tpu.memory_space<hbm>>) target(%arg11 : memref<80x128xf32, #tpu.memory_space<vmem>>) offsets(%dma_start3A_24 : memref<80xi32, #tpu.memory_space<vmem>>) semaphore(%arg15 : memref<!tpu.dma_semaphore, #tpu.memory_space<semaphore_mem>>)
      %dma_start3A_28 = arith.constant 80 : i32
      %dma_start3A_29 = tpu.memref_slice %arg9[%dma_start3A_28] : memref<2000xi32, #tpu.memory_space<vmem>> -> memref<80xi32, #tpu.memory_space<vmem>>
      %dma_start3A_30 = arith.constant 0 : i32
      %dma_start3A_31 = arith.constant 0 : i32
      %dma_start3A_32 = tpu.memref_slice %arg2[%dma_start3A_30, %dma_start3A_31] : memref<10000x128xf32, #tpu.memory_space<hbm>> -> memref<10000x128xf32, #tpu.memory_space<hbm>>
      tpu.enqueue_indirect_dma source(%dma_start3A_32 : memref<10000x128xf32, #tpu.memory_space<hbm>>) target(%arg12 : memref<80x128xf32, #tpu.memory_space<vmem>>) offsets(%dma_start3A_29 : memref<80xi32, #tpu.memory_space<vmem>>) semaphore(%arg16 : memref<!tpu.dma_semaphore, #tpu.memory_space<semaphore_mem>>)
      %dma_start3A_33 = arith.constant 160 : i32
      %dma_start3A_34 = tpu.memref_slice %arg9[%dma_start3A_33] : memref<2000xi32, #tpu.memory_space<vmem>> -> memref<80xi32, #tpu.memory_space<vmem>>
      %dma_start3A_35 = arith.constant 0 : i32
      %dma_start3A_36 = arith.constant 0 : i32
      %dma_start3A_37 = tpu.memref_slice %arg2[%dma_start3A_35, %dma_start3A_36] : memref<10000x128xf32, #tpu.memory_space<hbm>> -> memref<10000x128xf32, #tpu.memory_space<hbm>>
      tpu.enqueue_indirect_dma source(%dma_start3A_37 : memref<10000x128xf32, #tpu.memory_space<hbm>>) target(%arg13 : memref<80x128xf32, #tpu.memory_space<vmem>>) offsets(%dma_start3A_34 : memref<80xi32, #tpu.memory_space<vmem>>) semaphore(%arg17 : memref<!tpu.dma_semaphore, #tpu.memory_space<semaphore_mem>>)
      %dma_start3A_38 = arith.constant 240 : i32
      %dma_start3A_39 = tpu.memref_slice %arg9[%dma_start3A_38] : memref<2000xi32, #tpu.memory_space<vmem>> -> memref<80xi32, #tpu.memory_space<vmem>>
      %dma_start3A_40 = arith.constant 0 : i32
      %dma_start3A_41 = arith.constant 0 : i32
      %dma_start3A_42 = tpu.memref_slice %arg2[%dma_start3A_40, %dma_start3A_41] : memref<10000x128xf32, #tpu.memory_space<hbm>> -> memref<10000x128xf32, #tpu.memory_space<hbm>>
      tpu.enqueue_indirect_dma source(%dma_start3A_42 : memref<10000x128xf32, #tpu.memory_space<hbm>>) target(%arg14 : memref<80x128xf32, #tpu.memory_space<vmem>>) offsets(%dma_start3A_39 : memref<80xi32, #tpu.memory_space<vmem>>) semaphore(%arg18 : memref<!tpu.dma_semaphore, #tpu.memory_space<semaphore_mem>>)
      %scan3A_43 = arith.constant 0 : i32
      %scan3A_44 = arith.constant 0 : i32
      %scan3A_45 = arith.constant 6 : i32
      %scan3A_46 = arith.addi %scan3A_44, %scan3A_45 : i32
      %scan3A_47 = arith.constant 1 : i32
      %scan3A_48 = scf.for %scan3A_55 = %scan3A_44 to %scan3A_46 step %scan3A_47 iter_args(%scan3A_56 = %scan3A_43) -> (i32)  : i32 {
        %mul3A_57 = arith.constant 4 : i32
        %mul3A_58 = arith.muli %scan3A_55, %mul3A_57 : i32
        %add3A_59 = arith.constant 0 : i32
        %add3A_60 = arith.addi %mul3A_58, %add3A_59 : i32
        %mul3A_61 = arith.constant 80 : i32
        %mul3A_62 = arith.muli %add3A_60, %mul3A_61 : i32
        %dma_wait3A_63 = tpu.memref_slice %arg9[%mul3A_62] : memref<2000xi32, #tpu.memory_space<vmem>> -> memref<80xi32, #tpu.memory_space<vmem>>
        %dma_wait3A_64 = arith.constant 0 : i32
        %dma_wait3A_65 = arith.constant 0 : i32
        %dma_wait3A_66 = tpu.memref_slice %arg2[%dma_wait3A_64, %dma_wait3A_65] : memref<10000x128xf32, #tpu.memory_space<hbm>> -> memref<10000x128xf32, #tpu.memory_space<hbm>>
        tpu.wait_indirect_dma semaphore(%arg15 : memref<!tpu.dma_semaphore, #tpu.memory_space<semaphore_mem>>) src(%dma_wait3A_66 : memref<10000x128xf32, #tpu.memory_space<hbm>>) dst(%arg11 : memref<80x128xf32, #tpu.memory_space<vmem>>)
        %add3A_67 = arith.constant 0 : i32
        %add3A_68 = arith.addi %mul3A_58, %add3A_67 : i32
        %mul3A_69 = arith.constant 80 : i32
        %mul3A_70 = arith.muli %add3A_68, %mul3A_69 : i32
        "tpu.region"() ({
          %run_scoped3A = tpu.sem_alloc : memref<!tpu.dma_semaphore, #tpu.memory_space<semaphore_mem>>
          %dma_start3A_143 = tpu.memref_slice %arg10[%mul3A_70] : memref<2000xi32, #tpu.memory_space<vmem>> -> memref<80xi32, #tpu.memory_space<vmem>>
          %dma_start3A_144 = arith.constant 0 : i32
          %dma_start3A_145 = arith.constant 0 : i32
          %dma_start3A_146 = tpu.memref_slice %arg8[%dma_start3A_144, %dma_start3A_145] : memref<10112x128xf32, #tpu.memory_space<vmem_shared>> -> memref<10112x128xf32, #tpu.memory_space<vmem_shared>>
          tpu.enqueue_indirect_dma source(%arg11 : memref<80x128xf32, #tpu.memory_space<vmem>>) target(%dma_start3A_146 : memref<10112x128xf32, #tpu.memory_space<vmem_shared>>) offsets(%dma_start3A_143 : memref<80xi32, #tpu.memory_space<vmem>>) semaphore(%run_scoped3A : memref<!tpu.dma_semaphore, #tpu.memory_space<semaphore_mem>>) {add = true}
          %dma_wait3A_147 = tpu.memref_slice %arg10[%mul3A_70] : memref<2000xi32, #tpu.memory_space<vmem>> -> memref<80xi32, #tpu.memory_space<vmem>>
          %dma_wait3A_148 = arith.constant 0 : i32
          %dma_wait3A_149 = arith.constant 0 : i32
          %dma_wait3A_150 = tpu.memref_slice %arg8[%dma_wait3A_148, %dma_wait3A_149] : memref<10112x128xf32, #tpu.memory_space<vmem_shared>> -> memref<10112x128xf32, #tpu.memory_space<vmem_shared>>
          tpu.wait_indirect_dma semaphore(%run_scoped3A : memref<!tpu.dma_semaphore, #tpu.memory_space<semaphore_mem>>) src(%arg11 : memref<80x128xf32, #tpu.memory_space<vmem>>) dst(%dma_wait3A_150 : memref<10112x128xf32, #tpu.memory_space<vmem_shared>>)
          tpu.yield
        }) : () -> ()
        %add3A_71 = arith.constant 0 : i32
        %add3A_72 = arith.addi %mul3A_58, %add3A_71 : i32
        %add3A_73 = arith.constant 4 : i32
        %add3A_74 = arith.addi %add3A_72, %add3A_73 : i32
        %lt3A = arith.constant 25 : i32
        %lt3A_75 = arith.cmpi slt, %add3A_74, %lt3A : i32
        %convert_element_type3A_76 = arith.extui %lt3A_75 : i1 to i32
        %cond3A_77 = arith.constant 0 : i32
        %cond3A_78 = arith.cmpi ne, %convert_element_type3A_76, %cond3A_77 : i32
        scf.if %cond3A_78 {
          %add3A_143 = arith.constant 0 : i32
          %add3A_144 = arith.addi %mul3A_58, %add3A_143 : i32
          %add3A_145 = arith.constant 4 : i32
          %add3A_146 = arith.addi %add3A_144, %add3A_145 : i32
          %mul3A_147 = arith.constant 80 : i32
          %mul3A_148 = arith.muli %add3A_146, %mul3A_147 : i32
          %dma_start3A_149 = tpu.memref_slice %arg9[%mul3A_148] : memref<2000xi32, #tpu.memory_space<vmem>> -> memref<80xi32, #tpu.memory_space<vmem>>
          %dma_start3A_150 = arith.constant 0 : i32
          %dma_start3A_151 = arith.constant 0 : i32
          %dma_start3A_152 = tpu.memref_slice %arg2[%dma_start3A_150, %dma_start3A_151] : memref<10000x128xf32, #tpu.memory_space<hbm>> -> memref<10000x128xf32, #tpu.memory_space<hbm>>
          tpu.enqueue_indirect_dma source(%dma_start3A_152 : memref<10000x128xf32, #tpu.memory_space<hbm>>) target(%arg11 : memref<80x128xf32, #tpu.memory_space<vmem>>) offsets(%dma_start3A_149 : memref<80xi32, #tpu.memory_space<vmem>>) semaphore(%arg15 : memref<!tpu.dma_semaphore, #tpu.memory_space<semaphore_mem>>)
        } else {
        }
        %add3A_79 = arith.constant 1 : i32
        %add3A_80 = arith.addi %mul3A_58, %add3A_79 : i32
        %mul3A_81 = arith.constant 80 : i32
        %mul3A_82 = arith.muli %add3A_80, %mul3A_81 : i32
        %dma_wait3A_83 = tpu.memref_slice %arg9[%mul3A_82] : memref<2000xi32, #tpu.memory_space<vmem>> -> memref<80xi32, #tpu.memory_space<vmem>>
        %dma_wait3A_84 = arith.constant 0 : i32
        %dma_wait3A_85 = arith.constant 0 : i32
        %dma_wait3A_86 = tpu.memref_slice %arg2[%dma_wait3A_84, %dma_wait3A_85] : memref<10000x128xf32, #tpu.memory_space<hbm>> -> memref<10000x128xf32, #tpu.memory_space<hbm>>
        tpu.wait_indirect_dma semaphore(%arg16 : memref<!tpu.dma_semaphore, #tpu.memory_space<semaphore_mem>>) src(%dma_wait3A_86 : memref<10000x128xf32, #tpu.memory_space<hbm>>) dst(%arg12 : memref<80x128xf32, #tpu.memory_space<vmem>>)
        %add3A_87 = arith.constant 1 : i32
        %add3A_88 = arith.addi %mul3A_58, %add3A_87 : i32
        %mul3A_89 = arith.constant 80 : i32
        %mul3A_90 = arith.muli %add3A_88, %mul3A_89 : i32
        "tpu.region"() ({
          %run_scoped3A = tpu.sem_alloc : memref<!tpu.dma_semaphore, #tpu.memory_space<semaphore_mem>>
          %dma_start3A_143 = tpu.memref_slice %arg10[%mul3A_90] : memref<2000xi32, #tpu.memory_space<vmem>> -> memref<80xi32, #tpu.memory_space<vmem>>
          %dma_start3A_144 = arith.constant 0 : i32
          %dma_start3A_145 = arith.constant 0 : i32
          %dma_start3A_146 = tpu.memref_slice %arg8[%dma_start3A_144, %dma_start3A_145] : memref<10112x128xf32, #tpu.memory_space<vmem_shared>> -> memref<10112x128xf32, #tpu.memory_space<vmem_shared>>
          tpu.enqueue_indirect_dma source(%arg12 : memref<80x128xf32, #tpu.memory_space<vmem>>) target(%dma_start3A_146 : memref<10112x128xf32, #tpu.memory_space<vmem_shared>>) offsets(%dma_start3A_143 : memref<80xi32, #tpu.memory_space<vmem>>) semaphore(%run_scoped3A : memref<!tpu.dma_semaphore, #tpu.memory_space<semaphore_mem>>) {add = true}
          %dma_wait3A_147 = tpu.memref_slice %arg10[%mul3A_90] : memref<2000xi32, #tpu.memory_space<vmem>> -> memref<80xi32, #tpu.memory_space<vmem>>
          %dma_wait3A_148 = arith.constant 0 : i32
          %dma_wait3A_149 = arith.constant 0 : i32
          %dma_wait3A_150 = tpu.memref_slice %arg8[%dma_wait3A_148, %dma_wait3A_149] : memref<10112x128xf32, #tpu.memory_space<vmem_shared>> -> memref<10112x128xf32, #tpu.memory_space<vmem_shared>>
          tpu.wait_indirect_dma semaphore(%run_scoped3A : memref<!tpu.dma_semaphore, #tpu.memory_space<semaphore_mem>>) src(%arg12 : memref<80x128xf32, #tpu.memory_space<vmem>>) dst(%dma_wait3A_150 : memref<10112x128xf32, #tpu.memory_space<vmem_shared>>)
          tpu.yield
        }) : () -> ()
        %add3A_91 = arith.constant 1 : i32
        %add3A_92 = arith.addi %mul3A_58, %add3A_91 : i32
        %add3A_93 = arith.constant 4 : i32
        %add3A_94 = arith.addi %add3A_92, %add3A_93 : i32
        %lt3A_95 = arith.constant 25 : i32
        %lt3A_96 = arith.cmpi slt, %add3A_94, %lt3A_95 : i32
        %convert_element_type3A_97 = arith.extui %lt3A_96 : i1 to i32
        %cond3A_98 = arith.constant 0 : i32
        %cond3A_99 = arith.cmpi ne, %convert_element_type3A_97, %cond3A_98 : i32
        scf.if %cond3A_99 {
          %add3A_143 = arith.constant 1 : i32
          %add3A_144 = arith.addi %mul3A_58, %add3A_143 : i32
          %add3A_145 = arith.constant 4 : i32
          %add3A_146 = arith.addi %add3A_144, %add3A_145 : i32
          %mul3A_147 = arith.constant 80 : i32
          %mul3A_148 = arith.muli %add3A_146, %mul3A_147 : i32
          %dma_start3A_149 = tpu.memref_slice %arg9[%mul3A_148] : memref<2000xi32, #tpu.memory_space<vmem>> -> memref<80xi32, #tpu.memory_space<vmem>>
          %dma_start3A_150 = arith.constant 0 : i32
          %dma_start3A_151 = arith.constant 0 : i32
          %dma_start3A_152 = tpu.memref_slice %arg2[%dma_start3A_150, %dma_start3A_151] : memref<10000x128xf32, #tpu.memory_space<hbm>> -> memref<10000x128xf32, #tpu.memory_space<hbm>>
          tpu.enqueue_indirect_dma source(%dma_start3A_152 : memref<10000x128xf32, #tpu.memory_space<hbm>>) target(%arg12 : memref<80x128xf32, #tpu.memory_space<vmem>>) offsets(%dma_start3A_149 : memref<80xi32, #tpu.memory_space<vmem>>) semaphore(%arg16 : memref<!tpu.dma_semaphore, #tpu.memory_space<semaphore_mem>>)
        } else {
        }
        %add3A_100 = arith.constant 2 : i32
        %add3A_101 = arith.addi %mul3A_58, %add3A_100 : i32
        %mul3A_102 = arith.constant 80 : i32
        %mul3A_103 = arith.muli %add3A_101, %mul3A_102 : i32
        %dma_wait3A_104 = tpu.memref_slice %arg9[%mul3A_103] : memref<2000xi32, #tpu.memory_space<vmem>> -> memref<80xi32, #tpu.memory_space<vmem>>
        %dma_wait3A_105 = arith.constant 0 : i32
        %dma_wait3A_106 = arith.constant 0 : i32
        %dma_wait3A_107 = tpu.memref_slice %arg2[%dma_wait3A_105, %dma_wait3A_106] : memref<10000x128xf32, #tpu.memory_space<hbm>> -> memref<10000x128xf32, #tpu.memory_space<hbm>>
        tpu.wait_indirect_dma semaphore(%arg17 : memref<!tpu.dma_semaphore, #tpu.memory_space<semaphore_mem>>) src(%dma_wait3A_107 : memref<10000x128xf32, #tpu.memory_space<hbm>>) dst(%arg13 : memref<80x128xf32, #tpu.memory_space<vmem>>)
        %add3A_108 = arith.constant 2 : i32
        %add3A_109 = arith.addi %mul3A_58, %add3A_108 : i32
        %mul3A_110 = arith.constant 80 : i32
        %mul3A_111 = arith.muli %add3A_109, %mul3A_110 : i32
        "tpu.region"() ({
          %run_scoped3A = tpu.sem_alloc : memref<!tpu.dma_semaphore, #tpu.memory_space<semaphore_mem>>
          %dma_start3A_143 = tpu.memref_slice %arg10[%mul3A_111] : memref<2000xi32, #tpu.memory_space<vmem>> -> memref<80xi32, #tpu.memory_space<vmem>>
          %dma_start3A_144 = arith.constant 0 : i32
          %dma_start3A_145 = arith.constant 0 : i32
          %dma_start3A_146 = tpu.memref_slice %arg8[%dma_start3A_144, %dma_start3A_145] : memref<10112x128xf32, #tpu.memory_space<vmem_shared>> -> memref<10112x128xf32, #tpu.memory_space<vmem_shared>>
          tpu.enqueue_indirect_dma source(%arg13 : memref<80x128xf32, #tpu.memory_space<vmem>>) target(%dma_start3A_146 : memref<10112x128xf32, #tpu.memory_space<vmem_shared>>) offsets(%dma_start3A_143 : memref<80xi32, #tpu.memory_space<vmem>>) semaphore(%run_scoped3A : memref<!tpu.dma_semaphore, #tpu.memory_space<semaphore_mem>>) {add = true}
          %dma_wait3A_147 = tpu.memref_slice %arg10[%mul3A_111] : memref<2000xi32, #tpu.memory_space<vmem>> -> memref<80xi32, #tpu.memory_space<vmem>>
          %dma_wait3A_148 = arith.constant 0 : i32
          %dma_wait3A_149 = arith.constant 0 : i32
          %dma_wait3A_150 = tpu.memref_slice %arg8[%dma_wait3A_148, %dma_wait3A_149] : memref<10112x128xf32, #tpu.memory_space<vmem_shared>> -> memref<10112x128xf32, #tpu.memory_space<vmem_shared>>
          tpu.wait_indirect_dma semaphore(%run_scoped3A : memref<!tpu.dma_semaphore, #tpu.memory_space<semaphore_mem>>) src(%arg13 : memref<80x128xf32, #tpu.memory_space<vmem>>) dst(%dma_wait3A_150 : memref<10112x128xf32, #tpu.memory_space<vmem_shared>>)
          tpu.yield
        }) : () -> ()
        %add3A_112 = arith.constant 2 : i32
        %add3A_113 = arith.addi %mul3A_58, %add3A_112 : i32
        %add3A_114 = arith.constant 4 : i32
        %add3A_115 = arith.addi %add3A_113, %add3A_114 : i32
        %lt3A_116 = arith.constant 25 : i32
        %lt3A_117 = arith.cmpi slt, %add3A_115, %lt3A_116 : i32
        %convert_element_type3A_118 = arith.extui %lt3A_117 : i1 to i32
        %cond3A_119 = arith.constant 0 : i32
        %cond3A_120 = arith.cmpi ne, %convert_element_type3A_118, %cond3A_119 : i32
        scf.if %cond3A_120 {
          %add3A_143 = arith.constant 2 : i32
          %add3A_144 = arith.addi %mul3A_58, %add3A_143 : i32
          %add3A_145 = arith.constant 4 : i32
          %add3A_146 = arith.addi %add3A_144, %add3A_145 : i32
          %mul3A_147 = arith.constant 80 : i32
          %mul3A_148 = arith.muli %add3A_146, %mul3A_147 : i32
          %dma_start3A_149 = tpu.memref_slice %arg9[%mul3A_148] : memref<2000xi32, #tpu.memory_space<vmem>> -> memref<80xi32, #tpu.memory_space<vmem>>
          %dma_start3A_150 = arith.constant 0 : i32
          %dma_start3A_151 = arith.constant 0 : i32
          %dma_start3A_152 = tpu.memref_slice %arg2[%dma_start3A_150, %dma_start3A_151] : memref<10000x128xf32, #tpu.memory_space<hbm>> -> memref<10000x128xf32, #tpu.memory_space<hbm>>
          tpu.enqueue_indirect_dma source(%dma_start3A_152 : memref<10000x128xf32, #tpu.memory_space<hbm>>) target(%arg13 : memref<80x128xf32, #tpu.memory_space<vmem>>) offsets(%dma_start3A_149 : memref<80xi32, #tpu.memory_space<vmem>>) semaphore(%arg17 : memref<!tpu.dma_semaphore, #tpu.memory_space<semaphore_mem>>)
        } else {
        }
        %add3A_121 = arith.constant 3 : i32
        %add3A_122 = arith.addi %mul3A_58, %add3A_121 : i32
        %mul3A_123 = arith.constant 80 : i32
        %mul3A_124 = arith.muli %add3A_122, %mul3A_123 : i32
        %dma_wait3A_125 = tpu.memref_slice %arg9[%mul3A_124] : memref<2000xi32, #tpu.memory_space<vmem>> -> memref<80xi32, #tpu.memory_space<vmem>>
        %dma_wait3A_126 = arith.constant 0 : i32
        %dma_wait3A_127 = arith.constant 0 : i32
        %dma_wait3A_128 = tpu.memref_slice %arg2[%dma_wait3A_126, %dma_wait3A_127] : memref<10000x128xf32, #tpu.memory_space<hbm>> -> memref<10000x128xf32, #tpu.memory_space<hbm>>
        tpu.wait_indirect_dma semaphore(%arg18 : memref<!tpu.dma_semaphore, #tpu.memory_space<semaphore_mem>>) src(%dma_wait3A_128 : memref<10000x128xf32, #tpu.memory_space<hbm>>) dst(%arg14 : memref<80x128xf32, #tpu.memory_space<vmem>>)
        %add3A_129 = arith.constant 3 : i32
        %add3A_130 = arith.addi %mul3A_58, %add3A_129 : i32
        %mul3A_131 = arith.constant 80 : i32
        %mul3A_132 = arith.muli %add3A_130, %mul3A_131 : i32
        "tpu.region"() ({
          %run_scoped3A = tpu.sem_alloc : memref<!tpu.dma_semaphore, #tpu.memory_space<semaphore_mem>>
          %dma_start3A_143 = tpu.memref_slice %arg10[%mul3A_132] : memref<2000xi32, #tpu.memory_space<vmem>> -> memref<80xi32, #tpu.memory_space<vmem>>
          %dma_start3A_144 = arith.constant 0 : i32
          %dma_start3A_145 = arith.constant 0 : i32
          %dma_start3A_146 = tpu.memref_slice %arg8[%dma_start3A_144, %dma_start3A_145] : memref<10112x128xf32, #tpu.memory_space<vmem_shared>> -> memref<10112x128xf32, #tpu.memory_space<vmem_shared>>
          tpu.enqueue_indirect_dma source(%arg14 : memref<80x128xf32, #tpu.memory_space<vmem>>) target(%dma_start3A_146 : memref<10112x128xf32, #tpu.memory_space<vmem_shared>>) offsets(%dma_start3A_143 : memref<80xi32, #tpu.memory_space<vmem>>) semaphore(%run_scoped3A : memref<!tpu.dma_semaphore, #tpu.memory_space<semaphore_mem>>) {add = true}
          %dma_wait3A_147 = tpu.memref_slice %arg10[%mul3A_132] : memref<2000xi32, #tpu.memory_space<vmem>> -> memref<80xi32, #tpu.memory_space<vmem>>
          %dma_wait3A_148 = arith.constant 0 : i32
          %dma_wait3A_149 = arith.constant 0 : i32
          %dma_wait3A_150 = tpu.memref_slice %arg8[%dma_wait3A_148, %dma_wait3A_149] : memref<10112x128xf32, #tpu.memory_space<vmem_shared>> -> memref<10112x128xf32, #tpu.memory_space<vmem_shared>>
          tpu.wait_indirect_dma semaphore(%run_scoped3A : memref<!tpu.dma_semaphore, #tpu.memory_space<semaphore_mem>>) src(%arg14 : memref<80x128xf32, #tpu.memory_space<vmem>>) dst(%dma_wait3A_150 : memref<10112x128xf32, #tpu.memory_space<vmem_shared>>)
          tpu.yield
        }) : () -> ()
        %add3A_133 = arith.constant 3 : i32
        %add3A_134 = arith.addi %mul3A_58, %add3A_133 : i32
        %add3A_135 = arith.constant 4 : i32
        %add3A_136 = arith.addi %add3A_134, %add3A_135 : i32
        %lt3A_137 = arith.constant 25 : i32
        %lt3A_138 = arith.cmpi slt, %add3A_136, %lt3A_137 : i32
        %convert_element_type3A_139 = arith.extui %lt3A_138 : i1 to i32
        %cond3A_140 = arith.constant 0 : i32
        %cond3A_141 = arith.cmpi ne, %convert_element_type3A_139, %cond3A_140 : i32
        scf.if %cond3A_141 {
          %add3A_143 = arith.constant 3 : i32
          %add3A_144 = arith.addi %mul3A_58, %add3A_143 : i32
          %add3A_145 = arith.constant 4 : i32
          %add3A_146 = arith.addi %add3A_144, %add3A_145 : i32
          %mul3A_147 = arith.constant 80 : i32
          %mul3A_148 = arith.muli %add3A_146, %mul3A_147 : i32
          %dma_start3A_149 = tpu.memref_slice %arg9[%mul3A_148] : memref<2000xi32, #tpu.memory_space<vmem>> -> memref<80xi32, #tpu.memory_space<vmem>>
          %dma_start3A_150 = arith.constant 0 : i32
          %dma_start3A_151 = arith.constant 0 : i32
          %dma_start3A_152 = tpu.memref_slice %arg2[%dma_start3A_150, %dma_start3A_151] : memref<10000x128xf32, #tpu.memory_space<hbm>> -> memref<10000x128xf32, #tpu.memory_space<hbm>>
          tpu.enqueue_indirect_dma source(%dma_start3A_152 : memref<10000x128xf32, #tpu.memory_space<hbm>>) target(%arg14 : memref<80x128xf32, #tpu.memory_space<vmem>>) offsets(%dma_start3A_149 : memref<80xi32, #tpu.memory_space<vmem>>) semaphore(%arg18 : memref<!tpu.dma_semaphore, #tpu.memory_space<semaphore_mem>>)
        } else {
        }
        %scan3A_142 = arith.constant 0 : i32
        scf.yield %scan3A_142 : i32
      }
      %scan3A_49 = arith.constant 6 : i32
      %dma_wait3A = arith.constant 1920 : i32
      %dma_wait3A_50 = tpu.memref_slice %arg9[%dma_wait3A] : memref<2000xi32, #tpu.memory_space<vmem>> -> memref<80xi32, #tpu.memory_space<vmem>>
      %dma_wait3A_51 = arith.constant 0 : i32
      %dma_wait3A_52 = arith.constant 0 : i32
      %dma_wait3A_53 = tpu.memref_slice %arg2[%dma_wait3A_51, %dma_wait3A_52] : memref<10000x128xf32, #tpu.memory_space<hbm>> -> memref<10000x128xf32, #tpu.memory_space<hbm>>
      tpu.wait_indirect_dma semaphore(%arg15 : memref<!tpu.dma_semaphore, #tpu.memory_space<semaphore_mem>>) src(%dma_wait3A_53 : memref<10000x128xf32, #tpu.memory_space<hbm>>) dst(%arg11 : memref<80x128xf32, #tpu.memory_space<vmem>>)
      "tpu.region"() ({
        %run_scoped3A = tpu.sem_alloc : memref<!tpu.dma_semaphore, #tpu.memory_space<semaphore_mem>>
        %dma_start3A_55 = arith.constant 1920 : i32
        %dma_start3A_56 = tpu.memref_slice %arg10[%dma_start3A_55] : memref<2000xi32, #tpu.memory_space<vmem>> -> memref<80xi32, #tpu.memory_space<vmem>>
        %dma_start3A_57 = arith.constant 0 : i32
        %dma_start3A_58 = arith.constant 0 : i32
        %dma_start3A_59 = tpu.memref_slice %arg8[%dma_start3A_57, %dma_start3A_58] : memref<10112x128xf32, #tpu.memory_space<vmem_shared>> -> memref<10112x128xf32, #tpu.memory_space<vmem_shared>>
        tpu.enqueue_indirect_dma source(%arg11 : memref<80x128xf32, #tpu.memory_space<vmem>>) target(%dma_start3A_59 : memref<10112x128xf32, #tpu.memory_space<vmem_shared>>) offsets(%dma_start3A_56 : memref<80xi32, #tpu.memory_space<vmem>>) semaphore(%run_scoped3A : memref<!tpu.dma_semaphore, #tpu.memory_space<semaphore_mem>>) {add = true}
        %dma_wait3A_60 = arith.constant 1920 : i32
        %dma_wait3A_61 = tpu.memref_slice %arg10[%dma_wait3A_60] : memref<2000xi32, #tpu.memory_space<vmem>> -> memref<80xi32, #tpu.memory_space<vmem>>
        %dma_wait3A_62 = arith.constant 0 : i32
        %dma_wait3A_63 = arith.constant 0 : i32
        %dma_wait3A_64 = tpu.memref_slice %arg8[%dma_wait3A_62, %dma_wait3A_63] : memref<10112x128xf32, #tpu.memory_space<vmem_shared>> -> memref<10112x128xf32, #tpu.memory_space<vmem_shared>>
        tpu.wait_indirect_dma semaphore(%run_scoped3A : memref<!tpu.dma_semaphore, #tpu.memory_space<semaphore_mem>>) src(%arg11 : memref<80x128xf32, #tpu.memory_space<vmem>>) dst(%dma_wait3A_64 : memref<10112x128xf32, #tpu.memory_space<vmem_shared>>)
        tpu.yield
      }) : () -> ()
      %scan3A_54 = arith.constant 0 : i32
      scf.yield %scan3A_54 : i32
    }
    %scan3A_8 = arith.constant 5 : i32
    %barrier3A_9 = arith.constant 0 : index
    tpu.barrier barrier_id(%barrier3A_9)
    %eq3A = arith.constant 0 : i32
    %eq3A_10 = arith.cmpi eq, %arg0, %eq3A : i32
    %convert_element_type3A = arith.extui %eq3A_10 : i1 to i32
    %cond3A = arith.constant 0 : i32
    %cond3A_11 = arith.cmpi ne, %convert_element_type3A, %cond3A : i32
    scf.if %cond3A_11 {
      %mul3A_17 = arith.constant 632 : i32
      %mul3A_18 = arith.muli %arg1, %mul3A_17 : i32
      %mul3A_19 = arith.constant 632 : i32
      %mul3A_20 = arith.muli %arg1, %mul3A_19 : i32
      "tpu.region"() ({
        %run_scoped3A = tpu.sem_alloc : memref<!tpu.dma_semaphore, #tpu.memory_space<semaphore_mem>>
        %dma_start3A = arith.constant 0 : i32
        %dma_start3A_21 = tpu.memref_slice %arg6[%mul3A_20, %dma_start3A] : memref<10112x128xf32, #tpu.memory_space<hbm>> -> memref<632x128xf32, #tpu.memory_space<hbm>>
        %dma_start3A_22 = arith.constant 0 : i32
        %dma_start3A_23 = tpu.memref_slice %arg8[%mul3A_18, %dma_start3A_22] : memref<10112x128xf32, #tpu.memory_space<vmem_shared>> -> memref<632x128xf32, #tpu.memory_space<vmem_shared>>
        tpu.enqueue_dma source(%dma_start3A_23 : memref<632x128xf32, #tpu.memory_space<vmem_shared>>) target(%dma_start3A_21 : memref<632x128xf32, #tpu.memory_space<hbm>>) target_semaphore(%run_scoped3A : memref<!tpu.dma_semaphore, #tpu.memory_space<semaphore_mem>>)
        %dma_wait3A = arith.constant 0 : i32
        %dma_wait3A_24 = tpu.memref_slice %arg6[%mul3A_20, %dma_wait3A] : memref<10112x128xf32, #tpu.memory_space<hbm>> -> memref<632x128xf32, #tpu.memory_space<hbm>>
        %dma_wait3A_25 = arith.constant 0 : i32
        %dma_wait3A_26 = tpu.memref_slice %arg8[%mul3A_18, %dma_wait3A_25] : memref<10112x128xf32, #tpu.memory_space<vmem_shared>> -> memref<632x128xf32, #tpu.memory_space<vmem_shared>>
        tpu.wait_dma2 semaphore(%run_scoped3A : memref<!tpu.dma_semaphore, #tpu.memory_space<semaphore_mem>>) src(%dma_wait3A_26 : memref<632x128xf32, #tpu.memory_space<vmem_shared>>) dst(%dma_wait3A_24 : memref<632x128xf32, #tpu.memory_space<hbm>>)
        tpu.yield
      }) : () -> ()
    } else {
    }
    %eq3A_12 = arith.constant 1 : i32
    %eq3A_13 = arith.cmpi eq, %arg0, %eq3A_12 : i32
    %convert_element_type3A_14 = arith.extui %eq3A_13 : i1 to i32
    %cond3A_15 = arith.constant 0 : i32
    %cond3A_16 = arith.cmpi ne, %convert_element_type3A_14, %cond3A_15 : i32
    scf.if %cond3A_16 {
      %mul3A_17 = arith.constant 632 : i32
      %mul3A_18 = arith.muli %arg1, %mul3A_17 : i32
      %mul3A_19 = arith.constant 632 : i32
      %mul3A_20 = arith.muli %arg1, %mul3A_19 : i32
      "tpu.region"() ({
        %run_scoped3A = tpu.sem_alloc : memref<!tpu.dma_semaphore, #tpu.memory_space<semaphore_mem>>
        %dma_start3A = arith.constant 0 : i32
        %dma_start3A_21 = tpu.memref_slice %arg7[%mul3A_20, %dma_start3A] : memref<10112x128xf32, #tpu.memory_space<hbm>> -> memref<632x128xf32, #tpu.memory_space<hbm>>
        %dma_start3A_22 = arith.constant 0 : i32
        %dma_start3A_23 = tpu.memref_slice %arg8[%mul3A_18, %dma_start3A_22] : memref<10112x128xf32, #tpu.memory_space<vmem_shared>> -> memref<632x128xf32, #tpu.memory_space<vmem_shared>>
        tpu.enqueue_dma source(%dma_start3A_23 : memref<632x128xf32, #tpu.memory_space<vmem_shared>>) target(%dma_start3A_21 : memref<632x128xf32, #tpu.memory_space<hbm>>) target_semaphore(%run_scoped3A : memref<!tpu.dma_semaphore, #tpu.memory_space<semaphore_mem>>)
        %dma_wait3A = arith.constant 0 : i32
        %dma_wait3A_24 = tpu.memref_slice %arg7[%mul3A_20, %dma_wait3A] : memref<10112x128xf32, #tpu.memory_space<hbm>> -> memref<632x128xf32, #tpu.memory_space<hbm>>
        %dma_wait3A_25 = arith.constant 0 : i32
        %dma_wait3A_26 = tpu.memref_slice %arg8[%mul3A_18, %dma_wait3A_25] : memref<10112x128xf32, #tpu.memory_space<vmem_shared>> -> memref<632x128xf32, #tpu.memory_space<vmem_shared>>
        tpu.wait_dma2 semaphore(%run_scoped3A : memref<!tpu.dma_semaphore, #tpu.memory_space<semaphore_mem>>) src(%dma_wait3A_26 : memref<632x128xf32, #tpu.memory_space<vmem_shared>>) dst(%dma_wait3A_24 : memref<632x128xf32, #tpu.memory_space<hbm>>)
        tpu.yield
      }) : () -> ()
    } else {
    }
    return
  }
}

module attributes {stable_mosaic.version = 14 : i64} {
  func.func @_tc_layer0_body(%arg0: i32, %arg1: memref<1000x128xf32, #tpu.memory_space<vmem>>, %arg2: memref<1000x200xf32, #tpu.memory_space<vmem>>, %arg3: memref<200x128xf32, #tpu.memory_space<vmem>>, %arg4: memref<128x128xf32, #tpu.memory_space<vmem>>, %arg5: memref<128x128xf32, #tpu.memory_space<vmem>>, %arg6: memref<128x128xf32, #tpu.memory_space<vmem>>, %arg7: memref<1000x1xf32, #tpu.memory_space<vmem>>, %arg8: memref<1000x128xf32, #tpu.memory_space<vmem>>, %arg9: memref<1000x128xf32, #tpu.memory_space<vmem>>) attributes {dimension_semantics = [#tpu.dimension_semantics<arbitrary>], iteration_bounds = array<i64: 10>, scalar_prefetch = 0 : i64, scratch_operands = 0 : i64, tpu.core_type = #tpu.core_type<tc>, window_params = [{transform_indices = @transform_0, window_bounds = array<i64: 1000, 128>}, {transform_indices = @transform_1, window_bounds = array<i64: 1000, 200>}, {pipeline_mode = #tpu.pipeline_mode<synchronous>, transform_indices = @transform_2, window_bounds = array<i64: 200, 128>}, {pipeline_mode = #tpu.pipeline_mode<synchronous>, transform_indices = @transform_3, window_bounds = array<i64: 128, 128>}, {pipeline_mode = #tpu.pipeline_mode<synchronous>, transform_indices = @transform_4, window_bounds = array<i64: 128, 128>}, {pipeline_mode = #tpu.pipeline_mode<synchronous>, transform_indices = @transform_5, window_bounds = array<i64: 128, 128>}, {transform_indices = @transform_6, window_bounds = array<i64: 1000, 1>}, {transform_indices = @transform_7, window_bounds = array<i64: 1000, 128>}, {transform_indices = @transform_8, window_bounds = array<i64: 1000, 128>}]} {
    %get3A = arith.constant 0 : index
    %get3A_0 = arith.constant 0 : index
    %get3A_1 = vector.load %arg1[%get3A, %get3A_0] : memref<1000x128xf32, #tpu.memory_space<vmem>>, vector<1000x128xf32>
    %get3A_2 = arith.constant 0 : index
    %get3A_3 = arith.constant 0 : index
    %get3A_4 = vector.load %arg2[%get3A_2, %get3A_3] : memref<1000x200xf32, #tpu.memory_space<vmem>>, vector<1000x200xf32>
    %get3A_5 = arith.constant 0 : index
    %get3A_6 = arith.constant 0 : index
    %get3A_7 = vector.load %arg3[%get3A_5, %get3A_6] : memref<200x128xf32, #tpu.memory_space<vmem>>, vector<200x128xf32>
    %get3A_8 = arith.constant 0 : index
    %get3A_9 = arith.constant 0 : index
    %get3A_10 = vector.load %arg4[%get3A_8, %get3A_9] : memref<128x128xf32, #tpu.memory_space<vmem>>, vector<128x128xf32>
    %get3A_11 = arith.constant 0 : index
    %get3A_12 = arith.constant 0 : index
    %get3A_13 = vector.load %arg5[%get3A_11, %get3A_12] : memref<128x128xf32, #tpu.memory_space<vmem>>, vector<128x128xf32>
    %get3A_14 = arith.constant 0 : index
    %get3A_15 = arith.constant 0 : index
    %get3A_16 = vector.load %arg6[%get3A_14, %get3A_15] : memref<128x128xf32, #tpu.memory_space<vmem>>, vector<128x128xf32>
    %get3A_17 = arith.constant 0 : index
    %get3A_18 = arith.constant 0 : index
    %get3A_19 = vector.load %arg7[%get3A_17, %get3A_18] : memref<1000x1xf32, #tpu.memory_space<vmem>>, vector<1000x1xf32>
    %dot_general3A = arith.constant dense<0.000000e+00> : vector<200x128xf32>
    %dot_general3A_20 = tpu.matmul %get3A_7, %get3A_10, %dot_general3A {dimension_numbers = #tpu.dot_dimension_numbers<[1], [0], [0], [1], [0, 0, 1, 1], [], []>, transpose_lhs_hint = false} : vector<200x128xf32>, vector<128x128xf32>, vector<200x128xf32> -> vector<200x128xf32>
    %dot_general3A_21 = arith.constant dense<0.000000e+00> : vector<1000x128xf32>
    %dot_general3A_22 = tpu.matmul %get3A_1, %get3A_10, %dot_general3A_21 {dimension_numbers = #tpu.dot_dimension_numbers<[1], [0], [0], [1], [0, 0, 1, 1], [], []>, transpose_lhs_hint = false} : vector<1000x128xf32>, vector<128x128xf32>, vector<1000x128xf32> -> vector<1000x128xf32>
    %swap3A = arith.constant 0 : index
    %swap3A_23 = arith.constant 0 : index
    %swap3A_24 = vector.load %arg8[%swap3A, %swap3A_23] : memref<1000x128xf32, #tpu.memory_space<vmem>>, vector<1000x128xf32>
    tpu.vector_store %arg8[%swap3A, %swap3A_23], %dot_general3A_22 {strides = array<i32>} : memref<1000x128xf32, #tpu.memory_space<vmem>>, vector<1000x128xf32>,
    %dot_general3A_25 = arith.constant dense<0.000000e+00> : vector<1000x128xf32>
    %dot_general3A_26 = tpu.matmul %get3A_4, %dot_general3A_20, %dot_general3A_25 {dimension_numbers = #tpu.dot_dimension_numbers<[1], [0], [0], [1], [0, 0, 1, 1], [], []>, transpose_lhs_hint = false} : vector<1000x200xf32>, vector<200x128xf32>, vector<1000x128xf32> -> vector<1000x128xf32>
    %reduce_sum3A = arith.constant dense<0.000000e+00> : vector<1000xf32>
    %reduce_sum3A_27 = vector.multi_reduction <add>, %get3A_4, %reduce_sum3A [1] : vector<1000x200xf32> to vector<1000xf32>
    %broadcast_in_dim3A = vector.shape_cast %reduce_sum3A_27 : vector<1000xf32> to vector<1000x1xf32>
    %gt3A = arith.constant 0.000000e+00 : f32
    %gt3A_28 = vector.broadcast %gt3A : f32 to vector<1000x1xf32>
    %gt3A_29 = arith.cmpf ogt, %broadcast_in_dim3A, %gt3A_28 : vector<1000x1xf32>
    %dot_general3A_30 = arith.constant dense<0.000000e+00> : vector<1000x128xf32>
    %dot_general3A_31 = tpu.matmul %get3A_1, %get3A_13, %dot_general3A_30 {dimension_numbers = #tpu.dot_dimension_numbers<[1], [0], [0], [1], [0, 0, 1, 1], [], []>, transpose_lhs_hint = false} : vector<1000x128xf32>, vector<128x128xf32>, vector<1000x128xf32> -> vector<1000x128xf32>
    %dot_general3A_32 = arith.constant dense<0.000000e+00> : vector<1000x128xf32>
    %dot_general3A_33 = tpu.matmul %get3A_1, %get3A_16, %dot_general3A_32 {dimension_numbers = #tpu.dot_dimension_numbers<[1], [0], [0], [1], [0, 0, 1, 1], [], []>, transpose_lhs_hint = false} : vector<1000x128xf32>, vector<128x128xf32>, vector<1000x128xf32> -> vector<1000x128xf32>
    %broadcast_in_dim3A_34 = vector.shape_cast %gt3A_29 : vector<1000x1xi1> to vector<1000x1xi1>
    %broadcast_in_dim3A_35 = vector.broadcast %broadcast_in_dim3A_34 : vector<1000x1xi1> to vector<1000x128xi1>
    %select_n3A = arith.select %broadcast_in_dim3A_35, %dot_general3A_31, %dot_general3A_33 : vector<1000x128xi1>, vector<1000x128xf32>
    %mul3A = vector.broadcast %get3A_19 : vector<1000x1xf32> to vector<1000x128xf32>
    %mul3A_36 = arith.mulf %dot_general3A_26, %mul3A : vector<1000x128xf32>
    %add3A = arith.addf %mul3A_36, %select_n3A : vector<1000x128xf32>
    %swap3A_37 = arith.constant 0 : index
    %swap3A_38 = arith.constant 0 : index
    %swap3A_39 = vector.load %arg9[%swap3A_37, %swap3A_38] : memref<1000x128xf32, #tpu.memory_space<vmem>>, vector<1000x128xf32>
    tpu.vector_store %arg9[%swap3A_37, %swap3A_38], %add3A {strides = array<i32>} : memref<1000x128xf32, #tpu.memory_space<vmem>>, vector<1000x128xf32>,
    return
  }
  func.func @transform_0(%arg0: i32) -> (i32, i32) {
    %c0_i32 = arith.constant 0 : i32
    %c0_i32_0 = arith.constant 0 : i32
    return %arg0, %c0_i32 : i32, i32
  }
  func.func @transform_1(%arg0: i32) -> (i32, i32) {
    %c0_i32 = arith.constant 0 : i32
    %c0_i32_0 = arith.constant 0 : i32
    return %arg0, %c0_i32 : i32, i32
  }
  func.func @transform_2(%arg0: i32) -> (i32, i32) {
    %c0_i32 = arith.constant 0 : i32
    %c0_i32_0 = arith.constant 0 : i32
    %c0_i32_1 = arith.constant 0 : i32
    return %c0_i32, %c0_i32_0 : i32, i32
  }
  func.func @transform_3(%arg0: i32) -> (i32, i32) {
    %c0_i32 = arith.constant 0 : i32
    %c0_i32_0 = arith.constant 0 : i32
    %c0_i32_1 = arith.constant 0 : i32
    return %c0_i32, %c0_i32_0 : i32, i32
  }
  func.func @transform_4(%arg0: i32) -> (i32, i32) {
    %c0_i32 = arith.constant 0 : i32
    %c0_i32_0 = arith.constant 0 : i32
    %c0_i32_1 = arith.constant 0 : i32
    return %c0_i32, %c0_i32_0 : i32, i32
  }
  func.func @transform_5(%arg0: i32) -> (i32, i32) {
    %c0_i32 = arith.constant 0 : i32
    %c0_i32_0 = arith.constant 0 : i32
    %c0_i32_1 = arith.constant 0 : i32
    return %c0_i32, %c0_i32_0 : i32, i32
  }
  func.func @transform_6(%arg0: i32) -> (i32, i32) {
    %c0_i32 = arith.constant 0 : i32
    %c0_i32_0 = arith.constant 0 : i32
    return %arg0, %c0_i32 : i32, i32
  }
  func.func @transform_7(%arg0: i32) -> (i32, i32) {
    %c0_i32 = arith.constant 0 : i32
    %c0_i32_0 = arith.constant 0 : i32
    return %arg0, %c0_i32 : i32, i32
  }
  func.func @transform_8(%arg0: i32) -> (i32, i32) {
    %c0_i32 = arith.constant 0 : i32
    %c0_i32_0 = arith.constant 0 : i32
    return %arg0, %c0_i32 : i32, i32
  }
}

module attributes {stable_mosaic.version = 14 : i64} {
  func.func @_tc_layer1_body(%arg0: i32, %arg1: memref<1000x128xf32, #tpu.memory_space<vmem>>, %arg2: memref<1000x128xf32, #tpu.memory_space<vmem>>, %arg3: memref<1000x128xf32, #tpu.memory_space<vmem>>, %arg4: memref<1000x200xf32, #tpu.memory_space<vmem>>, %arg5: memref<200x128xf32, #tpu.memory_space<vmem>>, %arg6: memref<128x128xf32, #tpu.memory_space<vmem>>, %arg7: memref<128x128xf32, #tpu.memory_space<vmem>>, %arg8: memref<128x128xf32, #tpu.memory_space<vmem>>, %arg9: memref<1000x1xf32, #tpu.memory_space<vmem>>, %arg10: memref<1000x128xf32, #tpu.memory_space<vmem>>, %arg11: memref<1000x128xf32, #tpu.memory_space<vmem>>) attributes {dimension_semantics = [#tpu.dimension_semantics<arbitrary>], iteration_bounds = array<i64: 10>, scalar_prefetch = 0 : i64, scratch_operands = 0 : i64, tpu.core_type = #tpu.core_type<tc>, window_params = [{transform_indices = @transform_0, window_bounds = array<i64: 1000, 128>}, {transform_indices = @transform_1, window_bounds = array<i64: 1000, 128>}, {transform_indices = @transform_2, window_bounds = array<i64: 1000, 128>}, {transform_indices = @transform_3, window_bounds = array<i64: 1000, 200>}, {pipeline_mode = #tpu.pipeline_mode<synchronous>, transform_indices = @transform_4, window_bounds = array<i64: 200, 128>}, {pipeline_mode = #tpu.pipeline_mode<synchronous>, transform_indices = @transform_5, window_bounds = array<i64: 128, 128>}, {pipeline_mode = #tpu.pipeline_mode<synchronous>, transform_indices = @transform_6, window_bounds = array<i64: 128, 128>}, {pipeline_mode = #tpu.pipeline_mode<synchronous>, transform_indices = @transform_7, window_bounds = array<i64: 128, 128>}, {transform_indices = @transform_8, window_bounds = array<i64: 1000, 1>}, {transform_indices = @transform_9, window_bounds = array<i64: 1000, 128>}, {transform_indices = @transform_10, window_bounds = array<i64: 1000, 128>}]} {
    %get3A = arith.constant 0 : index
    %get3A_0 = arith.constant 0 : index
    %get3A_1 = vector.load %arg1[%get3A, %get3A_0] : memref<1000x128xf32, #tpu.memory_space<vmem>>, vector<1000x128xf32>
    %get3A_2 = arith.constant 0 : index
    %get3A_3 = arith.constant 0 : index
    %get3A_4 = vector.load %arg2[%get3A_2, %get3A_3] : memref<1000x128xf32, #tpu.memory_space<vmem>>, vector<1000x128xf32>
    %add3A = arith.addf %get3A_1, %get3A_4 : vector<1000x128xf32>
    %get3A_5 = arith.constant 0 : index
    %get3A_6 = arith.constant 0 : index
    %get3A_7 = vector.load %arg9[%get3A_5, %get3A_6] : memref<1000x1xf32, #tpu.memory_space<vmem>>, vector<1000x1xf32>
    %mul3A = vector.broadcast %get3A_7 : vector<1000x1xf32> to vector<1000x128xf32>
    %mul3A_8 = arith.mulf %add3A, %mul3A : vector<1000x128xf32>
    %get3A_9 = arith.constant 0 : index
    %get3A_10 = arith.constant 0 : index
    %get3A_11 = vector.load %arg3[%get3A_9, %get3A_10] : memref<1000x128xf32, #tpu.memory_space<vmem>>, vector<1000x128xf32>
    %add3A_12 = arith.addf %mul3A_8, %get3A_11 : vector<1000x128xf32>
    %ge3A = arith.constant 0.000000e+00 : f32
    %ge3A_13 = vector.broadcast %ge3A : f32 to vector<1000x128xf32>
    %ge3A_14 = arith.cmpf oge, %add3A_12, %ge3A_13 : vector<1000x128xf32>
    %mul3A_15 = arith.constant 0.229166672 : f32
    %mul3A_16 = vector.broadcast %mul3A_15 : f32 to vector<1000x128xf32>
    %mul3A_17 = arith.mulf %add3A_12, %mul3A_16 : vector<1000x128xf32>
    %select_n3A = arith.select %ge3A_14, %add3A_12, %mul3A_17 : vector<1000x128xi1>, vector<1000x128xf32>
    %get3A_18 = arith.constant 0 : index
    %get3A_19 = arith.constant 0 : index
    %get3A_20 = vector.load %arg4[%get3A_18, %get3A_19] : memref<1000x200xf32, #tpu.memory_space<vmem>>, vector<1000x200xf32>
    %get3A_21 = arith.constant 0 : index
    %get3A_22 = arith.constant 0 : index
    %get3A_23 = vector.load %arg5[%get3A_21, %get3A_22] : memref<200x128xf32, #tpu.memory_space<vmem>>, vector<200x128xf32>
    %get3A_24 = arith.constant 0 : index
    %get3A_25 = arith.constant 0 : index
    %get3A_26 = vector.load %arg6[%get3A_24, %get3A_25] : memref<128x128xf32, #tpu.memory_space<vmem>>, vector<128x128xf32>
    %get3A_27 = arith.constant 0 : index
    %get3A_28 = arith.constant 0 : index
    %get3A_29 = vector.load %arg7[%get3A_27, %get3A_28] : memref<128x128xf32, #tpu.memory_space<vmem>>, vector<128x128xf32>
    %get3A_30 = arith.constant 0 : index
    %get3A_31 = arith.constant 0 : index
    %get3A_32 = vector.load %arg8[%get3A_30, %get3A_31] : memref<128x128xf32, #tpu.memory_space<vmem>>, vector<128x128xf32>
    %get3A_33 = arith.constant 0 : index
    %get3A_34 = arith.constant 0 : index
    %get3A_35 = vector.load %arg9[%get3A_33, %get3A_34] : memref<1000x1xf32, #tpu.memory_space<vmem>>, vector<1000x1xf32>
    %dot_general3A = arith.constant dense<0.000000e+00> : vector<200x128xf32>
    %dot_general3A_36 = tpu.matmul %get3A_23, %get3A_26, %dot_general3A {dimension_numbers = #tpu.dot_dimension_numbers<[1], [0], [0], [1], [0, 0, 1, 1], [], []>, transpose_lhs_hint = false} : vector<200x128xf32>, vector<128x128xf32>, vector<200x128xf32> -> vector<200x128xf32>
    %dot_general3A_37 = arith.constant dense<0.000000e+00> : vector<1000x128xf32>
    %dot_general3A_38 = tpu.matmul %select_n3A, %get3A_26, %dot_general3A_37 {dimension_numbers = #tpu.dot_dimension_numbers<[1], [0], [0], [1], [0, 0, 1, 1], [], []>, transpose_lhs_hint = false} : vector<1000x128xf32>, vector<128x128xf32>, vector<1000x128xf32> -> vector<1000x128xf32>
    %swap3A = arith.constant 0 : index
    %swap3A_39 = arith.constant 0 : index
    %swap3A_40 = vector.load %arg10[%swap3A, %swap3A_39] : memref<1000x128xf32, #tpu.memory_space<vmem>>, vector<1000x128xf32>
    tpu.vector_store %arg10[%swap3A, %swap3A_39], %dot_general3A_38 {strides = array<i32>} : memref<1000x128xf32, #tpu.memory_space<vmem>>, vector<1000x128xf32>,
    %dot_general3A_41 = arith.constant dense<0.000000e+00> : vector<1000x128xf32>
    %dot_general3A_42 = tpu.matmul %get3A_20, %dot_general3A_36, %dot_general3A_41 {dimension_numbers = #tpu.dot_dimension_numbers<[1], [0], [0], [1], [0, 0, 1, 1], [], []>, transpose_lhs_hint = false} : vector<1000x200xf32>, vector<200x128xf32>, vector<1000x128xf32> -> vector<1000x128xf32>
    %reduce_sum3A = arith.constant dense<0.000000e+00> : vector<1000xf32>
    %reduce_sum3A_43 = vector.multi_reduction <add>, %get3A_20, %reduce_sum3A [1] : vector<1000x200xf32> to vector<1000xf32>
    %broadcast_in_dim3A = vector.shape_cast %reduce_sum3A_43 : vector<1000xf32> to vector<1000x1xf32>
    %gt3A = arith.constant 0.000000e+00 : f32
    %gt3A_44 = vector.broadcast %gt3A : f32 to vector<1000x1xf32>
    %gt3A_45 = arith.cmpf ogt, %broadcast_in_dim3A, %gt3A_44 : vector<1000x1xf32>
    %dot_general3A_46 = arith.constant dense<0.000000e+00> : vector<1000x128xf32>
    %dot_general3A_47 = tpu.matmul %select_n3A, %get3A_29, %dot_general3A_46 {dimension_numbers = #tpu.dot_dimension_numbers<[1], [0], [0], [1], [0, 0, 1, 1], [], []>, transpose_lhs_hint = false} : vector<1000x128xf32>, vector<128x128xf32>, vector<1000x128xf32> -> vector<1000x128xf32>
    %dot_general3A_48 = arith.constant dense<0.000000e+00> : vector<1000x128xf32>
    %dot_general3A_49 = tpu.matmul %select_n3A, %get3A_32, %dot_general3A_48 {dimension_numbers = #tpu.dot_dimension_numbers<[1], [0], [0], [1], [0, 0, 1, 1], [], []>, transpose_lhs_hint = false} : vector<1000x128xf32>, vector<128x128xf32>, vector<1000x128xf32> -> vector<1000x128xf32>
    %broadcast_in_dim3A_50 = vector.shape_cast %gt3A_45 : vector<1000x1xi1> to vector<1000x1xi1>
    %broadcast_in_dim3A_51 = vector.broadcast %broadcast_in_dim3A_50 : vector<1000x1xi1> to vector<1000x128xi1>
    %select_n3A_52 = arith.select %broadcast_in_dim3A_51, %dot_general3A_47, %dot_general3A_49 : vector<1000x128xi1>, vector<1000x128xf32>
    %mul3A_53 = vector.broadcast %get3A_35 : vector<1000x1xf32> to vector<1000x128xf32>
    %mul3A_54 = arith.mulf %dot_general3A_42, %mul3A_53 : vector<1000x128xf32>
    %add3A_55 = arith.addf %mul3A_54, %select_n3A_52 : vector<1000x128xf32>
    %swap3A_56 = arith.constant 0 : index
    %swap3A_57 = arith.constant 0 : index
    %swap3A_58 = vector.load %arg11[%swap3A_56, %swap3A_57] : memref<1000x128xf32, #tpu.memory_space<vmem>>, vector<1000x128xf32>
    tpu.vector_store %arg11[%swap3A_56, %swap3A_57], %add3A_55 {strides = array<i32>} : memref<1000x128xf32, #tpu.memory_space<vmem>>, vector<1000x128xf32>,
    return
  }
  func.func @transform_0(%arg0: i32) -> (i32, i32) {
    %c0_i32 = arith.constant 0 : i32
    %c0_i32_0 = arith.constant 0 : i32
    return %arg0, %c0_i32 : i32, i32
  }
  func.func @transform_1(%arg0: i32) -> (i32, i32) {
    %c0_i32 = arith.constant 0 : i32
    %c0_i32_0 = arith.constant 0 : i32
    return %arg0, %c0_i32 : i32, i32
  }
  func.func @transform_2(%arg0: i32) -> (i32, i32) {
    %c0_i32 = arith.constant 0 : i32
    %c0_i32_0 = arith.constant 0 : i32
    return %arg0, %c0_i32 : i32, i32
  }
  func.func @transform_3(%arg0: i32) -> (i32, i32) {
    %c0_i32 = arith.constant 0 : i32
    %c0_i32_0 = arith.constant 0 : i32
    return %arg0, %c0_i32 : i32, i32
  }
  func.func @transform_4(%arg0: i32) -> (i32, i32) {
    %c0_i32 = arith.constant 0 : i32
    %c0_i32_0 = arith.constant 0 : i32
    %c0_i32_1 = arith.constant 0 : i32
    return %c0_i32, %c0_i32_0 : i32, i32
  }
  func.func @transform_5(%arg0: i32) -> (i32, i32) {
    %c0_i32 = arith.constant 0 : i32
    %c0_i32_0 = arith.constant 0 : i32
    %c0_i32_1 = arith.constant 0 : i32
    return %c0_i32, %c0_i32_0 : i32, i32
  }
  func.func @transform_6(%arg0: i32) -> (i32, i32) {
    %c0_i32 = arith.constant 0 : i32
    %c0_i32_0 = arith.constant 0 : i32
    %c0_i32_1 = arith.constant 0 : i32
    return %c0_i32, %c0_i32_0 : i32, i32
  }
  func.func @transform_7(%arg0: i32) -> (i32, i32) {
    %c0_i32 = arith.constant 0 : i32
    %c0_i32_0 = arith.constant 0 : i32
    %c0_i32_1 = arith.constant 0 : i32
    return %c0_i32, %c0_i32_0 : i32, i32
  }
  func.func @transform_8(%arg0: i32) -> (i32, i32) {
    %c0_i32 = arith.constant 0 : i32
    %c0_i32_0 = arith.constant 0 : i32
    return %arg0, %c0_i32 : i32, i32
  }
  func.func @transform_9(%arg0: i32) -> (i32, i32) {
    %c0_i32 = arith.constant 0 : i32
    %c0_i32_0 = arith.constant 0 : i32
    return %arg0, %c0_i32 : i32, i32
  }
  func.func @transform_10(%arg0: i32) -> (i32, i32) {
    %c0_i32 = arith.constant 0 : i32
    %c0_i32_0 = arith.constant 0 : i32
    return %arg0, %c0_i32 : i32, i32
  }
}

module attributes {stable_mosaic.version = 14 : i64} {
  func.func @_tc_final_body(%arg0: i32, %arg1: memref<1000x128xf32, #tpu.memory_space<vmem>>, %arg2: memref<1000x128xf32, #tpu.memory_space<vmem>>, %arg3: memref<1000x128xf32, #tpu.memory_space<vmem>>, %arg4: memref<1000x1xf32, #tpu.memory_space<vmem>>, %arg5: memref<1000x128xf32, #tpu.memory_space<vmem>>) attributes {dimension_semantics = [#tpu.dimension_semantics<arbitrary>], iteration_bounds = array<i64: 10>, scalar_prefetch = 0 : i64, scratch_operands = 0 : i64, tpu.core_type = #tpu.core_type<tc>, window_params = [{transform_indices = @transform_0, window_bounds = array<i64: 1000, 128>}, {transform_indices = @transform_1, window_bounds = array<i64: 1000, 128>}, {transform_indices = @transform_2, window_bounds = array<i64: 1000, 128>}, {transform_indices = @transform_3, window_bounds = array<i64: 1000, 1>}, {transform_indices = @transform_4, window_bounds = array<i64: 1000, 128>}]} {
    %get3A = arith.constant 0 : index
    %get3A_0 = arith.constant 0 : index
    %get3A_1 = vector.load %arg1[%get3A, %get3A_0] : memref<1000x128xf32, #tpu.memory_space<vmem>>, vector<1000x128xf32>
    %get3A_2 = arith.constant 0 : index
    %get3A_3 = arith.constant 0 : index
    %get3A_4 = vector.load %arg2[%get3A_2, %get3A_3] : memref<1000x128xf32, #tpu.memory_space<vmem>>, vector<1000x128xf32>
    %add3A = arith.addf %get3A_1, %get3A_4 : vector<1000x128xf32>
    %get3A_5 = arith.constant 0 : index
    %get3A_6 = arith.constant 0 : index
    %get3A_7 = vector.load %arg4[%get3A_5, %get3A_6] : memref<1000x1xf32, #tpu.memory_space<vmem>>, vector<1000x1xf32>
    %mul3A = vector.broadcast %get3A_7 : vector<1000x1xf32> to vector<1000x128xf32>
    %mul3A_8 = arith.mulf %add3A, %mul3A : vector<1000x128xf32>
    %get3A_9 = arith.constant 0 : index
    %get3A_10 = arith.constant 0 : index
    %get3A_11 = vector.load %arg3[%get3A_9, %get3A_10] : memref<1000x128xf32, #tpu.memory_space<vmem>>, vector<1000x128xf32>
    %add3A_12 = arith.addf %mul3A_8, %get3A_11 : vector<1000x128xf32>
    %ge3A = arith.constant 0.000000e+00 : f32
    %ge3A_13 = vector.broadcast %ge3A : f32 to vector<1000x128xf32>
    %ge3A_14 = arith.cmpf oge, %add3A_12, %ge3A_13 : vector<1000x128xf32>
    %mul3A_15 = arith.constant 0.229166672 : f32
    %mul3A_16 = vector.broadcast %mul3A_15 : f32 to vector<1000x128xf32>
    %mul3A_17 = arith.mulf %add3A_12, %mul3A_16 : vector<1000x128xf32>
    %select_n3A = arith.select %ge3A_14, %add3A_12, %mul3A_17 : vector<1000x128xi1>, vector<1000x128xf32>
    %swap3A = arith.constant 0 : index
    %swap3A_18 = arith.constant 0 : index
    %swap3A_19 = vector.load %arg5[%swap3A, %swap3A_18] : memref<1000x128xf32, #tpu.memory_space<vmem>>, vector<1000x128xf32>
    tpu.vector_store %arg5[%swap3A, %swap3A_18], %select_n3A {strides = array<i32>} : memref<1000x128xf32, #tpu.memory_space<vmem>>, vector<1000x128xf32>,
    return
  }
  func.func @transform_0(%arg0: i32) -> (i32, i32) {
    %c0_i32 = arith.constant 0 : i32
    %c0_i32_0 = arith.constant 0 : i32
    return %arg0, %c0_i32 : i32, i32
  }
  func.func @transform_1(%arg0: i32) -> (i32, i32) {
    %c0_i32 = arith.constant 0 : i32
    %c0_i32_0 = arith.constant 0 : i32
    return %arg0, %c0_i32 : i32, i32
  }
  func.func @transform_2(%arg0: i32) -> (i32, i32) {
    %c0_i32 = arith.constant 0 : i32
    %c0_i32_0 = arith.constant 0 : i32
    return %arg0, %c0_i32 : i32, i32
  }
  func.func @transform_3(%arg0: i32) -> (i32, i32) {
    %c0_i32 = arith.constant 0 : i32
    %c0_i32_0 = arith.constant 0 : i32
    return %arg0, %c0_i32 : i32, i32
  }
  func.func @transform_4(%arg0: i32) -> (i32, i32) {
    %c0_i32 = arith.constant 0 : i32
    %c0_i32_0 = arith.constant 0 : i32
    return %arg0, %c0_i32 : i32, i32
  }
}

</mosaic_0001>

<sc_bundles>
// kernel: _run.11.cloned.1.call-start
scs
__scs_entry_jumppad:
0x0: {  	(pc) =	sbr.rel $0x88, $3  }
0x1: {  	(tag) =	ssettag $0x0;
	lr =	simm.s32 $0x1  }
0x2: {  	[smem:$0x3F96] =	sst lr;
	_ =	strace $0xD0000000  }
0x3: {  	_ = 	snop  }
0x4: {  	_ = 	snop  }
0x5: {  	_ = 	snop  }
0x6: {  	_ = 	snop  }
0x7: {  	_ = 	snop  }
__scs_overlays_trampoline_lowered:
0x8: {  	[smem:$0x3FA5] =	sst s0  }
0x9: {  	[smem:$0x3FA6] =	sst s1  }
0xa: {  	[smem:$0x3FA7] =	sst s2  }
0xb: {  	[smem:$0x3FA8] =	sst s3  }
0xc: {  	[smem:$0x3FA9] =	sst s4  }
0xd: {  	[smem:$0x3FAA] =	sst s5  }
0xe: {  	[smem:$0x3FAB] =	sst s6  }
0xf: {  	[smem:$0x3FAC] =	sst s7  }
0x10: {  	[smem:$0x3FAD] =	sst s8  }
0x11: {  	[smem:$0x3FAE] =	sst s9;
	s0 =	simm.s32 @!p0 $0x0  }
0x12: {  	s1 =	sld [smem:$0x3F94];
	s0 =	simm.s32 @p0 $0x1  }
0x13: {  	[smem:$0x3FAF] =	sst s0;
	s0 =	simm.s32 @!p1 $0x0  }
0x14: {  	s2 =	sld [smem:$0x3F93];
	s0 =	simm.s32 @p1 $0x1  }
0x15: {  	[smem:$0x3FB0] =	sst s0;
	s0 =	simm.s32 @!p2 $0x0  }
0x16: {  	s3 =	sld [smem:$0x3FDB];
	s0 =	simm.s32 @p2 $0x1  }
0x17: {  	s4 =	simm.s32 $0x1BF5;
	[smem:$0x3FB2] =	sst s0  }
0x18: {  	s0 =	sld [smem:$0x3F95];
	_ =	swait.ge [sflag:s4], $0x0  }
0x19: {  	s7 =	sld [smem:$0x3F96]  }
0x1a: {  	s8 =	sadd.s32 $0xFFFFE003, lr  }
0x1b: {  	s9 =	sadd.s32 $0xFFFFFEF7, lr;
	s5 =	simm.s32 $0xFFFFFFFF;
	p2 =	slt.u32 s8, $0xFFFFF086  }
0x1c: {  	p1 =	slt.u32 s9, $0xF7A;
	s5 =	simm.s32 @!p2 $0x0  }
0x1d: {  	s5 =	simm.s32 @p1 $0x1;
	p0 =	seq.s32 s7, s2  }
0x1e: {  	s7 =	smul.u32 @!p0 $0xF7A, s2;
	p2 =	seq.s32 @!p0 s5, $0x0  }
0x1f: {  	s9 =	smul.u32 $0xF7A, s1;
	s8 =	simm.s32 @!p0 $0x1BF5;
	p2 =	por !p2, p0  }
0x20: {  	[sflag:s8] =	ssyncset.s32 @!p0 $0xFFFFF086;
	s6 =	sadd.s32 @!p0 s3, s7;
	s7 =	simm.s32 @!p0 $0x108  }
0x21: {  	s3 =	sadd.s32 s3, s9;
	s6 =	sadd.s32 @!p0 $0x88, s6;
	s7 =	simm.s32 @p2 $0x1082  }
0x22: {  	[simem:s7], [sflag:s8] =	dma.local @!p0 [hbm:s6], $0xF7A  }
0x23: {  	s9 =	sor.u32 $0xD0000000, s2;
	s6 =	simm.s32 $0x108;
	_ =	swait.ge @!p0 [sflag:s8], $0x0  }
0x24: {  	s3 =	sadd.s32 $0x88, s3;
	s6 =	simm.s32 @!p1 $0x1082;
	[sflag:s4] =	ssyncset.s32 $0xFFFFF086  }
0x25: {  	[simem:s6], [sflag:s4] =	dma.local [hbm:s3], $0xF7A  }
0x26: {  	[smem:$0x3F96] =	sst s1;
	(tag) =	ssettag s2;
	_ =	strace s9  }
0x27: {  	s1 =	sld [smem:$0x3FA6]  }
0x28: {  	s2 =	sld [smem:$0x3FA7]  }
0x29: {  	s4 =	sld [smem:$0x3FA9]  }
0x2a: {  	p0 =	seq.s32 s5, $0x0;
	s5 =	sld [smem:$0x3FAA]  }
0x2b: {  	s6 =	sld [smem:$0x3FAB]  }
0x2c: {  	s7 =	sld [smem:$0x3FAC]  }
0x2d: {  	s3 =	simm.s32 $0x108;
	s8 =	sld [smem:$0x3FAD]  }
0x2e: {  	s3 =	simm.s32 @!p0 $0x1082;
	s9 =	sld [smem:$0x3FAE]  }
0x2f: {  	lr =	sadd.s32 s0, s3;
	s0 =	sld [smem:$0x3FA5]  }
0x30: {  	s3 =	sld [smem:$0x3FA8]  }
0x31: {  	[smem:$0x3FB1] =	sst s10  }
0x32: {  	s10 =	sld [smem:$0x3FAF];
	_ =	sdelay $0x3  }
0x33: {  	p0 =	seq.s32 s10, $0x1;
	s10 =	sld [smem:$0x3FB1];
	_ =	sdelay $0x3  }
0x34: {  	[smem:$0x3FB1] =	sst s10  }
0x35: {  	s10 =	sld [smem:$0x3FB0];
	_ =	sdelay $0x3  }
0x36: {  	p1 =	seq.s32 s10, $0x1;
	s10 =	sld [smem:$0x3FB1];
	_ =	sdelay $0x3  }
0x37: {  	[smem:$0x3FB1] =	sst s10  }
0x38: {  	s10 =	sld [smem:$0x3FB2]  }
0x39: {  	_ = 	snop;
	(pc) =	sbr.ind lr, $3  }
0x3a: {  	_ = 	snop  }
0x3b: {  	_ = 	snop  }
0x3c: {  	p2 =	seq.s32 s10, $0x1;
	s10 =	sld [smem:$0x3FB1]  }
0x3d: {  	_ =	shalt  }
0x3e: {  	_ =	shalt  }
0x3f: {  	_ =	shalt  }
0x40: {  	_ =	shalt  }
0x41: {  	_ =	shalt  }
0x42: {  	_ =	shalt  }
0x43: {  	_ =	shalt  }
0x44: {  	_ =	shalt  }
0x45: {  	_ =	shalt  }
0x46: {  	_ =	shalt  }
0x47: {  	_ =	shalt  }
0x48: {  	_ =	shalt  }
0x49: {  	_ =	shalt  }
0x4a: {  	_ =	shalt  }
0x4b: {  	_ =	shalt  }
0x4c: {  	_ =	shalt  }
0x4d: {  	_ =	shalt  }
0x4e: {  	_ =	shalt  }
0x4f: {  	_ =	shalt  }
0x50: {  	_ =	shalt  }
0x51: {  	_ =	shalt  }
0x52: {  	_ =	shalt  }
0x53: {  	_ =	shalt  }
0x54: {  	_ =	shalt  }
0x55: {  	_ =	shalt  }
0x56: {  	_ =	shalt  }
0x57: {  	_ =	shalt  }
0x58: {  	_ =	shalt  }
0x59: {  	_ =	shalt  }
0x5a: {  	_ =	shalt  }
0x5b: {  	_ =	shalt  }
0x5c: {  	_ =	shalt  }
0x5d: {  	_ =	shalt  }
0x5e: {  	_ =	shalt  }
0x5f: {  	_ =	shalt  }
0x60: {  	_ =	shalt  }
0x61: {  	_ =	shalt  }
0x62: {  	_ =	shalt  }
0x63: {  	_ =	shalt  }
0x64: {  	_ =	shalt  }
0x65: {  	_ =	shalt  }
0x66: {  	_ =	shalt  }
0x67: {  	_ =	shalt  }
0x68: {  	_ =	shalt  }
0x69: {  	_ =	shalt  }
0x6a: {  	_ =	shalt  }
0x6b: {  	_ =	shalt  }
0x6c: {  	_ =	shalt  }
0x6d: {  	_ =	shalt  }
0x6e: {  	_ =	shalt  }
0x6f: {  	_ =	shalt  }
0x70: {  	_ =	shalt  }
0x71: {  	_ =	shalt  }
0x72: {  	_ =	shalt  }
0x73: {  	_ =	shalt  }
0x74: {  	_ =	shalt  }
0x75: {  	_ =	shalt  }
0x76: {  	_ =	shalt  }
0x77: {  	_ =	shalt  }
0x78: {  	_ =	shalt  }
0x79: {  	_ =	shalt  }
0x7a: {  	_ =	shalt  }
0x7b: {  	_ =	shalt  }
0x7c: {  	_ =	shalt  }
0x7d: {  	_ =	shalt  }
0x7e: {  	_ =	shalt  }
0x7f: {  	_ =	shalt  }
0x80: {  	_ =	shalt  }
0x81: {  	_ =	shalt  }
0x82: {  	_ =	shalt  }
0x83: {  	_ =	shalt  }
0x84: {  	_ =	shalt  }
0x85: {  	_ =	shalt  }
0x86: {  	_ =	shalt  }
0x87: {  	_ =	shalt  }
.Lfunc_end0:
.L_simem_size_0:
called_computation.1_lowered:
.L_overlay_start_0:
0x88: {  	s2 =	sld [smem:$0x3FD9]  }
0x89: {  	s3 =	sld [smem:$0x3FFE];
	_ =	sdelay $0x1  }
0x8a: {  	s1 =	srdreg.scid  }
0x8b: {  	s0 =	sand.u32 $0x1, s1  }
0x8c: {  	s17 =	sshll.u32 s0, $0xA;
	s2 =	sadd.s32 s3, s2  }
0x8d: {  	s2 =	sadd.s32 s2, s17  }
0x8e: {  	[smem:$0x3FBD] =	sst s2  }
0x8f: {  	_ = 	snop  }
0x90: {  	s2 =	sld [smem:$0x3FD0];
	(tm) =	ssettm $0x1  }
0x91: {  	s18 =	sld [smem:$0x3FFB];
	_ =	sdelay $0x3  }
0x92: {  	_ =	strace s18  }
0x93: {  	s3 =	sld [smem:$0x3FFC];
	_ =	sdelay $0x3  }
0x94: {  	_ =	strace s3  }
0x95: {  	s3 =	sld [smem:$0x3FFD];
	_ =	sdelay $0x3  }
0x96: {  	_ =	strace s3  }
0x97: {  	_ =	strace $0x8FFFFFFF  }
0x98: {  	s19 =	sld [smem:$0x3FDB];
	_ =	sdelay $0x1  }
0x99: {  	s4 =	simm.s32 $_scs_section_size  }
0x9a: {  	s5 =	simm.s32 $_size__tile_overlayer_lowered;
	s6 =	simm.s32 $_tile_overlayer_lowered  }
0x9b: {  	s22 =	simm.s32 $0x1BFF;
	s21 =	sshll.u32 s6, $0x1;
	s3 =	sadd.s32 s4, s19  }
0x9c: {  	s7 =	simm.s32 $0x0;
	s20 =	sshll.u32 s5, $0x1;
	s5 =	sadd.s32 s21, s3  }
0x9d: {  	[timem:s7], [sflag:s22] =	dma.local [hbm:s5], s20  }
0x9e: {  	_ =	swait.ge [sflag:s22], s20  }
0x9f: {  	s4 =	ssub.s32 $0x0, s20;
	[sflag:s22] =	ssyncset.done $0x0  }
0xa0: {  	[sflag:s22] =	ssyncadd.s32 s4;
	_ =	sdelay $0x1  }
0xa1: {  	s23 =	simm.s32 $0x1B8B  }
0xa2: {  	_ =	swait.ge [sflag:s23], $0x1  }
0xa3: {  	[sflag:s23] =	ssyncset.done $0x0  }
0xa4: {  	s25 =	simm.s32 $0x1B8E;
	s24 =	sld [smem:$0x3FFE];
	[sflag:s23] =	ssyncadd.s32 $0xFFFFFFFF  }
0xa5: {  	s26 =	simm.s32 $execute0_lowered;
	[smem:$0x3FD2] =	sst s25  }
0xa6: {  	s5 =	sshll.u32 s26, $0x1;
	_ =	strace $0x80000049;
	[dreg:$0x1] =	wrdreg $0xFFFFFFFF  }
0xa7: {  	s28 =	simm.s32 $_size_execute0_lowered;
	s3 =	sadd.s32 s3, s5;
	[dreg:$0x0] =	wrdreg $0x0  }
0xa8: {  	s5 =	sshll.u32 s28, $0x1;
	[dreg:$0x2] =	wrdreg s3  }
0xa9: {  	[dreg:$0x3] =	wrdreg s5  }
0xaa: {  	[dreg:$0x4] =	wrdreg $0xC0  }
0xab: {  	_ =	task [dreg:s7], $0x5FFFF  }
0xac: {  	[dreg:$0x1] =	wrdreg $0xFFFFFFFF  }
0xad: {  	[dreg:$0x0] =	wrdreg $0x60  }
0xae: {  	[dreg:$0x2] =	wrdreg s2  }
0xaf: {  	[dreg:$0x3] =	wrdreg s24  }
0xb0: {  	[dreg:$0x4] =	wrdreg $0x0  }
0xb1: {  	[dreg:$0x5] =	wrdreg $0x9  }
0xb2: {  	_ =	task.clear_ibuf [dreg:s7], $0x6FFFF;
	_ =	strace $0x90000049  }
0xb3: {  	s29 =	simm.s32 $0x9;
	_ =	strace $0x8000004B  }
0xb4: {  	_ =	swait.ge [sflag:s29], $0x1  }
0xb5: {  	[sflag:s29] =	ssyncadd.s32 $0xFFFFFFFF  }
0xb6: {  	_ =	strace $0x9000004B  }
0xb7: {  	_ =	sfence  }
0xb8: {  	s30 =	sld [smem:$0x0];
	_ =	sdelay $0x2  }
0xb9: {  	s31 =	sshll.u32 s1, $0xD;
	s1 =	sshrl.u32 s1, $0x2  }
0xba: {  	s3 =	sand.u32 $0x4000, s31;
	s1 =	sadd.s32 s1, s30  }
0xbb: {  	s0 =	sor.u32 s3, s0;
	s1 =	sshll.u32 s1, $0x11  }
0xbc: {  	s0 =	sor.u32 s1, s0  }
0xbd: {  	s0 =	sadd.s32 $0x8F2B, s0  }
0xbe: {  	[sflag:s0] =	ssyncadd.remote.s32 $0x1  }
0xbf: {  	_ =	sfence.sel $0xFFFF  }
0xc0: {  	[dreg:$0x0] =	wrdreg $0xFFFFFFFF;
	(pc) =	sbr.abs _section_cstart, $3  }
0xc1: {  	[dreg:$0x1] =	wrdreg $0xFFFFFFFF  }
0xc2: {  	_ =	task.clear_ibuf [dreg:s7], $0x2FFFF;
	_ =	strace $0x9FFFFFFF  }
0xc3: {  	(tm) =	ssettm $0x7FFFFFFF  }
tec
execute0_lowered:
.L_overlay_start_1:
0x0: {  	(tag) =	ssettag $0x1  }
0x1: {  	s0 =	srdreg.scid;
	s9 =	stileid.u32  }
0x2: {  	s1 =	sand.u32 $0x1, s0;
	s5 =	smul.u32 $0x2710, s9  }
0x3: {  	s2 =	rddreg [dreg:$0x0];
	s4 =	smul.u32 $0x27100, s1  }
0x4: {  	s3 =	rddreg [dreg:$0x2]  }
0x5: {  	s0 =	rddreg [dreg:$0x1];
	s5 =	sadd.s32 s5, s4;
	s4 =	simm.s32 $0x0  }
0x6: {  	s24 =	simm.s32 $0x13C50;
	[smem:$0x7FF] =	sst s4  }
0x7: {  	s25 =	simm.s32 $0x13CA0;
	_ =	strace $0x8000004A;
	[dreg:$0x6] =	wrdreg s24  }
0x8: {  	s26 =	simm.s32 $0x13CF0;
	[dreg:$0x7] =	wrdreg s25  }
0x9: {  	s7 =	simm.s32 $0x14450;
	[dreg:$0x8] =	wrdreg s26  }
0xa: {  	s8 =	simm.s32 $0x13D90;
	[dreg:$0xa] =	wrdreg s7  }
0xb: {  	s10 =	simm.s32 $0x144A0;
	[dreg:$0xb] =	wrdreg s8  }
0xc: {  	s12 =	sadd.s32 $0x16C00, s0;
	[dreg:$0xc] =	wrdreg s10  }
0xd: {  	s11 =	simm.s32 $0x13DE0;
	[smem:$0x7EF] =	sst s12  }
0xe: {  	s13 =	simm.s32 $0x144F0;
	[dreg:$0xd] =	wrdreg s11  }
0xf: {  	s15 =	simm.s32 $0x13E30;
	s16 =	simm.s32 $0x14540;
	[dreg:$0xe] =	wrdreg s13  }
0x10: {  	s17 =	simm.s32 $0x13E80;
	s18 =	simm.s32 $0x14590;
	[dreg:$0xf] =	wrdreg s15  }
0x11: {  	s20 =	simm.s32 $0x13ED0;
	s21 =	simm.s32 $0x145E0;
	[dreg:$0x10] =	wrdreg s16  }
0x12: {  	s23 =	simm.s32 $0x13F20;
	s28 =	simm.s32 $0x14330;
	[dreg:$0x11] =	wrdreg s17  }
0x13: {  	s29 =	simm.s32 $0x14A40;
	s30 =	simm.s32 $0x14380;
	[dreg:$0x12] =	wrdreg s18  }
0x14: {  	s31 =	simm.s32 $0x14A90;
	s22 =	sshll.u32 s9, $0x6;
	[dreg:$0x13] =	wrdreg s20  }
0x15: {  	s14 =	ssub.s32 $0x2, s1;
	p0 =	seq.s32 s1, $0x1;
	[dreg:$0x14] =	wrdreg s21  }
0x16: {  	s1 =	simm.s32 $0x14AE0;
	[dreg:$0x15] =	wrdreg s23;
	s24 =	simm.s32 $0x14630  }
0x17: {  	s8 =	smul.u32 $0x4F000, s9;
	s25 =	simm.s32 $0x13F70;
	[dreg:$0x16] =	wrdreg s24  }
0x18: {  	s26 =	smul.u32 $0x2780, s9;
	s9 =	simm.s32 $0x14680;
	[dreg:$0x17] =	wrdreg s25  }
0x19: {  	s5 =	sshrl.u32 s5, $0x3;
	s10 =	simm.s32 $0x13FC0;
	[dreg:$0x18] =	wrdreg s9  }
0x1a: {  	s5 =	sadd.s32 s5, s0;
	s11 =	simm.s32 $0x146D0;
	[dreg:$0x19] =	wrdreg s10  }
0x1b: {  	s7 =	sshrl.u32 s14, $0x1;
	s12 =	simm.s32 $0x14010;
	[dreg:$0x1a] =	wrdreg s11  }
0x1c: {  	s13 =	simm.s32 $0x14720;
	s15 =	simm.s32 $0x14770;
	[dreg:$0x1b] =	wrdreg s12  }
0x1d: {  	s16 =	simm.s32 $0x140B0;
	s17 =	simm.s32 $0x147C0;
	[dreg:$0x1c] =	wrdreg s13  }
0x1e: {  	s18 =	simm.s32 $0x14100;
	s20 =	simm.s32 $0x14150;
	[dreg:$0x1e] =	wrdreg s15  }
0x1f: {  	s21 =	simm.s32 $0x14860;
	s23 =	simm.s32 $0x148B0;
	[dreg:$0x1f] =	wrdreg s16  }
0x20: {  	s6 =	sadd.s32 $0xCE00, s5;
	s5 =	sadd.s32 $0x3000, s5;
	[smem:$0x7F2] =	sst s17  }
0x21: {  	s10 =	simm.s32 $0x5;
	s11 =	simm.s32 $0x13C00;
	[smem:$0x7F3] =	sst s18  }
0x22: {  	s12 =	simm.s32 $0x14400;
	s13 =	simm.s32 $0x50;
	[smem:$0x7F5] =	sst s20  }
0x23: {  	s15 =	simm.s32 $0x17400;
	s16 =	simm.s32 $0x19C00;
	[smem:$0x7F6] =	sst s21  }
0x24: {  	s17 =	simm.s32 $0x1C400;
	s18 =	simm.s32 $0x1;
	[smem:$0x7F8] =	sst s23  }
0x25: {  	s24 =	simm.s32 $0x141F0;
	s25 =	simm.s32 $0x14900;
	s20 =	simm.s32 $0x3  }
0x26: {  	s21 =	simm.s32 $0x4;
	s23 =	simm.s32 $0x14290;
	[dreg:$0x4] =	wrdreg s6  }
0x27: {  	s9 =	simm.s32 $0x0;
	[dreg:$0x5] =	wrdreg s5;
	s6 =	simm.s32 $0x13D40  }
0x28: {  	s19 =	sshrl.u32 s8, $0x2;
	s8 =	sor.u32 $0x1C05, s22;
	[smem:$0x7F9] =	sst s24  }
0x29: {  	s22 =	simm.s32 $0x141A0;
	[smem:$0x7FA] =	sst s25;
	s24 =	simm.s32 $0x149A0  }
0x2a: {  	s25 =	simm.s32 $0x142E0;
	s5 =	simm.s32 $0x14B80;
	[dreg:$0x9] =	wrdreg s6  }
0x2b: {  	s6 =	ssub.s32 s14, s7;
	s7 =	sadd.s32 s19, s3;
	[smem:$0x7F7] =	sst s22  }
0x2c: {  	s14 =	simm.s32 $0x14060;
	[smem:$0x7FC] =	sst s8;
	s6 =	smax.u32 s6, $0x1  }
0x2d: {  	s19 =	simm.s32 $0x14810;
	[smem:$0x7F0] =	sst s6;
	s6 =	simm.s32 $0xA5400  }
0x2e: {  	s22 =	simm.s32 $0x14950;
	[dreg:$0x1d] =	wrdreg s14;
	s6 =	simm.s32 @!p0 $0x19400  }
0x2f: {  	s7 =	sshrl.u32 s7, $0x3;
	[smem:$0x7F4] =	sst s19;
	s0 =	sadd.s32 s6, s0  }
0x30: {  	s14 =	simm.s32 $0x14C00;
	[smem:$0x7FD] =	sst s7;
	s0 =	sadd.s32 s0, s26  }
0x31: {  	s19 =	simm.s32 $0x2;
	s26 =	simm.s32 $0x14240;
	[smem:$0x7F1] =	sst s0  }
0x32: {  	[smem:$0x7FB] =	sst s26;
	s26 =	simm.s32 $0x149F0;
	s0 =	simm.s32 $0x14B30  }
.LBB2_1:
0x33: {  	s6 =	sld [smem:$0x7EF];
	_ =	sdelay $0x1  }
0x34: {  	[smem:$0x7EE] =	sst s9  }
0x35: {  	[spmem:s7], [sflag:s8] =	dma.local [hbm:s6], $0x2780  }
0x36: {  	_ =	swait.ge [sflag:s10], $0x2780  }
0x37: {  	[sflag:s10] =	ssyncset.done $0x0  }
0x38: {  	[sflag:s10] =	ssyncadd.s32 $0xFFFFD880  }
0x39: {  	[bflag:$0x0] =	sbarrier.arrive $0xFFFF  }
0x3a: {  	s7 =	rddreg [dreg:$0x5]  }
0x3b: {  	s6 =	sadd.s32 $0x0, s7  }
0x3c: {  	[tilespmem:s11], [sflag:$0x5] =	stream.linear.gather [hbm4b:s6+s4], $0x7D0, $0x38;
	[tilespmem:$0x1EC00] =	vst v63  }
0x3d: {  	_ =	swait.ge [sflag:s10], $0x7D0  }
0x3e: {  	s8 =	rddreg [dreg:$0x4];
	[sflag:s10] =	ssyncset.done $0x0  }
0x3f: {  	[sflag:s10] =	ssyncadd.s32 $0xFFFFF830;
	s6 =	sadd.s32 $0x0, s8  }
0x40: {  	[tilespmem:s12], [sflag:$0x5] =	stream.linear.gather [hbm4b:s6+s4], $0x7D0, $0x38;
	[tilespmem:$0x1EC00] =	vst v63  }
0x41: {  	_ =	swait.ge [sflag:s10], $0x7D0  }
0x42: {  	[sflag:s10] =	ssyncset.done $0x0  }
0x43: {  	[sflag:s10] =	ssyncadd.s32 $0xFFFFF830  }
0x44: {  	[tilespmem:s14], [sflag:$0x1] =	stream.indirect.gather [hbm4b:s2+s13], $0x80, s11, s13, $0xb8;
	[tilespmem:$0x1EC00] =	vst v63  }
0x45: {  	s9 =	rddreg [dreg:$0x6]  }
0x46: {  	[tilespmem:s15], [sflag:$0x2] =	stream.indirect.gather [hbm4b:s2+s13], $0x80, s9, s13, $0xb8;
	[tilespmem:$0x1EC00] =	vst v63  }
0x47: {  	s7 =	rddreg [dreg:$0x7]  }
0x48: {  	[tilespmem:s16], [sflag:$0x3] =	stream.indirect.gather [hbm4b:s2+s13], $0x80, s7, s13, $0xb8;
	[tilespmem:$0x1EC00] =	vst v63  }
0x49: {  	s9 =	rddreg [dreg:$0x8]  }
0x4a: {  	[tilespmem:s17], [sflag:$0x4] =	stream.indirect.gather [hbm4b:s2+s13], $0x80, s9, s13, $0xb8;
	[tilespmem:$0x1EC00] =	vst v63  }
0x4b: {  	_ =	swait.ge [sflag:s18], $0x2800  }
0x4c: {  	[sflag:s18] =	ssyncset.done $0x0  }
0x4d: {  	[sflag:s18] =	ssyncadd.s32 $0xFFFFD800  }
0x4e: {  	[spmem:s3] =	stream.indirect.scatter.add.f32 [tilespmem:s14], [sflag:$0x5], $0x80, s12, s13, $0xb8;
	[tilespmem:$0x1EC00] =	vst v63  }
0x4f: {  	_ =	swait.ge [sflag:s10], $0x2800  }
0x50: {  	[sflag:s10] =	ssyncset.done $0x0  }
0x51: {  	s7 =	rddreg [dreg:$0x9];
	[sflag:s10] =	ssyncadd.s32 $0xFFFFD800  }
0x52: {  	[tilespmem:s14], [sflag:$0x1] =	stream.indirect.gather [hbm4b:s2+s13], $0x80, s7, s13, $0xb8;
	[tilespmem:$0x1EC00] =	vst v63  }
0x53: {  	_ =	swait.ge [sflag:s19], $0x2800  }
0x54: {  	[sflag:s19] =	ssyncset.done $0x0  }
0x55: {  	s8 =	rddreg [dreg:$0xa];
	[sflag:s19] =	ssyncadd.s32 $0xFFFFD800  }
0x56: {  	[spmem:s3] =	stream.indirect.scatter.add.f32 [tilespmem:s15], [sflag:$0x5], $0x80, s8, s13, $0xb8;
	[tilespmem:$0x1EC00] =	vst v63  }
0x57: {  	_ =	swait.ge [sflag:s10], $0x2800  }
0x58: {  	[sflag:s10] =	ssyncset.done $0x0  }
0x59: {  	s9 =	rddreg [dreg:$0xb];
	[sflag:s10] =	ssyncadd.s32 $0xFFFFD800  }
0x5a: {  	[tilespmem:s15], [sflag:$0x2] =	stream.indirect.gather [hbm4b:s2+s13], $0x80, s9, s13, $0xb8;
	[tilespmem:$0x1EC00] =	vst v63  }
0x5b: {  	_ =	swait.ge [sflag:s20], $0x2800  }
0x5c: {  	[sflag:s20] =	ssyncset.done $0x0  }
0x5d: {  	s7 =	rddreg [dreg:$0xc];
	[sflag:s20] =	ssyncadd.s32 $0xFFFFD800  }
0x5e: {  	[spmem:s3] =	stream.indirect.scatter.add.f32 [tilespmem:s16], [sflag:$0x5], $0x80, s7, s13, $0xb8;
	[tilespmem:$0x1EC00] =	vst v63  }
0x5f: {  	_ =	swait.ge [sflag:s10], $0x2800  }
0x60: {  	[sflag:s10] =	ssyncset.done $0x0  }
0x61: {  	s8 =	rddreg [dreg:$0xd];
	[sflag:s10] =	ssyncadd.s32 $0xFFFFD800  }
0x62: {  	[tilespmem:s16], [sflag:$0x3] =	stream.indirect.gather [hbm4b:s2+s13], $0x80, s8, s13, $0xb8;
	[tilespmem:$0x1EC00] =	vst v63  }
0x63: {  	_ =	swait.ge [sflag:s21], $0x2800  }
0x64: {  	[sflag:s21] =	ssyncset.done $0x0  }
0x65: {  	s9 =	rddreg [dreg:$0xe];
	[sflag:s21] =	ssyncadd.s32 $0xFFFFD800  }
0x66: {  	[spmem:s3] =	stream.indirect.scatter.add.f32 [tilespmem:s17], [sflag:$0x5], $0x80, s9, s13, $0xb8;
	[tilespmem:$0x1EC00] =	vst v63  }
0x67: {  	_ =	swait.ge [sflag:s10], $0x2800  }
0x68: {  	[sflag:s10] =	ssyncset.done $0x0  }
0x69: {  	s7 =	rddreg [dreg:$0xf];
	[sflag:s10] =	ssyncadd.s32 $0xFFFFD800  }
0x6a: {  	[tilespmem:s17], [sflag:$0x4] =	stream.indirect.gather [hbm4b:s2+s13], $0x80, s7, s13, $0xb8;
	[tilespmem:$0x1EC00] =	vst v63  }
0x6b: {  	_ =	swait.ge [sflag:s18], $0x2800  }
0x6c: {  	[sflag:s18] =	ssyncset.done $0x0  }
0x6d: {  	s8 =	rddreg [dreg:$0x10];
	[sflag:s18] =	ssyncadd.s32 $0xFFFFD800  }
0x6e: {  	[spmem:s3] =	stream.indirect.scatter.add.f32 [tilespmem:s14], [sflag:$0x5], $0x80, s8, s13, $0xb8;
	[tilespmem:$0x1EC00] =	vst v63  }
0x6f: {  	_ =	swait.ge [sflag:s10], $0x2800  }
0x70: {  	[sflag:s10] =	ssyncset.done $0x0  }
0x71: {  	s9 =	rddreg [dreg:$0x11];
	[sflag:s10] =	ssyncadd.s32 $0xFFFFD800  }
0x72: {  	[tilespmem:s14], [sflag:$0x1] =	stream.indirect.gather [hbm4b:s2+s13], $0x80, s9, s13, $0xb8;
	[tilespmem:$0x1EC00] =	vst v63  }
0x73: {  	_ =	swait.ge [sflag:s19], $0x2800  }
0x74: {  	[sflag:s19] =	ssyncset.done $0x0  }
0x75: {  	s7 =	rddreg [dreg:$0x12];
	[sflag:s19] =	ssyncadd.s32 $0xFFFFD800  }
0x76: {  	[spmem:s3] =	stream.indirect.scatter.add.f32 [tilespmem:s15], [sflag:$0x5], $0x80, s7, s13, $0xb8;
	[tilespmem:$0x1EC00] =	vst v63  }
0x77: {  	_ =	swait.ge [sflag:s10], $0x2800  }
0x78: {  	[sflag:s10] =	ssyncset.done $0x0  }
0x79: {  	s8 =	rddreg [dreg:$0x13];
	[sflag:s10] =	ssyncadd.s32 $0xFFFFD800  }
0x7a: {  	[tilespmem:s15], [sflag:$0x2] =	stream.indirect.gather [hbm4b:s2+s13], $0x80, s8, s13, $0xb8;
	[tilespmem:$0x1EC00] =	vst v63  }
0x7b: {  	_ =	swait.ge [sflag:s20], $0x2800  }
0x7c: {  	[sflag:s20] =	ssyncset.done $0x0  }
0x7d: {  	s9 =	rddreg [dreg:$0x14];
	[sflag:s20] =	ssyncadd.s32 $0xFFFFD800  }
0x7e: {  	[spmem:s3] =	stream.indirect.scatter.add.f32 [tilespmem:s16], [sflag:$0x5], $0x80, s9, s13, $0xb8;
	[tilespmem:$0x1EC00] =	vst v63  }
0x7f: {  	_ =	swait.ge [sflag:s10], $0x2800  }
0x80: {  	[sflag:s10] =	ssyncset.done $0x0  }
0x81: {  	s7 =	rddreg [dreg:$0x15];
	[sflag:s10] =	ssyncadd.s32 $0xFFFFD800  }
0x82: {  	[tilespmem:s16], [sflag:$0x3] =	stream.indirect.gather [hbm4b:s2+s13], $0x80, s7, s13, $0xb8;
	[tilespmem:$0x1EC00] =	vst v63  }
0x83: {  	_ =	swait.ge [sflag:s21], $0x2800  }
0x84: {  	[sflag:s21] =	ssyncset.done $0x0  }
0x85: {  	s8 =	rddreg [dreg:$0x16];
	[sflag:s21] =	ssyncadd.s32 $0xFFFFD800  }
0x86: {  	[spmem:s3] =	stream.indirect.scatter.add.f32 [tilespmem:s17], [sflag:$0x5], $0x80, s8, s13, $0xb8;
	[tilespmem:$0x1EC00] =	vst v63  }
0x87: {  	_ =	swait.ge [sflag:s10], $0x2800  }
0x88: {  	[sflag:s10] =	ssyncset.done $0x0  }
0x89: {  	s9 =	rddreg [dreg:$0x17];
	[sflag:s10] =	ssyncadd.s32 $0xFFFFD800  }
0x8a: {  	[tilespmem:s17], [sflag:$0x4] =	stream.indirect.gather [hbm4b:s2+s13], $0x80, s9, s13, $0xb8;
	[tilespmem:$0x1EC00] =	vst v63  }
0x8b: {  	_ =	swait.ge [sflag:s18], $0x2800  }
0x8c: {  	[sflag:s18] =	ssyncset.done $0x0  }
0x8d: {  	s7 =	rddreg [dreg:$0x18];
	[sflag:s18] =	ssyncadd.s32 $0xFFFFD800  }
0x8e: {  	[spmem:s3] =	stream.indirect.scatter.add.f32 [tilespmem:s14], [sflag:$0x5], $0x80, s7, s13, $0xb8;
	[tilespmem:$0x1EC00] =	vst v63  }
0x8f: {  	_ =	swait.ge [sflag:s10], $0x2800  }
0x90: {  	[sflag:s10] =	ssyncset.done $0x0  }
0x91: {  	s8 =	rddreg [dreg:$0x19];
	[sflag:s10] =	ssyncadd.s32 $0xFFFFD800  }
0x92: {  	[tilespmem:s14], [sflag:$0x1] =	stream.indirect.gather [hbm4b:s2+s13], $0x80, s8, s13, $0xb8;
	[tilespmem:$0x1EC00] =	vst v63  }
0x93: {  	_ =	swait.ge [sflag:s19], $0x2800  }
0x94: {  	[sflag:s19] =	ssyncset.done $0x0  }
0x95: {  	s9 =	rddreg [dreg:$0x1a];
	[sflag:s19] =	ssyncadd.s32 $0xFFFFD800  }
0x96: {  	[spmem:s3] =	stream.indirect.scatter.add.f32 [tilespmem:s15], [sflag:$0x5], $0x80, s9, s13, $0xb8;
	[tilespmem:$0x1EC00] =	vst v63  }
0x97: {  	_ =	swait.ge [sflag:s10], $0x2800  }
0x98: {  	[sflag:s10] =	ssyncset.done $0x0  }
0x99: {  	s7 =	rddreg [dreg:$0x1b];
	[sflag:s10] =	ssyncadd.s32 $0xFFFFD800  }
0x9a: {  	[tilespmem:s15], [sflag:$0x2] =	stream.indirect.gather [hbm4b:s2+s13], $0x80, s7, s13, $0xb8;
	[tilespmem:$0x1EC00] =	vst v63  }
0x9b: {  	_ =	swait.ge [sflag:s20], $0x2800  }
0x9c: {  	[sflag:s20] =	ssyncset.done $0x0  }
0x9d: {  	s8 =	rddreg [dreg:$0x1c];
	[sflag:s20] =	ssyncadd.s32 $0xFFFFD800  }
0x9e: {  	[spmem:s3] =	stream.indirect.scatter.add.f32 [tilespmem:s16], [sflag:$0x5], $0x80, s8, s13, $0xb8;
	[tilespmem:$0x1EC00] =	vst v63  }
0x9f: {  	_ =	swait.ge [sflag:s10], $0x2800  }
0xa0: {  	[sflag:s10] =	ssyncset.done $0x0  }
0xa1: {  	s9 =	rddreg [dreg:$0x1d];
	[sflag:s10] =	ssyncadd.s32 $0xFFFFD800  }
0xa2: {  	[tilespmem:s16], [sflag:$0x3] =	stream.indirect.gather [hbm4b:s2+s13], $0x80, s9, s13, $0xb8;
	[tilespmem:$0x1EC00] =	vst v63  }
0xa3: {  	_ =	swait.ge [sflag:s21], $0x2800  }
0xa4: {  	[sflag:s21] =	ssyncset.done $0x0  }
0xa5: {  	s7 =	rddreg [dreg:$0x1e];
	[sflag:s21] =	ssyncadd.s32 $0xFFFFD800  }
0xa6: {  	[spmem:s3] =	stream.indirect.scatter.add.f32 [tilespmem:s17], [sflag:$0x5], $0x80, s7, s13, $0xb8;
	[tilespmem:$0x1EC00] =	vst v63  }
0xa7: {  	_ =	swait.ge [sflag:s10], $0x2800  }
0xa8: {  	[sflag:s10] =	ssyncset.done $0x0  }
0xa9: {  	s8 =	rddreg [dreg:$0x1f];
	[sflag:s10] =	ssyncadd.s32 $0xFFFFD800  }
0xaa: {  	[tilespmem:s17], [sflag:$0x4] =	stream.indirect.gather [hbm4b:s2+s13], $0x80, s8, s13, $0xb8;
	[tilespmem:$0x1EC00] =	vst v63  }
0xab: {  	_ =	swait.ge [sflag:s18], $0x2800  }
0xac: {  	s9 =	sld [smem:$0x7F2]  }
0xad: {  	[sflag:s18] =	ssyncset.done $0x0  }
0xae: {  	[sflag:s18] =	ssyncadd.s32 $0xFFFFD800  }
0xaf: {  	[spmem:s3] =	stream.indirect.scatter.add.f32 [tilespmem:s14], [sflag:$0x5], $0x80, s9, s13, $0xb8;
	[tilespmem:$0x1EC00] =	vst v63  }
0xb0: {  	_ =	swait.ge [sflag:s10], $0x2800  }
0xb1: {  	s7 =	sld [smem:$0x7F3]  }
0xb2: {  	[sflag:s10] =	ssyncset.done $0x0  }
0xb3: {  	[sflag:s10] =	ssyncadd.s32 $0xFFFFD800  }
0xb4: {  	[tilespmem:s14], [sflag:$0x1] =	stream.indirect.gather [hbm4b:s2+s13], $0x80, s7, s13, $0xb8;
	[tilespmem:$0x1EC00] =	vst v63  }
0xb5: {  	_ =	swait.ge [sflag:s19], $0x2800  }
0xb6: {  	s8 =	sld [smem:$0x7F4]  }
0xb7: {  	[sflag:s19] =	ssyncset.done $0x0  }
0xb8: {  	[sflag:s19] =	ssyncadd.s32 $0xFFFFD800  }
0xb9: {  	[spmem:s3] =	stream.indirect.scatter.add.f32 [tilespmem:s15], [sflag:$0x5], $0x80, s8, s13, $0xb8;
	[tilespmem:$0x1EC00] =	vst v63  }
0xba: {  	_ =	swait.ge [sflag:s10], $0x2800  }
0xbb: {  	s9 =	sld [smem:$0x7F5]  }
0xbc: {  	[sflag:s10] =	ssyncset.done $0x0  }
0xbd: {  	[sflag:s10] =	ssyncadd.s32 $0xFFFFD800  }
0xbe: {  	[tilespmem:s15], [sflag:$0x2] =	stream.indirect.gather [hbm4b:s2+s13], $0x80, s9, s13, $0xb8;
	[tilespmem:$0x1EC00] =	vst v63  }
0xbf: {  	_ =	swait.ge [sflag:s20], $0x2800  }
0xc0: {  	s7 =	sld [smem:$0x7F6]  }
0xc1: {  	[sflag:s20] =	ssyncset.done $0x0  }
0xc2: {  	[sflag:s20] =	ssyncadd.s32 $0xFFFFD800  }
0xc3: {  	[spmem:s3] =	stream.indirect.scatter.add.f32 [tilespmem:s16], [sflag:$0x5], $0x80, s7, s13, $0xb8;
	[tilespmem:$0x1EC00] =	vst v63  }
0xc4: {  	_ =	swait.ge [sflag:s10], $0x2800  }
0xc5: {  	s8 =	sld [smem:$0x7F7]  }
0xc6: {  	[sflag:s10] =	ssyncset.done $0x0  }
0xc7: {  	[sflag:s10] =	ssyncadd.s32 $0xFFFFD800  }
0xc8: {  	[tilespmem:s16], [sflag:$0x3] =	stream.indirect.gather [hbm4b:s2+s13], $0x80, s8, s13, $0xb8;
	[tilespmem:$0x1EC00] =	vst v63  }
0xc9: {  	_ =	swait.ge [sflag:s21], $0x2800  }
0xca: {  	s9 =	sld [smem:$0x7F8]  }
0xcb: {  	[sflag:s21] =	ssyncset.done $0x0  }
0xcc: {  	[sflag:s21] =	ssyncadd.s32 $0xFFFFD800  }
0xcd: {  	[spmem:s3] =	stream.indirect.scatter.add.f32 [tilespmem:s17], [sflag:$0x5], $0x80, s9, s13, $0xb8;
	[tilespmem:$0x1EC00] =	vst v63  }
0xce: {  	_ =	swait.ge [sflag:s10], $0x2800  }
0xcf: {  	s7 =	sld [smem:$0x7F9]  }
0xd0: {  	[sflag:s10] =	ssyncset.done $0x0  }
0xd1: {  	[sflag:s10] =	ssyncadd.s32 $0xFFFFD800  }
0xd2: {  	[tilespmem:s17], [sflag:$0x4] =	stream.indirect.gather [hbm4b:s2+s13], $0x80, s7, s13, $0xb8;
	[tilespmem:$0x1EC00] =	vst v63  }
0xd3: {  	_ =	swait.ge [sflag:s18], $0x2800  }
0xd4: {  	s8 =	sld [smem:$0x7FA]  }
0xd5: {  	[sflag:s18] =	ssyncset.done $0x0  }
0xd6: {  	[sflag:s18] =	ssyncadd.s32 $0xFFFFD800  }
0xd7: {  	[spmem:s3] =	stream.indirect.scatter.add.f32 [tilespmem:s14], [sflag:$0x5], $0x80, s8, s13, $0xb8;
	[tilespmem:$0x1EC00] =	vst v63  }
0xd8: {  	_ =	swait.ge [sflag:s10], $0x2800  }
0xd9: {  	s9 =	sld [smem:$0x7FB]  }
0xda: {  	[sflag:s10] =	ssyncset.done $0x0  }
0xdb: {  	[sflag:s10] =	ssyncadd.s32 $0xFFFFD800  }
0xdc: {  	[tilespmem:s14], [sflag:$0x1] =	stream.indirect.gather [hbm4b:s2+s13], $0x80, s9, s13, $0xb8;
	[tilespmem:$0x1EC00] =	vst v63  }
0xdd: {  	_ =	swait.ge [sflag:s19], $0x2800  }
0xde: {  	[sflag:s19] =	ssyncset.done $0x0  }
0xdf: {  	[sflag:s19] =	ssyncadd.s32 $0xFFFFD800  }
0xe0: {  	[spmem:s3] =	stream.indirect.scatter.add.f32 [tilespmem:s15], [sflag:$0x5], $0x80, s22, s13, $0xb8;
	[tilespmem:$0x1EC00] =	vst v63  }
0xe1: {  	_ =	swait.ge [sflag:s10], $0x2800  }
0xe2: {  	[sflag:s10] =	ssyncset.done $0x0  }
0xe3: {  	[sflag:s10] =	ssyncadd.s32 $0xFFFFD800  }
0xe4: {  	[tilespmem:s15], [sflag:$0x2] =	stream.indirect.gather [hbm4b:s2+s13], $0x80, s23, s13, $0xb8;
	[tilespmem:$0x1EC00] =	vst v63  }
0xe5: {  	_ =	swait.ge [sflag:s20], $0x2800  }
0xe6: {  	[sflag:s20] =	ssyncset.done $0x0  }
0xe7: {  	[sflag:s20] =	ssyncadd.s32 $0xFFFFD800  }
0xe8: {  	[spmem:s3] =	stream.indirect.scatter.add.f32 [tilespmem:s16], [sflag:$0x5], $0x80, s24, s13, $0xb8;
	[tilespmem:$0x1EC00] =	vst v63  }
0xe9: {  	_ =	swait.ge [sflag:s10], $0x2800  }
0xea: {  	[sflag:s10] =	ssyncset.done $0x0  }
0xeb: {  	[sflag:s10] =	ssyncadd.s32 $0xFFFFD800  }
0xec: {  	[tilespmem:s16], [sflag:$0x3] =	stream.indirect.gather [hbm4b:s2+s13], $0x80, s25, s13, $0xb8;
	[tilespmem:$0x1EC00] =	vst v63  }
0xed: {  	_ =	swait.ge [sflag:s21], $0x2800  }
0xee: {  	[sflag:s21] =	ssyncset.done $0x0  }
0xef: {  	[sflag:s21] =	ssyncadd.s32 $0xFFFFD800  }
0xf0: {  	[spmem:s3] =	stream.indirect.scatter.add.f32 [tilespmem:s17], [sflag:$0x5], $0x80, s26, s13, $0xb8;
	[tilespmem:$0x1EC00] =	vst v63  }
0xf1: {  	_ =	swait.ge [sflag:s10], $0x2800  }
0xf2: {  	[sflag:s10] =	ssyncset.done $0x0  }
0xf3: {  	[sflag:s10] =	ssyncadd.s32 $0xFFFFD800  }
0xf4: {  	[tilespmem:s17], [sflag:$0x4] =	stream.indirect.gather [hbm4b:s2+s13], $0x80, s28, s13, $0xb8;
	[tilespmem:$0x1EC00] =	vst v63  }
0xf5: {  	_ =	swait.ge [sflag:s18], $0x2800  }
0xf6: {  	[sflag:s18] =	ssyncset.done $0x0  }
0xf7: {  	[sflag:s18] =	ssyncadd.s32 $0xFFFFD800  }
0xf8: {  	[spmem:s3] =	stream.indirect.scatter.add.f32 [tilespmem:s14], [sflag:$0x5], $0x80, s29, s13, $0xb8;
	[tilespmem:$0x1EC00] =	vst v63  }
0xf9: {  	_ =	swait.ge [sflag:s10], $0x2800  }
0xfa: {  	[sflag:s10] =	ssyncset.done $0x0  }
0xfb: {  	[sflag:s10] =	ssyncadd.s32 $0xFFFFD800  }
0xfc: {  	[tilespmem:s14], [sflag:$0x1] =	stream.indirect.gather [hbm4b:s2+s13], $0x80, s30, s13, $0xb8;
	[tilespmem:$0x1EC00] =	vst v63  }
0xfd: {  	_ =	swait.ge [sflag:s19], $0x2800  }
0xfe: {  	[sflag:s19] =	ssyncset.done $0x0  }
0xff: {  	[sflag:s19] =	ssyncadd.s32 $0xFFFFD800  }
0x100: {  	[spmem:s3] =	stream.indirect.scatter.add.f32 [tilespmem:s15], [sflag:$0x5], $0x80, s31, s13, $0xb8;
	[tilespmem:$0x1EC00] =	vst v63  }
0x101: {  	_ =	swait.ge [sflag:s10], $0x2800  }
0x102: {  	[sflag:s10] =	ssyncset.done $0x0  }
0x103: {  	[sflag:s10] =	ssyncadd.s32 $0xFFFFD800  }
0x104: {  	_ =	swait.ge [sflag:s20], $0x2800  }
0x105: {  	[sflag:s20] =	ssyncset.done $0x0  }
0x106: {  	[sflag:s20] =	ssyncadd.s32 $0xFFFFD800  }
0x107: {  	[spmem:s3] =	stream.indirect.scatter.add.f32 [tilespmem:s16], [sflag:$0x5], $0x80, s1, s13, $0xb8;
	[tilespmem:$0x1EC00] =	vst v63  }
0x108: {  	_ =	swait.ge [sflag:s10], $0x2800  }
0x109: {  	[sflag:s10] =	ssyncset.done $0x0  }
0x10a: {  	[sflag:s10] =	ssyncadd.s32 $0xFFFFD800  }
0x10b: {  	_ =	swait.ge [sflag:s21], $0x2800  }
0x10c: {  	[sflag:s21] =	ssyncset.done $0x0  }
0x10d: {  	[sflag:s21] =	ssyncadd.s32 $0xFFFFD800  }
0x10e: {  	[spmem:s3] =	stream.indirect.scatter.add.f32 [tilespmem:s17], [sflag:$0x5], $0x80, s0, s13, $0xb8;
	[tilespmem:$0x1EC00] =	vst v63  }
0x10f: {  	_ =	swait.ge [sflag:s10], $0x2800  }
0x110: {  	[sflag:s10] =	ssyncset.done $0x0  }
0x111: {  	[sflag:s10] =	ssyncadd.s32 $0xFFFFD800  }
0x112: {  	_ =	swait.ge [sflag:s18], $0x2800  }
0x113: {  	[sflag:s18] =	ssyncset.done $0x0  }
0x114: {  	[sflag:s18] =	ssyncadd.s32 $0xFFFFD800  }
0x115: {  	[spmem:s3] =	stream.indirect.scatter.add.f32 [tilespmem:s14], [sflag:$0x5], $0x80, s5, s13, $0xb8;
	[tilespmem:$0x1EC00] =	vst v63  }
0x116: {  	s6 =	simm.s32 $0x1F4;
	_ =	swait.ge [sflag:s10], $0x2800  }
0x117: {  	s8 =	simm.s32 $0xFA;
	s9 =	rddreg [dreg:$0x5];
	[sflag:s10] =	ssyncset.done $0x0  }
.LBB2_2:
0x118: {  	[sflag:s10] =	ssyncadd.s32 $0xFFFFD800;
	s9 =	sadd.s32 s8, s9  }
0x119: {  	[tilespmem:s11], [sflag:$0x5] =	stream.linear.gather [hbm4b:s9+s4], $0x7D0, $0x38;
	[tilespmem:$0x1EC00] =	vst v63  }
0x11a: {  	_ =	swait.ge [sflag:s10], $0x7D0  }
0x11b: {  	s9 =	rddreg [dreg:$0x4];
	[sflag:s10] =	ssyncset.done $0x0  }
0x11c: {  	[sflag:s10] =	ssyncadd.s32 $0xFFFFF830;
	s9 =	sadd.s32 s8, s9  }
0x11d: {  	[tilespmem:s12], [sflag:$0x5] =	stream.linear.gather [hbm4b:s9+s4], $0x7D0, $0x38;
	[tilespmem:$0x1EC00] =	vst v63  }
0x11e: {  	_ =	swait.ge [sflag:s10], $0x7D0  }
0x11f: {  	[sflag:s10] =	ssyncset.done $0x0  }
0x120: {  	s7 =	smov.u32 s6;
	[sflag:s10] =	ssyncadd.s32 $0xFFFFF830  }
0x121: {  	[tilespmem:s14], [sflag:$0x1] =	stream.indirect.gather [hbm4b:s2+s13], $0x80, s11, s13, $0xb8;
	[tilespmem:$0x1EC00] =	vst v63  }
0x122: {  	s8 =	smov.u32 s7;
	s7 =	rddreg [dreg:$0x6]  }
0x123: {  	[tilespmem:s15], [sflag:$0x2] =	stream.indirect.gather [hbm4b:s2+s13], $0x80, s7, s13, $0xb8;
	[tilespmem:$0x1EC00] =	vst v63  }
0x124: {  	s9 =	rddreg [dreg:$0x7]  }
0x125: {  	[tilespmem:s16], [sflag:$0x3] =	stream.indirect.gather [hbm4b:s2+s13], $0x80, s9, s13, $0xb8;
	[tilespmem:$0x1EC00] =	vst v63  }
0x126: {  	s7 =	rddreg [dreg:$0x8]  }
0x127: {  	[tilespmem:s17], [sflag:$0x4] =	stream.indirect.gather [hbm4b:s2+s13], $0x80, s7, s13, $0xb8;
	[tilespmem:$0x1EC00] =	vst v63  }
0x128: {  	_ =	swait.ge [sflag:s18], $0x2800  }
0x129: {  	[sflag:s18] =	ssyncset.done $0x0  }
0x12a: {  	[sflag:s18] =	ssyncadd.s32 $0xFFFFD800  }
0x12b: {  	[spmem:s3] =	stream.indirect.scatter.add.f32 [tilespmem:s14], [sflag:$0x5], $0x80, s12, s13, $0xb8;
	[tilespmem:$0x1EC00] =	vst v63  }
0x12c: {  	_ =	swait.ge [sflag:s10], $0x2800  }
0x12d: {  	[sflag:s10] =	ssyncset.done $0x0  }
0x12e: {  	s9 =	rddreg [dreg:$0x9];
	[sflag:s10] =	ssyncadd.s32 $0xFFFFD800  }
0x12f: {  	[tilespmem:s14], [sflag:$0x1] =	stream.indirect.gather [hbm4b:s2+s13], $0x80, s9, s13, $0xb8;
	[tilespmem:$0x1EC00] =	vst v63  }
0x130: {  	_ =	swait.ge [sflag:s19], $0x2800  }
0x131: {  	[sflag:s19] =	ssyncset.done $0x0  }
0x132: {  	s9 =	rddreg [dreg:$0xa];
	[sflag:s19] =	ssyncadd.s32 $0xFFFFD800  }
0x133: {  	[spmem:s3] =	stream.indirect.scatter.add.f32 [tilespmem:s15], [sflag:$0x5], $0x80, s9, s13, $0xb8;
	[tilespmem:$0x1EC00] =	vst v63  }
0x134: {  	_ =	swait.ge [sflag:s10], $0x2800  }
0x135: {  	[sflag:s10] =	ssyncset.done $0x0  }
0x136: {  	s9 =	rddreg [dreg:$0xb];
	[sflag:s10] =	ssyncadd.s32 $0xFFFFD800  }
0x137: {  	[tilespmem:s15], [sflag:$0x2] =	stream.indirect.gather [hbm4b:s2+s13], $0x80, s9, s13, $0xb8;
	[tilespmem:$0x1EC00] =	vst v63  }
0x138: {  	_ =	swait.ge [sflag:s20], $0x2800  }
0x139: {  	[sflag:s20] =	ssyncset.done $0x0  }
0x13a: {  	s9 =	rddreg [dreg:$0xc];
	[sflag:s20] =	ssyncadd.s32 $0xFFFFD800  }
0x13b: {  	[spmem:s3] =	stream.indirect.scatter.add.f32 [tilespmem:s16], [sflag:$0x5], $0x80, s9, s13, $0xb8;
	[tilespmem:$0x1EC00] =	vst v63  }
0x13c: {  	_ =	swait.ge [sflag:s10], $0x2800  }
0x13d: {  	[sflag:s10] =	ssyncset.done $0x0  }
0x13e: {  	s9 =	rddreg [dreg:$0xd];
	[sflag:s10] =	ssyncadd.s32 $0xFFFFD800  }
0x13f: {  	[tilespmem:s16], [sflag:$0x3] =	stream.indirect.gather [hbm4b:s2+s13], $0x80, s9, s13, $0xb8;
	[tilespmem:$0x1EC00] =	vst v63  }
0x140: {  	_ =	swait.ge [sflag:s21], $0x2800  }
0x141: {  	[sflag:s21] =	ssyncset.done $0x0  }
0x142: {  	s9 =	rddreg [dreg:$0xe];
	[sflag:s21] =	ssyncadd.s32 $0xFFFFD800  }
0x143: {  	[spmem:s3] =	stream.indirect.scatter.add.f32 [tilespmem:s17], [sflag:$0x5], $0x80, s9, s13, $0xb8;
	[tilespmem:$0x1EC00] =	vst v63  }
0x144: {  	_ =	swait.ge [sflag:s10], $0x2800  }
0x145: {  	[sflag:s10] =	ssyncset.done $0x0  }
0x146: {  	s9 =	rddreg [dreg:$0xf];
	[sflag:s10] =	ssyncadd.s32 $0xFFFFD800  }
0x147: {  	[tilespmem:s17], [sflag:$0x4] =	stream.indirect.gather [hbm4b:s2+s13], $0x80, s9, s13, $0xb8;
	[tilespmem:$0x1EC00] =	vst v63  }
0x148: {  	_ =	swait.ge [sflag:s18], $0x2800  }
0x149: {  	[sflag:s18] =	ssyncset.done $0x0  }
0x14a: {  	s9 =	rddreg [dreg:$0x10];
	[sflag:s18] =	ssyncadd.s32 $0xFFFFD800  }
0x14b: {  	[spmem:s3] =	stream.indirect.scatter.add.f32 [tilespmem:s14], [sflag:$0x5], $0x80, s9, s13, $0xb8;
	[tilespmem:$0x1EC00] =	vst v63  }
0x14c: {  	_ =	swait.ge [sflag:s10], $0x2800  }
0x14d: {  	[sflag:s10] =	ssyncset.done $0x0  }
0x14e: {  	s9 =	rddreg [dreg:$0x11];
	[sflag:s10] =	ssyncadd.s32 $0xFFFFD800  }
0x14f: {  	[tilespmem:s14], [sflag:$0x1] =	stream.indirect.gather [hbm4b:s2+s13], $0x80, s9, s13, $0xb8;
	[tilespmem:$0x1EC00] =	vst v63  }
0x150: {  	_ =	swait.ge [sflag:s19], $0x2800  }
0x151: {  	[sflag:s19] =	ssyncset.done $0x0  }
0x152: {  	s9 =	rddreg [dreg:$0x12];
	[sflag:s19] =	ssyncadd.s32 $0xFFFFD800  }
0x153: {  	[spmem:s3] =	stream.indirect.scatter.add.f32 [tilespmem:s15], [sflag:$0x5], $0x80, s9, s13, $0xb8;
	[tilespmem:$0x1EC00] =	vst v63  }
0x154: {  	_ =	swait.ge [sflag:s10], $0x2800  }
0x155: {  	[sflag:s10] =	ssyncset.done $0x0  }
0x156: {  	s9 =	rddreg [dreg:$0x13];
	[sflag:s10] =	ssyncadd.s32 $0xFFFFD800  }
0x157: {  	[tilespmem:s15], [sflag:$0x2] =	stream.indirect.gather [hbm4b:s2+s13], $0x80, s9, s13, $0xb8;
	[tilespmem:$0x1EC00] =	vst v63  }
0x158: {  	_ =	swait.ge [sflag:s20], $0x2800  }
0x159: {  	[sflag:s20] =	ssyncset.done $0x0  }
0x15a: {  	s9 =	rddreg [dreg:$0x14];
	[sflag:s20] =	ssyncadd.s32 $0xFFFFD800  }
0x15b: {  	[spmem:s3] =	stream.indirect.scatter.add.f32 [tilespmem:s16], [sflag:$0x5], $0x80, s9, s13, $0xb8;
	[tilespmem:$0x1EC00] =	vst v63  }
0x15c: {  	_ =	swait.ge [sflag:s10], $0x2800  }
0x15d: {  	[sflag:s10] =	ssyncset.done $0x0  }
0x15e: {  	s9 =	rddreg [dreg:$0x15];
	[sflag:s10] =	ssyncadd.s32 $0xFFFFD800  }
0x15f: {  	[tilespmem:s16], [sflag:$0x3] =	stream.indirect.gather [hbm4b:s2+s13], $0x80, s9, s13, $0xb8;
	[tilespmem:$0x1EC00] =	vst v63  }
0x160: {  	_ =	swait.ge [sflag:s21], $0x2800  }
0x161: {  	[sflag:s21] =	ssyncset.done $0x0  }
0x162: {  	s9 =	rddreg [dreg:$0x16];
	[sflag:s21] =	ssyncadd.s32 $0xFFFFD800  }
0x163: {  	[spmem:s3] =	stream.indirect.scatter.add.f32 [tilespmem:s17], [sflag:$0x5], $0x80, s9, s13, $0xb8;
	[tilespmem:$0x1EC00] =	vst v63  }
0x164: {  	_ =	swait.ge [sflag:s10], $0x2800  }
0x165: {  	[sflag:s10] =	ssyncset.done $0x0  }
0x166: {  	s9 =	rddreg [dreg:$0x17];
	[sflag:s10] =	ssyncadd.s32 $0xFFFFD800  }
0x167: {  	[tilespmem:s17], [sflag:$0x4] =	stream.indirect.gather [hbm4b:s2+s13], $0x80, s9, s13, $0xb8;
	[tilespmem:$0x1EC00] =	vst v63  }
0x168: {  	_ =	swait.ge [sflag:s18], $0x2800  }
0x169: {  	[sflag:s18] =	ssyncset.done $0x0  }
0x16a: {  	s9 =	rddreg [dreg:$0x18];
	[sflag:s18] =	ssyncadd.s32 $0xFFFFD800  }
0x16b: {  	[spmem:s3] =	stream.indirect.scatter.add.f32 [tilespmem:s14], [sflag:$0x5], $0x80, s9, s13, $0xb8;
	[tilespmem:$0x1EC00] =	vst v63  }
0x16c: {  	_ =	swait.ge [sflag:s10], $0x2800  }
0x16d: {  	[sflag:s10] =	ssyncset.done $0x0  }
0x16e: {  	s9 =	rddreg [dreg:$0x19];
	[sflag:s10] =	ssyncadd.s32 $0xFFFFD800  }
0x16f: {  	[tilespmem:s14], [sflag:$0x1] =	stream.indirect.gather [hbm4b:s2+s13], $0x80, s9, s13, $0xb8;
	[tilespmem:$0x1EC00] =	vst v63  }
0x170: {  	_ =	swait.ge [sflag:s19], $0x2800  }
0x171: {  	[sflag:s19] =	ssyncset.done $0x0  }
0x172: {  	s9 =	rddreg [dreg:$0x1a];
	[sflag:s19] =	ssyncadd.s32 $0xFFFFD800  }
0x173: {  	[spmem:s3] =	stream.indirect.scatter.add.f32 [tilespmem:s15], [sflag:$0x5], $0x80, s9, s13, $0xb8;
	[tilespmem:$0x1EC00] =	vst v63  }
0x174: {  	_ =	swait.ge [sflag:s10], $0x2800  }
0x175: {  	[sflag:s10] =	ssyncset.done $0x0  }
0x176: {  	s9 =	rddreg [dreg:$0x1b];
	[sflag:s10] =	ssyncadd.s32 $0xFFFFD800  }
0x177: {  	[tilespmem:s15], [sflag:$0x2] =	stream.indirect.gather [hbm4b:s2+s13], $0x80, s9, s13, $0xb8;
	[tilespmem:$0x1EC00] =	vst v63  }
0x178: {  	_ =	swait.ge [sflag:s20], $0x2800  }
0x179: {  	[sflag:s20] =	ssyncset.done $0x0  }
0x17a: {  	s9 =	rddreg [dreg:$0x1c];
	[sflag:s20] =	ssyncadd.s32 $0xFFFFD800  }
0x17b: {  	[spmem:s3] =	stream.indirect.scatter.add.f32 [tilespmem:s16], [sflag:$0x5], $0x80, s9, s13, $0xb8;
	[tilespmem:$0x1EC00] =	vst v63  }
0x17c: {  	_ =	swait.ge [sflag:s10], $0x2800  }
0x17d: {  	[sflag:s10] =	ssyncset.done $0x0  }
0x17e: {  	s9 =	rddreg [dreg:$0x1d];
	[sflag:s10] =	ssyncadd.s32 $0xFFFFD800  }
0x17f: {  	[tilespmem:s16], [sflag:$0x3] =	stream.indirect.gather [hbm4b:s2+s13], $0x80, s9, s13, $0xb8;
	[tilespmem:$0x1EC00] =	vst v63  }
0x180: {  	_ =	swait.ge [sflag:s21], $0x2800  }
0x181: {  	[sflag:s21] =	ssyncset.done $0x0  }
0x182: {  	s9 =	rddreg [dreg:$0x1e];
	[sflag:s21] =	ssyncadd.s32 $0xFFFFD800  }
0x183: {  	[spmem:s3] =	stream.indirect.scatter.add.f32 [tilespmem:s17], [sflag:$0x5], $0x80, s9, s13, $0xb8;
	[tilespmem:$0x1EC00] =	vst v63  }
0x184: {  	_ =	swait.ge [sflag:s10], $0x2800  }
0x185: {  	[sflag:s10] =	ssyncset.done $0x0  }
0x186: {  	s9 =	rddreg [dreg:$0x1f];
	[sflag:s10] =	ssyncadd.s32 $0xFFFFD800  }
0x187: {  	[tilespmem:s17], [sflag:$0x4] =	stream.indirect.gather [hbm4b:s2+s13], $0x80, s9, s13, $0xb8;
	[tilespmem:$0x1EC00] =	vst v63  }
0x188: {  	_ =	swait.ge [sflag:s18], $0x2800  }
0x189: {  	s9 =	sld [smem:$0x7F2]  }
0x18a: {  	[sflag:s18] =	ssyncset.done $0x0  }
0x18b: {  	[sflag:s18] =	ssyncadd.s32 $0xFFFFD800  }
0x18c: {  	[spmem:s3] =	stream.indirect.scatter.add.f32 [tilespmem:s14], [sflag:$0x5], $0x80, s9, s13, $0xb8;
	[tilespmem:$0x1EC00] =	vst v63  }
0x18d: {  	_ =	swait.ge [sflag:s10], $0x2800  }
0x18e: {  	s9 =	sld [smem:$0x7F3]  }
0x18f: {  	[sflag:s10] =	ssyncset.done $0x0  }
0x190: {  	[sflag:s10] =	ssyncadd.s32 $0xFFFFD800  }
0x191: {  	[tilespmem:s14], [sflag:$0x1] =	stream.indirect.gather [hbm4b:s2+s13], $0x80, s9, s13, $0xb8;
	[tilespmem:$0x1EC00] =	vst v63  }
0x192: {  	_ =	swait.ge [sflag:s19], $0x2800  }
0x193: {  	s9 =	sld [smem:$0x7F4]  }
0x194: {  	[sflag:s19] =	ssyncset.done $0x0  }
0x195: {  	[sflag:s19] =	ssyncadd.s32 $0xFFFFD800  }
0x196: {  	[spmem:s3] =	stream.indirect.scatter.add.f32 [tilespmem:s15], [sflag:$0x5], $0x80, s9, s13, $0xb8;
	[tilespmem:$0x1EC00] =	vst v63  }
0x197: {  	_ =	swait.ge [sflag:s10], $0x2800  }
0x198: {  	s9 =	sld [smem:$0x7F5]  }
0x199: {  	[sflag:s10] =	ssyncset.done $0x0  }
0x19a: {  	[sflag:s10] =	ssyncadd.s32 $0xFFFFD800  }
0x19b: {  	[tilespmem:s15], [sflag:$0x2] =	stream.indirect.gather [hbm4b:s2+s13], $0x80, s9, s13, $0xb8;
	[tilespmem:$0x1EC00] =	vst v63  }
0x19c: {  	_ =	swait.ge [sflag:s20], $0x2800  }
0x19d: {  	s9 =	sld [smem:$0x7F6]  }
0x19e: {  	[sflag:s20] =	ssyncset.done $0x0  }
0x19f: {  	[sflag:s20] =	ssyncadd.s32 $0xFFFFD800  }
0x1a0: {  	[spmem:s3] =	stream.indirect.scatter.add.f32 [tilespmem:s16], [sflag:$0x5], $0x80, s9, s13, $0xb8;
	[tilespmem:$0x1EC00] =	vst v63  }
0x1a1: {  	_ =	swait.ge [sflag:s10], $0x2800  }
0x1a2: {  	s9 =	sld [smem:$0x7F7]  }
0x1a3: {  	[sflag:s10] =	ssyncset.done $0x0  }
0x1a4: {  	[sflag:s10] =	ssyncadd.s32 $0xFFFFD800  }
0x1a5: {  	[tilespmem:s16], [sflag:$0x3] =	stream.indirect.gather [hbm4b:s2+s13], $0x80, s9, s13, $0xb8;
	[tilespmem:$0x1EC00] =	vst v63  }
0x1a6: {  	_ =	swait.ge [sflag:s21], $0x2800  }
0x1a7: {  	s9 =	sld [smem:$0x7F8]  }
0x1a8: {  	[sflag:s21] =	ssyncset.done $0x0  }
0x1a9: {  	[sflag:s21] =	ssyncadd.s32 $0xFFFFD800  }
0x1aa: {  	[spmem:s3] =	stream.indirect.scatter.add.f32 [tilespmem:s17], [sflag:$0x5], $0x80, s9, s13, $0xb8;
	[tilespmem:$0x1EC00] =	vst v63  }
0x1ab: {  	_ =	swait.ge [sflag:s10], $0x2800  }
0x1ac: {  	s9 =	sld [smem:$0x7F9]  }
0x1ad: {  	[sflag:s10] =	ssyncset.done $0x0  }
0x1ae: {  	[sflag:s10] =	ssyncadd.s32 $0xFFFFD800  }
0x1af: {  	[tilespmem:s17], [sflag:$0x4] =	stream.indirect.gather [hbm4b:s2+s13], $0x80, s9, s13, $0xb8;
	[tilespmem:$0x1EC00] =	vst v63  }
0x1b0: {  	_ =	swait.ge [sflag:s18], $0x2800  }
0x1b1: {  	s9 =	sld [smem:$0x7FA]  }
0x1b2: {  	[sflag:s18] =	ssyncset.done $0x0  }
0x1b3: {  	[sflag:s18] =	ssyncadd.s32 $0xFFFFD800  }
0x1b4: {  	[spmem:s3] =	stream.indirect.scatter.add.f32 [tilespmem:s14], [sflag:$0x5], $0x80, s9, s13, $0xb8;
	[tilespmem:$0x1EC00] =	vst v63  }
0x1b5: {  	_ =	swait.ge [sflag:s10], $0x2800  }
0x1b6: {  	s9 =	sld [smem:$0x7FB]  }
0x1b7: {  	[sflag:s10] =	ssyncset.done $0x0  }
0x1b8: {  	[sflag:s10] =	ssyncadd.s32 $0xFFFFD800  }
0x1b9: {  	[tilespmem:s14], [sflag:$0x1] =	stream.indirect.gather [hbm4b:s2+s13], $0x80, s9, s13, $0xb8;
	[tilespmem:$0x1EC00] =	vst v63  }
0x1ba: {  	_ =	swait.ge [sflag:s19], $0x2800  }
0x1bb: {  	[sflag:s19] =	ssyncset.done $0x0  }
0x1bc: {  	[sflag:s19] =	ssyncadd.s32 $0xFFFFD800  }
0x1bd: {  	[spmem:s3] =	stream.indirect.scatter.add.f32 [tilespmem:s15], [sflag:$0x5], $0x80, s22, s13, $0xb8;
	[tilespmem:$0x1EC00] =	vst v63  }
0x1be: {  	_ =	swait.ge [sflag:s10], $0x2800  }
0x1bf: {  	[sflag:s10] =	ssyncset.done $0x0  }
0x1c0: {  	[sflag:s10] =	ssyncadd.s32 $0xFFFFD800  }
0x1c1: {  	[tilespmem:s15], [sflag:$0x2] =	stream.indirect.gather [hbm4b:s2+s13], $0x80, s23, s13, $0xb8;
	[tilespmem:$0x1EC00] =	vst v63  }
0x1c2: {  	_ =	swait.ge [sflag:s20], $0x2800  }
0x1c3: {  	[sflag:s20] =	ssyncset.done $0x0  }
0x1c4: {  	[sflag:s20] =	ssyncadd.s32 $0xFFFFD800  }
0x1c5: {  	[spmem:s3] =	stream.indirect.scatter.add.f32 [tilespmem:s16], [sflag:$0x5], $0x80, s24, s13, $0xb8;
	[tilespmem:$0x1EC00] =	vst v63  }
0x1c6: {  	_ =	swait.ge [sflag:s10], $0x2800  }
0x1c7: {  	[sflag:s10] =	ssyncset.done $0x0  }
0x1c8: {  	[sflag:s10] =	ssyncadd.s32 $0xFFFFD800  }
0x1c9: {  	[tilespmem:s16], [sflag:$0x3] =	stream.indirect.gather [hbm4b:s2+s13], $0x80, s25, s13, $0xb8;
	[tilespmem:$0x1EC00] =	vst v63  }
0x1ca: {  	_ =	swait.ge [sflag:s21], $0x2800  }
0x1cb: {  	[sflag:s21] =	ssyncset.done $0x0  }
0x1cc: {  	[sflag:s21] =	ssyncadd.s32 $0xFFFFD800  }
0x1cd: {  	[spmem:s3] =	stream.indirect.scatter.add.f32 [tilespmem:s17], [sflag:$0x5], $0x80, s26, s13, $0xb8;
	[tilespmem:$0x1EC00] =	vst v63  }
0x1ce: {  	_ =	swait.ge [sflag:s10], $0x2800  }
0x1cf: {  	[sflag:s10] =	ssyncset.done $0x0  }
0x1d0: {  	[sflag:s10] =	ssyncadd.s32 $0xFFFFD800  }
0x1d1: {  	[tilespmem:s17], [sflag:$0x4] =	stream.indirect.gather [hbm4b:s2+s13], $0x80, s28, s13, $0xb8;
	[tilespmem:$0x1EC00] =	vst v63  }
0x1d2: {  	_ =	swait.ge [sflag:s18], $0x2800  }
0x1d3: {  	[sflag:s18] =	ssyncset.done $0x0  }
0x1d4: {  	[sflag:s18] =	ssyncadd.s32 $0xFFFFD800  }
0x1d5: {  	[spmem:s3] =	stream.indirect.scatter.add.f32 [tilespmem:s14], [sflag:$0x5], $0x80, s29, s13, $0xb8;
	[tilespmem:$0x1EC00] =	vst v63  }
0x1d6: {  	_ =	swait.ge [sflag:s10], $0x2800  }
0x1d7: {  	[sflag:s10] =	ssyncset.done $0x0  }
0x1d8: {  	[sflag:s10] =	ssyncadd.s32 $0xFFFFD800  }
0x1d9: {  	[tilespmem:s14], [sflag:$0x1] =	stream.indirect.gather [hbm4b:s2+s13], $0x80, s30, s13, $0xb8;
	[tilespmem:$0x1EC00] =	vst v63  }
0x1da: {  	_ =	swait.ge [sflag:s19], $0x2800  }
0x1db: {  	[sflag:s19] =	ssyncset.done $0x0  }
0x1dc: {  	[sflag:s19] =	ssyncadd.s32 $0xFFFFD800  }
0x1dd: {  	[spmem:s3] =	stream.indirect.scatter.add.f32 [tilespmem:s15], [sflag:$0x5], $0x80, s31, s13, $0xb8;
	[tilespmem:$0x1EC00] =	vst v63  }
0x1de: {  	_ =	swait.ge [sflag:s10], $0x2800  }
0x1df: {  	[sflag:s10] =	ssyncset.done $0x0  }
0x1e0: {  	[sflag:s10] =	ssyncadd.s32 $0xFFFFD800  }
0x1e1: {  	_ =	swait.ge [sflag:s20], $0x2800  }
0x1e2: {  	[sflag:s20] =	ssyncset.done $0x0  }
0x1e3: {  	[sflag:s20] =	ssyncadd.s32 $0xFFFFD800  }
0x1e4: {  	[spmem:s3] =	stream.indirect.scatter.add.f32 [tilespmem:s16], [sflag:$0x5], $0x80, s1, s13, $0xb8;
	[tilespmem:$0x1EC00] =	vst v63  }
0x1e5: {  	_ =	swait.ge [sflag:s10], $0x2800  }
0x1e6: {  	[sflag:s10] =	ssyncset.done $0x0  }
0x1e7: {  	[sflag:s10] =	ssyncadd.s32 $0xFFFFD800  }
0x1e8: {  	_ =	swait.ge [sflag:s21], $0x2800  }
0x1e9: {  	[sflag:s21] =	ssyncset.done $0x0  }
0x1ea: {  	[sflag:s21] =	ssyncadd.s32 $0xFFFFD800  }
0x1eb: {  	[spmem:s3] =	stream.indirect.scatter.add.f32 [tilespmem:s17], [sflag:$0x5], $0x80, s0, s13, $0xb8;
	[tilespmem:$0x1EC00] =	vst v63  }
0x1ec: {  	_ =	swait.ge [sflag:s10], $0x2800  }
0x1ed: {  	[sflag:s10] =	ssyncset.done $0x0  }
0x1ee: {  	[sflag:s10] =	ssyncadd.s32 $0xFFFFD800  }
0x1ef: {  	p0 =	sne.s32 s6, $0x3E8;
	_ =	swait.ge [sflag:s18], $0x2800  }
.Ltmp0:
0x1f0: {  	[sflag:s18] =	ssyncset.done $0x0;
	(pc) =	sbr.rel @p0 .LBB2_2-.Ltmp0, $4  }
0x1f1: {  	[sflag:s18] =	ssyncadd.s32 $0xFFFFD800  }
0x1f2: {  	[spmem:s3] =	stream.indirect.scatter.add.f32 [tilespmem:s14], [sflag:$0x5], $0x80, s5, s13, $0xb8;
	[tilespmem:$0x1EC00] =	vst v63  }
0x1f3: {  	_ =	swait.ge [sflag:s10], $0x2800  }
0x1f4: {  	s6 =	sadd.s32 $0xFA, s6;
	s9 =	rddreg [dreg:$0x5];
	[sflag:s10] =	ssyncset.done $0x0  }
0x1f5: {  	[sflag:s10] =	ssyncadd.s32 $0xFFFFD800;
	s6 =	sadd.s32 s8, s9  }
0x1f6: {  	[tilespmem:s11], [sflag:$0x5] =	stream.linear.gather [hbm4b:s6+s4], $0x7D0, $0x38;
	[tilespmem:$0x1EC00] =	vst v63  }
0x1f7: {  	_ =	swait.ge [sflag:s10], $0x7D0  }
0x1f8: {  	s7 =	rddreg [dreg:$0x4];
	[sflag:s10] =	ssyncset.done $0x0  }
0x1f9: {  	[sflag:s10] =	ssyncadd.s32 $0xFFFFF830;
	s6 =	sadd.s32 s8, s7  }
0x1fa: {  	[tilespmem:s12], [sflag:$0x5] =	stream.linear.gather [hbm4b:s6+s4], $0x7D0, $0x38;
	[tilespmem:$0x1EC00] =	vst v63  }
0x1fb: {  	_ =	swait.ge [sflag:s10], $0x7D0  }
0x1fc: {  	[sflag:s10] =	ssyncset.done $0x0  }
0x1fd: {  	[sflag:s10] =	ssyncadd.s32 $0xFFFFF830  }
0x1fe: {  	[tilespmem:s14], [sflag:$0x1] =	stream.indirect.gather [hbm4b:s2+s13], $0x80, s11, s13, $0xb8;
	[tilespmem:$0x1EC00] =	vst v63  }
0x1ff: {  	s9 =	rddreg [dreg:$0x6]  }
0x200: {  	[tilespmem:s15], [sflag:$0x2] =	stream.indirect.gather [hbm4b:s2+s13], $0x80, s9, s13, $0xb8;
	[tilespmem:$0x1EC00] =	vst v63  }
0x201: {  	s7 =	rddreg [dreg:$0x7]  }
0x202: {  	[tilespmem:s16], [sflag:$0x3] =	stream.indirect.gather [hbm4b:s2+s13], $0x80, s7, s13, $0xb8;
	[tilespmem:$0x1EC00] =	vst v63  }
0x203: {  	s8 =	rddreg [dreg:$0x8]  }
0x204: {  	[tilespmem:s17], [sflag:$0x4] =	stream.indirect.gather [hbm4b:s2+s13], $0x80, s8, s13, $0xb8;
	[tilespmem:$0x1EC00] =	vst v63  }
0x205: {  	_ =	swait.ge [sflag:s18], $0x2800  }
0x206: {  	[sflag:s18] =	ssyncset.done $0x0  }
0x207: {  	[sflag:s18] =	ssyncadd.s32 $0xFFFFD800  }
0x208: {  	[spmem:s3] =	stream.indirect.scatter.add.f32 [tilespmem:s14], [sflag:$0x5], $0x80, s12, s13, $0xb8;
	[tilespmem:$0x1EC00] =	vst v63  }
0x209: {  	_ =	swait.ge [sflag:s10], $0x2800  }
0x20a: {  	[sflag:s10] =	ssyncset.done $0x0  }
0x20b: {  	s9 =	rddreg [dreg:$0x9];
	[sflag:s10] =	ssyncadd.s32 $0xFFFFD800  }
0x20c: {  	[tilespmem:s14], [sflag:$0x1] =	stream.indirect.gather [hbm4b:s2+s13], $0x80, s9, s13, $0xb8;
	[tilespmem:$0x1EC00] =	vst v63  }
0x20d: {  	_ =	swait.ge [sflag:s19], $0x2800  }
0x20e: {  	[sflag:s19] =	ssyncset.done $0x0  }
0x20f: {  	s7 =	rddreg [dreg:$0xa];
	[sflag:s19] =	ssyncadd.s32 $0xFFFFD800  }
0x210: {  	[spmem:s3] =	stream.indirect.scatter.add.f32 [tilespmem:s15], [sflag:$0x5], $0x80, s7, s13, $0xb8;
	[tilespmem:$0x1EC00] =	vst v63  }
0x211: {  	_ =	swait.ge [sflag:s10], $0x2800  }
0x212: {  	[sflag:s10] =	ssyncset.done $0x0  }
0x213: {  	s8 =	rddreg [dreg:$0xb];
	[sflag:s10] =	ssyncadd.s32 $0xFFFFD800  }
0x214: {  	[tilespmem:s15], [sflag:$0x2] =	stream.indirect.gather [hbm4b:s2+s13], $0x80, s8, s13, $0xb8;
	[tilespmem:$0x1EC00] =	vst v63  }
0x215: {  	_ =	swait.ge [sflag:s20], $0x2800  }
0x216: {  	[sflag:s20] =	ssyncset.done $0x0  }
0x217: {  	s9 =	rddreg [dreg:$0xc];
	[sflag:s20] =	ssyncadd.s32 $0xFFFFD800  }
0x218: {  	[spmem:s3] =	stream.indirect.scatter.add.f32 [tilespmem:s16], [sflag:$0x5], $0x80, s9, s13, $0xb8;
	[tilespmem:$0x1EC00] =	vst v63  }
0x219: {  	_ =	swait.ge [sflag:s10], $0x2800  }
0x21a: {  	[sflag:s10] =	ssyncset.done $0x0  }
0x21b: {  	s7 =	rddreg [dreg:$0xd];
	[sflag:s10] =	ssyncadd.s32 $0xFFFFD800  }
0x21c: {  	[tilespmem:s16], [sflag:$0x3] =	stream.indirect.gather [hbm4b:s2+s13], $0x80, s7, s13, $0xb8;
	[tilespmem:$0x1EC00] =	vst v63  }
0x21d: {  	_ =	swait.ge [sflag:s21], $0x2800  }
0x21e: {  	[sflag:s21] =	ssyncset.done $0x0  }
0x21f: {  	s8 =	rddreg [dreg:$0xe];
	[sflag:s21] =	ssyncadd.s32 $0xFFFFD800  }
0x220: {  	[spmem:s3] =	stream.indirect.scatter.add.f32 [tilespmem:s17], [sflag:$0x5], $0x80, s8, s13, $0xb8;
	[tilespmem:$0x1EC00] =	vst v63  }
0x221: {  	_ =	swait.ge [sflag:s10], $0x2800  }
0x222: {  	[sflag:s10] =	ssyncset.done $0x0  }
0x223: {  	s9 =	rddreg [dreg:$0xf];
	[sflag:s10] =	ssyncadd.s32 $0xFFFFD800  }
0x224: {  	[tilespmem:s17], [sflag:$0x4] =	stream.indirect.gather [hbm4b:s2+s13], $0x80, s9, s13, $0xb8;
	[tilespmem:$0x1EC00] =	vst v63  }
0x225: {  	_ =	swait.ge [sflag:s18], $0x2800  }
0x226: {  	[sflag:s18] =	ssyncset.done $0x0  }
0x227: {  	s7 =	rddreg [dreg:$0x10];
	[sflag:s18] =	ssyncadd.s32 $0xFFFFD800  }
0x228: {  	[spmem:s3] =	stream.indirect.scatter.add.f32 [tilespmem:s14], [sflag:$0x5], $0x80, s7, s13, $0xb8;
	[tilespmem:$0x1EC00] =	vst v63  }
0x229: {  	_ =	swait.ge [sflag:s10], $0x2800  }
0x22a: {  	[sflag:s10] =	ssyncset.done $0x0  }
0x22b: {  	s8 =	rddreg [dreg:$0x11];
	[sflag:s10] =	ssyncadd.s32 $0xFFFFD800  }
0x22c: {  	[tilespmem:s14], [sflag:$0x1] =	stream.indirect.gather [hbm4b:s2+s13], $0x80, s8, s13, $0xb8;
	[tilespmem:$0x1EC00] =	vst v63  }
0x22d: {  	_ =	swait.ge [sflag:s19], $0x2800  }
0x22e: {  	[sflag:s19] =	ssyncset.done $0x0  }
0x22f: {  	s9 =	rddreg [dreg:$0x12];
	[sflag:s19] =	ssyncadd.s32 $0xFFFFD800  }
0x230: {  	[spmem:s3] =	stream.indirect.scatter.add.f32 [tilespmem:s15], [sflag:$0x5], $0x80, s9, s13, $0xb8;
	[tilespmem:$0x1EC00] =	vst v63  }
0x231: {  	_ =	swait.ge [sflag:s10], $0x2800  }
0x232: {  	[sflag:s10] =	ssyncset.done $0x0  }
0x233: {  	s7 =	rddreg [dreg:$0x13];
	[sflag:s10] =	ssyncadd.s32 $0xFFFFD800  }
0x234: {  	[tilespmem:s15], [sflag:$0x2] =	stream.indirect.gather [hbm4b:s2+s13], $0x80, s7, s13, $0xb8;
	[tilespmem:$0x1EC00] =	vst v63  }
0x235: {  	_ =	swait.ge [sflag:s20], $0x2800  }
0x236: {  	[sflag:s20] =	ssyncset.done $0x0  }
0x237: {  	s8 =	rddreg [dreg:$0x14];
	[sflag:s20] =	ssyncadd.s32 $0xFFFFD800  }
0x238: {  	[spmem:s3] =	stream.indirect.scatter.add.f32 [tilespmem:s16], [sflag:$0x5], $0x80, s8, s13, $0xb8;
	[tilespmem:$0x1EC00] =	vst v63  }
0x239: {  	_ =	swait.ge [sflag:s10], $0x2800  }
0x23a: {  	[sflag:s10] =	ssyncset.done $0x0  }
0x23b: {  	s9 =	rddreg [dreg:$0x15];
	[sflag:s10] =	ssyncadd.s32 $0xFFFFD800  }
0x23c: {  	[tilespmem:s16], [sflag:$0x3] =	stream.indirect.gather [hbm4b:s2+s13], $0x80, s9, s13, $0xb8;
	[tilespmem:$0x1EC00] =	vst v63  }
0x23d: {  	_ =	swait.ge [sflag:s21], $0x2800  }
0x23e: {  	[sflag:s21] =	ssyncset.done $0x0  }
0x23f: {  	s7 =	rddreg [dreg:$0x16];
	[sflag:s21] =	ssyncadd.s32 $0xFFFFD800  }
0x240: {  	[spmem:s3] =	stream.indirect.scatter.add.f32 [tilespmem:s17], [sflag:$0x5], $0x80, s7, s13, $0xb8;
	[tilespmem:$0x1EC00] =	vst v63  }
0x241: {  	_ =	swait.ge [sflag:s10], $0x2800  }
0x242: {  	[sflag:s10] =	ssyncset.done $0x0  }
0x243: {  	s8 =	rddreg [dreg:$0x17];
	[sflag:s10] =	ssyncadd.s32 $0xFFFFD800  }
0x244: {  	[tilespmem:s17], [sflag:$0x4] =	stream.indirect.gather [hbm4b:s2+s13], $0x80, s8, s13, $0xb8;
	[tilespmem:$0x1EC00] =	vst v63  }
0x245: {  	_ =	swait.ge [sflag:s18], $0x2800  }
0x246: {  	[sflag:s18] =	ssyncset.done $0x0  }
0x247: {  	s9 =	rddreg [dreg:$0x18];
	[sflag:s18] =	ssyncadd.s32 $0xFFFFD800  }
0x248: {  	[spmem:s3] =	stream.indirect.scatter.add.f32 [tilespmem:s14], [sflag:$0x5], $0x80, s9, s13, $0xb8;
	[tilespmem:$0x1EC00] =	vst v63  }
0x249: {  	_ =	swait.ge [sflag:s10], $0x2800  }
0x24a: {  	[sflag:s10] =	ssyncset.done $0x0  }
0x24b: {  	s7 =	rddreg [dreg:$0x19];
	[sflag:s10] =	ssyncadd.s32 $0xFFFFD800  }
0x24c: {  	[tilespmem:s14], [sflag:$0x1] =	stream.indirect.gather [hbm4b:s2+s13], $0x80, s7, s13, $0xb8;
	[tilespmem:$0x1EC00] =	vst v63  }
0x24d: {  	_ =	swait.ge [sflag:s19], $0x2800  }
0x24e: {  	[sflag:s19] =	ssyncset.done $0x0  }
0x24f: {  	s8 =	rddreg [dreg:$0x1a];
	[sflag:s19] =	ssyncadd.s32 $0xFFFFD800  }
0x250: {  	[spmem:s3] =	stream.indirect.scatter.add.f32 [tilespmem:s15], [sflag:$0x5], $0x80, s8, s13, $0xb8;
	[tilespmem:$0x1EC00] =	vst v63  }
0x251: {  	_ =	swait.ge [sflag:s10], $0x2800  }
0x252: {  	[sflag:s10] =	ssyncset.done $0x0  }
0x253: {  	s9 =	rddreg [dreg:$0x1b];
	[sflag:s10] =	ssyncadd.s32 $0xFFFFD800  }
0x254: {  	[tilespmem:s15], [sflag:$0x2] =	stream.indirect.gather [hbm4b:s2+s13], $0x80, s9, s13, $0xb8;
	[tilespmem:$0x1EC00] =	vst v63  }
0x255: {  	_ =	swait.ge [sflag:s20], $0x2800  }
0x256: {  	[sflag:s20] =	ssyncset.done $0x0  }
0x257: {  	s7 =	rddreg [dreg:$0x1c];
	[sflag:s20] =	ssyncadd.s32 $0xFFFFD800  }
0x258: {  	[spmem:s3] =	stream.indirect.scatter.add.f32 [tilespmem:s16], [sflag:$0x5], $0x80, s7, s13, $0xb8;
	[tilespmem:$0x1EC00] =	vst v63  }
0x259: {  	_ =	swait.ge [sflag:s10], $0x2800  }
0x25a: {  	[sflag:s10] =	ssyncset.done $0x0  }
0x25b: {  	s8 =	rddreg [dreg:$0x1d];
	[sflag:s10] =	ssyncadd.s32 $0xFFFFD800  }
0x25c: {  	[tilespmem:s16], [sflag:$0x3] =	stream.indirect.gather [hbm4b:s2+s13], $0x80, s8, s13, $0xb8;
	[tilespmem:$0x1EC00] =	vst v63  }
0x25d: {  	_ =	swait.ge [sflag:s21], $0x2800  }
0x25e: {  	[sflag:s21] =	ssyncset.done $0x0  }
0x25f: {  	s9 =	rddreg [dreg:$0x1e];
	[sflag:s21] =	ssyncadd.s32 $0xFFFFD800  }
0x260: {  	[spmem:s3] =	stream.indirect.scatter.add.f32 [tilespmem:s17], [sflag:$0x5], $0x80, s9, s13, $0xb8;
	[tilespmem:$0x1EC00] =	vst v63  }
0x261: {  	_ =	swait.ge [sflag:s10], $0x2800  }
0x262: {  	[sflag:s10] =	ssyncset.done $0x0  }
0x263: {  	s7 =	rddreg [dreg:$0x1f];
	[sflag:s10] =	ssyncadd.s32 $0xFFFFD800  }
0x264: {  	[tilespmem:s17], [sflag:$0x4] =	stream.indirect.gather [hbm4b:s2+s13], $0x80, s7, s13, $0xb8;
	[tilespmem:$0x1EC00] =	vst v63  }
0x265: {  	_ =	swait.ge [sflag:s18], $0x2800  }
0x266: {  	s8 =	sld [smem:$0x7F2]  }
0x267: {  	[sflag:s18] =	ssyncset.done $0x0  }
0x268: {  	[sflag:s18] =	ssyncadd.s32 $0xFFFFD800  }
0x269: {  	[spmem:s3] =	stream.indirect.scatter.add.f32 [tilespmem:s14], [sflag:$0x5], $0x80, s8, s13, $0xb8;
	[tilespmem:$0x1EC00] =	vst v63  }
0x26a: {  	_ =	swait.ge [sflag:s10], $0x2800  }
0x26b: {  	s9 =	sld [smem:$0x7F3]  }
0x26c: {  	[sflag:s10] =	ssyncset.done $0x0  }
0x26d: {  	[sflag:s10] =	ssyncadd.s32 $0xFFFFD800  }
0x26e: {  	[tilespmem:s14], [sflag:$0x1] =	stream.indirect.gather [hbm4b:s2+s13], $0x80, s9, s13, $0xb8;
	[tilespmem:$0x1EC00] =	vst v63  }
0x26f: {  	_ =	swait.ge [sflag:s19], $0x2800  }
0x270: {  	s7 =	sld [smem:$0x7F4]  }
0x271: {  	[sflag:s19] =	ssyncset.done $0x0  }
0x272: {  	[sflag:s19] =	ssyncadd.s32 $0xFFFFD800  }
0x273: {  	[spmem:s3] =	stream.indirect.scatter.add.f32 [tilespmem:s15], [sflag:$0x5], $0x80, s7, s13, $0xb8;
	[tilespmem:$0x1EC00] =	vst v63  }
0x274: {  	_ =	swait.ge [sflag:s10], $0x2800  }
0x275: {  	s8 =	sld [smem:$0x7F5]  }
0x276: {  	[sflag:s10] =	ssyncset.done $0x0  }
0x277: {  	[sflag:s10] =	ssyncadd.s32 $0xFFFFD800  }
0x278: {  	[tilespmem:s15], [sflag:$0x2] =	stream.indirect.gather [hbm4b:s2+s13], $0x80, s8, s13, $0xb8;
	[tilespmem:$0x1EC00] =	vst v63  }
0x279: {  	_ =	swait.ge [sflag:s20], $0x2800  }
0x27a: {  	s9 =	sld [smem:$0x7F6]  }
0x27b: {  	[sflag:s20] =	ssyncset.done $0x0  }
0x27c: {  	[sflag:s20] =	ssyncadd.s32 $0xFFFFD800  }
0x27d: {  	[spmem:s3] =	stream.indirect.scatter.add.f32 [tilespmem:s16], [sflag:$0x5], $0x80, s9, s13, $0xb8;
	[tilespmem:$0x1EC00] =	vst v63  }
0x27e: {  	_ =	swait.ge [sflag:s10], $0x2800  }
0x27f: {  	s7 =	sld [smem:$0x7F7]  }
0x280: {  	[sflag:s10] =	ssyncset.done $0x0  }
0x281: {  	[sflag:s10] =	ssyncadd.s32 $0xFFFFD800  }
0x282: {  	[tilespmem:s16], [sflag:$0x3] =	stream.indirect.gather [hbm4b:s2+s13], $0x80, s7, s13, $0xb8;
	[tilespmem:$0x1EC00] =	vst v63  }
0x283: {  	_ =	swait.ge [sflag:s21], $0x2800  }
0x284: {  	s8 =	sld [smem:$0x7F8]  }
0x285: {  	[sflag:s21] =	ssyncset.done $0x0  }
0x286: {  	[sflag:s21] =	ssyncadd.s32 $0xFFFFD800  }
0x287: {  	[spmem:s3] =	stream.indirect.scatter.add.f32 [tilespmem:s17], [sflag:$0x5], $0x80, s8, s13, $0xb8;
	[tilespmem:$0x1EC00] =	vst v63  }
0x288: {  	_ =	swait.ge [sflag:s10], $0x2800  }
0x289: {  	s9 =	sld [smem:$0x7F9]  }
0x28a: {  	[sflag:s10] =	ssyncset.done $0x0  }
0x28b: {  	[sflag:s10] =	ssyncadd.s32 $0xFFFFD800  }
0x28c: {  	[tilespmem:s17], [sflag:$0x4] =	stream.indirect.gather [hbm4b:s2+s13], $0x80, s9, s13, $0xb8;
	[tilespmem:$0x1EC00] =	vst v63  }
0x28d: {  	_ =	swait.ge [sflag:s18], $0x2800  }
0x28e: {  	s7 =	sld [smem:$0x7FA]  }
0x28f: {  	[sflag:s18] =	ssyncset.done $0x0  }
0x290: {  	[sflag:s18] =	ssyncadd.s32 $0xFFFFD800  }
0x291: {  	[spmem:s3] =	stream.indirect.scatter.add.f32 [tilespmem:s14], [sflag:$0x5], $0x80, s7, s13, $0xb8;
	[tilespmem:$0x1EC00] =	vst v63  }
0x292: {  	_ =	swait.ge [sflag:s10], $0x2800  }
0x293: {  	s8 =	sld [smem:$0x7FB]  }
0x294: {  	[sflag:s10] =	ssyncset.done $0x0  }
0x295: {  	[sflag:s10] =	ssyncadd.s32 $0xFFFFD800  }
0x296: {  	[tilespmem:s14], [sflag:$0x1] =	stream.indirect.gather [hbm4b:s2+s13], $0x80, s8, s13, $0xb8;
	[tilespmem:$0x1EC00] =	vst v63  }
0x297: {  	_ =	swait.ge [sflag:s19], $0x2800  }
0x298: {  	[sflag:s19] =	ssyncset.done $0x0  }
0x299: {  	[sflag:s19] =	ssyncadd.s32 $0xFFFFD800  }
0x29a: {  	[spmem:s3] =	stream.indirect.scatter.add.f32 [tilespmem:s15], [sflag:$0x5], $0x80, s22, s13, $0xb8;
	[tilespmem:$0x1EC00] =	vst v63  }
0x29b: {  	_ =	swait.ge [sflag:s10], $0x2800  }
0x29c: {  	[sflag:s10] =	ssyncset.done $0x0  }
0x29d: {  	[sflag:s10] =	ssyncadd.s32 $0xFFFFD800  }
0x29e: {  	[tilespmem:s15], [sflag:$0x2] =	stream.indirect.gather [hbm4b:s2+s13], $0x80, s23, s13, $0xb8;
	[tilespmem:$0x1EC00] =	vst v63  }
0x29f: {  	_ =	swait.ge [sflag:s20], $0x2800  }
0x2a0: {  	[sflag:s20] =	ssyncset.done $0x0  }
0x2a1: {  	[sflag:s20] =	ssyncadd.s32 $0xFFFFD800  }
0x2a2: {  	[spmem:s3] =	stream.indirect.scatter.add.f32 [tilespmem:s16], [sflag:$0x5], $0x80, s24, s13, $0xb8;
	[tilespmem:$0x1EC00] =	vst v63  }
0x2a3: {  	_ =	swait.ge [sflag:s10], $0x2800  }
0x2a4: {  	[sflag:s10] =	ssyncset.done $0x0  }
0x2a5: {  	[sflag:s10] =	ssyncadd.s32 $0xFFFFD800  }
0x2a6: {  	[tilespmem:s16], [sflag:$0x3] =	stream.indirect.gather [hbm4b:s2+s13], $0x80, s25, s13, $0xb8;
	[tilespmem:$0x1EC00] =	vst v63  }
0x2a7: {  	_ =	swait.ge [sflag:s21], $0x2800  }
0x2a8: {  	[sflag:s21] =	ssyncset.done $0x0  }
0x2a9: {  	[sflag:s21] =	ssyncadd.s32 $0xFFFFD800  }
0x2aa: {  	[spmem:s3] =	stream.indirect.scatter.add.f32 [tilespmem:s17], [sflag:$0x5], $0x80, s26, s13, $0xb8;
	[tilespmem:$0x1EC00] =	vst v63  }
0x2ab: {  	_ =	swait.ge [sflag:s10], $0x2800  }
0x2ac: {  	[sflag:s10] =	ssyncset.done $0x0  }
0x2ad: {  	[sflag:s10] =	ssyncadd.s32 $0xFFFFD800  }
0x2ae: {  	[tilespmem:s17], [sflag:$0x4] =	stream.indirect.gather [hbm4b:s2+s13], $0x80, s28, s13, $0xb8;
	[tilespmem:$0x1EC00] =	vst v63  }
0x2af: {  	_ =	swait.ge [sflag:s18], $0x2800  }
0x2b0: {  	[sflag:s18] =	ssyncset.done $0x0  }
0x2b1: {  	[sflag:s18] =	ssyncadd.s32 $0xFFFFD800  }
0x2b2: {  	[spmem:s3] =	stream.indirect.scatter.add.f32 [tilespmem:s14], [sflag:$0x5], $0x80, s29, s13, $0xb8;
	[tilespmem:$0x1EC00] =	vst v63  }
0x2b3: {  	_ =	swait.ge [sflag:s10], $0x2800  }
0x2b4: {  	[sflag:s10] =	ssyncset.done $0x0  }
0x2b5: {  	[sflag:s10] =	ssyncadd.s32 $0xFFFFD800  }
0x2b6: {  	[tilespmem:s14], [sflag:$0x1] =	stream.indirect.gather [hbm4b:s2+s13], $0x80, s30, s13, $0xb8;
	[tilespmem:$0x1EC00] =	vst v63  }
0x2b7: {  	_ =	swait.ge [sflag:s19], $0x2800  }
0x2b8: {  	[sflag:s19] =	ssyncset.done $0x0  }
0x2b9: {  	[sflag:s19] =	ssyncadd.s32 $0xFFFFD800  }
0x2ba: {  	[spmem:s3] =	stream.indirect.scatter.add.f32 [tilespmem:s15], [sflag:$0x5], $0x80, s31, s13, $0xb8;
	[tilespmem:$0x1EC00] =	vst v63  }
0x2bb: {  	_ =	swait.ge [sflag:s10], $0x2800  }
0x2bc: {  	[sflag:s10] =	ssyncset.done $0x0  }
0x2bd: {  	[sflag:s10] =	ssyncadd.s32 $0xFFFFD800  }
0x2be: {  	_ =	swait.ge [sflag:s20], $0x2800  }
0x2bf: {  	[sflag:s20] =	ssyncset.done $0x0  }
0x2c0: {  	[sflag:s20] =	ssyncadd.s32 $0xFFFFD800  }
0x2c1: {  	[spmem:s3] =	stream.indirect.scatter.add.f32 [tilespmem:s16], [sflag:$0x5], $0x80, s1, s13, $0xb8;
	[tilespmem:$0x1EC00] =	vst v63  }
0x2c2: {  	_ =	swait.ge [sflag:s10], $0x2800  }
0x2c3: {  	[sflag:s10] =	ssyncset.done $0x0  }
0x2c4: {  	[sflag:s10] =	ssyncadd.s32 $0xFFFFD800  }
0x2c5: {  	_ =	swait.ge [sflag:s21], $0x2800  }
0x2c6: {  	[sflag:s21] =	ssyncset.done $0x0  }
0x2c7: {  	[sflag:s21] =	ssyncadd.s32 $0xFFFFD800  }
0x2c8: {  	[spmem:s3] =	stream.indirect.scatter.add.f32 [tilespmem:s17], [sflag:$0x5], $0x80, s0, s13, $0xb8;
	[tilespmem:$0x1EC00] =	vst v63  }
0x2c9: {  	_ =	swait.ge [sflag:s10], $0x2800  }
0x2ca: {  	[sflag:s10] =	ssyncset.done $0x0  }
0x2cb: {  	[sflag:s10] =	ssyncadd.s32 $0xFFFFD800  }
0x2cc: {  	_ =	swait.ge [sflag:s18], $0x2800  }
0x2cd: {  	[sflag:s18] =	ssyncset.done $0x0  }
0x2ce: {  	[sflag:s18] =	ssyncadd.s32 $0xFFFFD800  }
0x2cf: {  	[spmem:s3] =	stream.indirect.scatter.add.f32 [tilespmem:s14], [sflag:$0x5], $0x80, s5, s13, $0xb8;
	[tilespmem:$0x1EC00] =	vst v63  }
0x2d0: {  	_ =	swait.ge [sflag:s10], $0x2800  }
0x2d1: {  	[sflag:s10] =	ssyncset.done $0x0  }
0x2d2: {  	[sflag:s10] =	ssyncadd.s32 $0xFFFFD800  }
0x2d3: {  	[bflag:$0x0] =	sbarrier.arrive $0xFFFF  }
0x2d4: {  	s8 =	sld [smem:$0x7FC]  }
0x2d5: {  	s9 =	sld [smem:$0x7F1]  }
0x2d6: {  	s7 =	sld [smem:$0x7FD];
	_ =	sdelay $0x2  }
0x2d7: {  	[hbm:s9], [sflag:s8] =	dma.local [spmem:s7], $0x2780  }
0x2d8: {  	_ =	swait.ge [sflag:s10], $0x2780  }
0x2d9: {  	s6 =	sld [smem:$0x7EE];
	_ =	sdelay $0x2  }
0x2da: {  	s9 =	sadd.s32 $0x1, s6;
	s6 =	sld [smem:$0x7F0];
	_ =	sdelay $0x2  }
0x2db: {  	p0 =	sne.s32 s9, s6  }
.Ltmp1:
0x2dc: {  	_ = 	snop;
	(pc) =	sbr.rel @p0 .LBB2_1-.Ltmp1, $3  }
0x2dd: {  	_ =	sdelay $0x1  }
0x2de: {  	[sflag:s10] =	ssyncset.done $0x0  }
0x2df: {  	[sflag:s10] =	ssyncadd.s32 $0xFFFFD880  }
0x2e0: {  	_ =	sfence.sel $0x180000  }
0x2e1: {  	[bflag:$0x0] =	sbarrier.arrive $0xFFFF  }
0x2e2: {  	_ =	strace $0x9000004A  }
0x2e3: {  	s0 =	stileid.u32;
	[bflag:$0x2] =	sbarrier.arrive $0xFFFF  }
0x2e4: {  	p0 =	sne.s32 s0, $0x0;
	s0 =	rddreg [dreg:$0x3]  }
0x2e5: {  	s0 =	sadd.s32 @!p0 $0x100000, s0  }
0x2e6: {  	[sflag:s0] =	ssyncadd.tile.s32 @!p0 $0x1;
	_ =	shalt  }
.Lfunc_end2:
_tile_overlayer_lowered:
.L_overlay_start_2:
0x2e7: {  	(tag) =	ssettag $0x2  }
0x2e8: {  	s0 =	rddreg [dreg:$0x0];
	s2 =	stileid.u32  }
0x2e9: {  	s1 =	rddreg [dreg:$0x1];
	p0 =	sne.s32 s2, $0x0  }
0x2ea: {  	s3 =	rddreg [dreg:$0x2];
	[bflag:$0x3] =	sbarrier.arrive $0xFFFF;
	s2 =	simm.s32 @!p0 $0x1C05  }
0x2eb: {  	[timem:s3], [sflag:s2] =	dma.local @!p0 [hbm:s0], s1  }
0x2ec: {  	s0 =	simm.s32 @!p0 $0x5  }
0x2ed: {  	_ =	swait.ge @!p0 [sflag:s0], s1  }
0x2ee: {  	s1 =	ssub.s32 @!p0 $0x0, s1;
	[sflag:s0] =	ssyncset.done @!p0 $0x0  }
0x2ef: {  	[sflag:s0] =	ssyncadd.s32 @!p0 s1  }
0x2f0: {  	[bflag:$0x3] =	sbarrier.arrive $0xFFFF  }
0x2f1: {  	_ =	shalt  }

// kernel: _run.14.cloned.1.call-start
scs
__scs_entry_jumppad:
0x0: {  	(pc) =	sbr.rel $0x88, $3  }
0x1: {  	(tag) =	ssettag $0x0;
	lr =	simm.s32 $0x1  }
0x2: {  	[smem:$0x3F96] =	sst lr;
	_ =	strace $0xD0000000  }
0x3: {  	_ = 	snop  }
0x4: {  	_ = 	snop  }
0x5: {  	_ = 	snop  }
0x6: {  	_ = 	snop  }
0x7: {  	_ = 	snop  }
__scs_overlays_trampoline_lowered:
0x8: {  	[smem:$0x3FA5] =	sst s0  }
0x9: {  	[smem:$0x3FA6] =	sst s1  }
0xa: {  	[smem:$0x3FA7] =	sst s2  }
0xb: {  	[smem:$0x3FA8] =	sst s3  }
0xc: {  	[smem:$0x3FA9] =	sst s4  }
0xd: {  	[smem:$0x3FAA] =	sst s5  }
0xe: {  	[smem:$0x3FAB] =	sst s6  }
0xf: {  	[smem:$0x3FAC] =	sst s7  }
0x10: {  	[smem:$0x3FAD] =	sst s8  }
0x11: {  	[smem:$0x3FAE] =	sst s9;
	s0 =	simm.s32 @!p0 $0x0  }
0x12: {  	s1 =	sld [smem:$0x3F94];
	s0 =	simm.s32 @p0 $0x1  }
0x13: {  	[smem:$0x3FAF] =	sst s0;
	s0 =	simm.s32 @!p1 $0x0  }
0x14: {  	s2 =	sld [smem:$0x3F93];
	s0 =	simm.s32 @p1 $0x1  }
0x15: {  	[smem:$0x3FB0] =	sst s0;
	s0 =	simm.s32 @!p2 $0x0  }
0x16: {  	s3 =	sld [smem:$0x3FDB];
	s0 =	simm.s32 @p2 $0x1  }
0x17: {  	s4 =	simm.s32 $0x1BF5;
	[smem:$0x3FB2] =	sst s0  }
0x18: {  	s0 =	sld [smem:$0x3F95];
	_ =	swait.ge [sflag:s4], $0x0  }
0x19: {  	s7 =	sld [smem:$0x3F96]  }
0x1a: {  	s8 =	sadd.s32 $0xFFFFE003, lr  }
0x1b: {  	s9 =	sadd.s32 $0xFFFFFEF7, lr;
	s5 =	simm.s32 $0xFFFFFFFF;
	p2 =	slt.u32 s8, $0xFFFFF086  }
0x1c: {  	p1 =	slt.u32 s9, $0xF7A;
	s5 =	simm.s32 @!p2 $0x0  }
0x1d: {  	s5 =	simm.s32 @p1 $0x1;
	p0 =	seq.s32 s7, s2  }
0x1e: {  	s7 =	smul.u32 @!p0 $0xF7A, s2;
	p2 =	seq.s32 @!p0 s5, $0x0  }
0x1f: {  	s9 =	smul.u32 $0xF7A, s1;
	s8 =	simm.s32 @!p0 $0x1BF5;
	p2 =	por !p2, p0  }
0x20: {  	[sflag:s8] =	ssyncset.s32 @!p0 $0xFFFFF086;
	s6 =	sadd.s32 @!p0 s3, s7;
	s7 =	simm.s32 @!p0 $0x108  }
0x21: {  	s3 =	sadd.s32 s3, s9;
	s6 =	sadd.s32 @!p0 $0x88, s6;
	s7 =	simm.s32 @p2 $0x1082  }
0x22: {  	[simem:s7], [sflag:s8] =	dma.local @!p0 [hbm:s6], $0xF7A  }
0x23: {  	s9 =	sor.u32 $0xD0000000, s2;
	s6 =	simm.s32 $0x108;
	_ =	swait.ge @!p0 [sflag:s8], $0x0  }
0x24: {  	s3 =	sadd.s32 $0x88, s3;
	s6 =	simm.s32 @!p1 $0x1082;
	[sflag:s4] =	ssyncset.s32 $0xFFFFF086  }
0x25: {  	[simem:s6], [sflag:s4] =	dma.local [hbm:s3], $0xF7A  }
0x26: {  	[smem:$0x3F96] =	sst s1;
	(tag) =	ssettag s2;
	_ =	strace s9  }
0x27: {  	s1 =	sld [smem:$0x3FA6]  }
0x28: {  	s2 =	sld [smem:$0x3FA7]  }
0x29: {  	s4 =	sld [smem:$0x3FA9]  }
0x2a: {  	p0 =	seq.s32 s5, $0x0;
	s5 =	sld [smem:$0x3FAA]  }
0x2b: {  	s6 =	sld [smem:$0x3FAB]  }
0x2c: {  	s7 =	sld [smem:$0x3FAC]  }
0x2d: {  	s3 =	simm.s32 $0x108;
	s8 =	sld [smem:$0x3FAD]  }
0x2e: {  	s3 =	simm.s32 @!p0 $0x1082;
	s9 =	sld [smem:$0x3FAE]  }
0x2f: {  	lr =	sadd.s32 s0, s3;
	s0 =	sld [smem:$0x3FA5]  }
0x30: {  	s3 =	sld [smem:$0x3FA8]  }
0x31: {  	[smem:$0x3FB1] =	sst s10  }
0x32: {  	s10 =	sld [smem:$0x3FAF];
	_ =	sdelay $0x3  }
0x33: {  	p0 =	seq.s32 s10, $0x1;
	s10 =	sld [smem:$0x3FB1];
	_ =	sdelay $0x3  }
0x34: {  	[smem:$0x3FB1] =	sst s10  }
0x35: {  	s10 =	sld [smem:$0x3FB0];
	_ =	sdelay $0x3  }
0x36: {  	p1 =	seq.s32 s10, $0x1;
	s10 =	sld [smem:$0x3FB1];
	_ =	sdelay $0x3  }
0x37: {  	[smem:$0x3FB1] =	sst s10  }
0x38: {  	s10 =	sld [smem:$0x3FB2]  }
0x39: {  	_ = 	snop;
	(pc) =	sbr.ind lr, $3  }
0x3a: {  	_ = 	snop  }
0x3b: {  	_ = 	snop  }
0x3c: {  	p2 =	seq.s32 s10, $0x1;
	s10 =	sld [smem:$0x3FB1]  }
0x3d: {  	_ =	shalt  }
0x3e: {  	_ =	shalt  }
0x3f: {  	_ =	shalt  }
0x40: {  	_ =	shalt  }
0x41: {  	_ =	shalt  }
0x42: {  	_ =	shalt  }
0x43: {  	_ =	shalt  }
0x44: {  	_ =	shalt  }
0x45: {  	_ =	shalt  }
0x46: {  	_ =	shalt  }
0x47: {  	_ =	shalt  }
0x48: {  	_ =	shalt  }
0x49: {  	_ =	shalt  }
0x4a: {  	_ =	shalt  }
0x4b: {  	_ =	shalt  }
0x4c: {  	_ =	shalt  }
0x4d: {  	_ =	shalt  }
0x4e: {  	_ =	shalt  }
0x4f: {  	_ =	shalt  }
0x50: {  	_ =	shalt  }
0x51: {  	_ =	shalt  }
0x52: {  	_ =	shalt  }
0x53: {  	_ =	shalt  }
0x54: {  	_ =	shalt  }
0x55: {  	_ =	shalt  }
0x56: {  	_ =	shalt  }
0x57: {  	_ =	shalt  }
0x58: {  	_ =	shalt  }
0x59: {  	_ =	shalt  }
0x5a: {  	_ =	shalt  }
0x5b: {  	_ =	shalt  }
0x5c: {  	_ =	shalt  }
0x5d: {  	_ =	shalt  }
0x5e: {  	_ =	shalt  }
0x5f: {  	_ =	shalt  }
0x60: {  	_ =	shalt  }
0x61: {  	_ =	shalt  }
0x62: {  	_ =	shalt  }
0x63: {  	_ =	shalt  }
0x64: {  	_ =	shalt  }
0x65: {  	_ =	shalt  }
0x66: {  	_ =	shalt  }
0x67: {  	_ =	shalt  }
0x68: {  	_ =	shalt  }
0x69: {  	_ =	shalt  }
0x6a: {  	_ =	shalt  }
0x6b: {  	_ =	shalt  }
0x6c: {  	_ =	shalt  }
0x6d: {  	_ =	shalt  }
0x6e: {  	_ =	shalt  }
0x6f: {  	_ =	shalt  }
0x70: {  	_ =	shalt  }
0x71: {  	_ =	shalt  }
0x72: {  	_ =	shalt  }
0x73: {  	_ =	shalt  }
0x74: {  	_ =	shalt  }
0x75: {  	_ =	shalt  }
0x76: {  	_ =	shalt  }
0x77: {  	_ =	shalt  }
0x78: {  	_ =	shalt  }
0x79: {  	_ =	shalt  }
0x7a: {  	_ =	shalt  }
0x7b: {  	_ =	shalt  }
0x7c: {  	_ =	shalt  }
0x7d: {  	_ =	shalt  }
0x7e: {  	_ =	shalt  }
0x7f: {  	_ =	shalt  }
0x80: {  	_ =	shalt  }
0x81: {  	_ =	shalt  }
0x82: {  	_ =	shalt  }
0x83: {  	_ =	shalt  }
0x84: {  	_ =	shalt  }
0x85: {  	_ =	shalt  }
0x86: {  	_ =	shalt  }
0x87: {  	_ =	shalt  }
.Lfunc_end0:
.L_simem_size_0:
called_computation.2_lowered:
.L_overlay_start_0:
0x88: {  	s2 =	sld [smem:$0x3FD9]  }
0x89: {  	s3 =	sld [smem:$0x3FFE];
	_ =	sdelay $0x1  }
0x8a: {  	s1 =	srdreg.scid  }
0x8b: {  	s0 =	sand.u32 $0x1, s1  }
0x8c: {  	s17 =	sshll.u32 s0, $0xA;
	s2 =	sadd.s32 s3, s2  }
0x8d: {  	s2 =	sadd.s32 s2, s17  }
0x8e: {  	[smem:$0x3FBD] =	sst s2  }
0x8f: {  	_ = 	snop  }
0x90: {  	s2 =	sld [smem:$0x3FD0];
	(tm) =	ssettm $0x1  }
0x91: {  	s18 =	sld [smem:$0x3FFB];
	_ =	sdelay $0x3  }
0x92: {  	_ =	strace s18  }
0x93: {  	s3 =	sld [smem:$0x3FFC];
	_ =	sdelay $0x3  }
0x94: {  	_ =	strace s3  }
0x95: {  	s3 =	sld [smem:$0x3FFD];
	_ =	sdelay $0x3  }
0x96: {  	_ =	strace s3  }
0x97: {  	_ =	strace $0x8FFFFFFF  }
0x98: {  	s19 =	sld [smem:$0x3FDB];
	_ =	sdelay $0x1  }
0x99: {  	s4 =	simm.s32 $_scs_section_size  }
0x9a: {  	s5 =	simm.s32 $_size__tile_overlayer_lowered;
	s6 =	simm.s32 $_tile_overlayer_lowered  }
0x9b: {  	s22 =	simm.s32 $0x1BFF;
	s21 =	sshll.u32 s6, $0x1;
	s3 =	sadd.s32 s4, s19  }
0x9c: {  	s7 =	simm.s32 $0x0;
	s20 =	sshll.u32 s5, $0x1;
	s5 =	sadd.s32 s21, s3  }
0x9d: {  	[timem:s7], [sflag:s22] =	dma.local [hbm:s5], s20  }
0x9e: {  	_ =	swait.ge [sflag:s22], s20  }
0x9f: {  	s4 =	ssub.s32 $0x0, s20;
	[sflag:s22] =	ssyncset.done $0x0  }
0xa0: {  	[sflag:s22] =	ssyncadd.s32 s4;
	_ =	sdelay $0x1  }
0xa1: {  	s23 =	simm.s32 $0x1B8B  }
0xa2: {  	_ =	swait.ge [sflag:s23], $0x1  }
0xa3: {  	[sflag:s23] =	ssyncset.done $0x0  }
0xa4: {  	s25 =	simm.s32 $0x1B8E;
	s24 =	sld [smem:$0x3FFE];
	[sflag:s23] =	ssyncadd.s32 $0xFFFFFFFF  }
0xa5: {  	s26 =	simm.s32 $execute0_lowered;
	[smem:$0x3FD2] =	sst s25  }
0xa6: {  	s5 =	sshll.u32 s26, $0x1;
	_ =	strace $0x8000004C;
	[dreg:$0x1] =	wrdreg $0xFFFFFFFF  }
0xa7: {  	s28 =	simm.s32 $_size_execute0_lowered;
	s3 =	sadd.s32 s3, s5;
	[dreg:$0x0] =	wrdreg $0x0  }
0xa8: {  	s5 =	sshll.u32 s28, $0x1;
	[dreg:$0x2] =	wrdreg s3  }
0xa9: {  	[dreg:$0x3] =	wrdreg s5  }
0xaa: {  	[dreg:$0x4] =	wrdreg $0xC0  }
0xab: {  	_ =	task [dreg:s7], $0x5FFFF  }
0xac: {  	[dreg:$0x1] =	wrdreg $0xFFFFFFFF  }
0xad: {  	[dreg:$0x0] =	wrdreg $0x60  }
0xae: {  	[dreg:$0x2] =	wrdreg s2  }
0xaf: {  	[dreg:$0x3] =	wrdreg s24  }
0xb0: {  	[dreg:$0x4] =	wrdreg $0x0  }
0xb1: {  	[dreg:$0x5] =	wrdreg $0x9  }
0xb2: {  	_ =	task.clear_ibuf [dreg:s7], $0x6FFFF;
	_ =	strace $0x9000004C  }
0xb3: {  	s29 =	simm.s32 $0x9;
	_ =	strace $0x8000004E  }
0xb4: {  	_ =	swait.ge [sflag:s29], $0x1  }
0xb5: {  	[sflag:s29] =	ssyncadd.s32 $0xFFFFFFFF  }
0xb6: {  	_ =	strace $0x9000004E  }
0xb7: {  	_ =	sfence  }
0xb8: {  	s30 =	sld [smem:$0x0];
	_ =	sdelay $0x2  }
0xb9: {  	s31 =	sshll.u32 s1, $0xD;
	s1 =	sshrl.u32 s1, $0x2  }
0xba: {  	s3 =	sand.u32 $0x4000, s31;
	s1 =	sadd.s32 s1, s30  }
0xbb: {  	s0 =	sor.u32 s3, s0;
	s1 =	sshll.u32 s1, $0x11  }
0xbc: {  	s0 =	sor.u32 s1, s0  }
0xbd: {  	s0 =	sadd.s32 $0x8F2B, s0  }
0xbe: {  	[sflag:s0] =	ssyncadd.remote.s32 $0x1  }
0xbf: {  	_ =	sfence.sel $0xFFFF  }
0xc0: {  	[dreg:$0x0] =	wrdreg $0xFFFFFFFF;
	(pc) =	sbr.abs _section_cstart, $3  }
0xc1: {  	[dreg:$0x1] =	wrdreg $0xFFFFFFFF  }
0xc2: {  	_ =	task.clear_ibuf [dreg:s7], $0x2FFFF;
	_ =	strace $0x9FFFFFFF  }
0xc3: {  	(tm) =	ssettm $0x7FFFFFFF  }
tec
execute0_lowered:
.L_overlay_start_1:
0x0: {  	(tag) =	ssettag $0x1  }
0x1: {  	s0 =	srdreg.scid;
	s9 =	stileid.u32  }
0x2: {  	s1 =	sand.u32 $0x1, s0;
	s5 =	smul.u32 $0x2710, s9  }
0x3: {  	s2 =	rddreg [dreg:$0x0];
	s4 =	smul.u32 $0x27100, s1  }
0x4: {  	s3 =	rddreg [dreg:$0x2]  }
0x5: {  	s0 =	rddreg [dreg:$0x1];
	s5 =	sadd.s32 s5, s4;
	s4 =	simm.s32 $0x0  }
0x6: {  	s24 =	simm.s32 $0x13C50;
	[smem:$0x7FF] =	sst s4  }
0x7: {  	s25 =	simm.s32 $0x13CA0;
	_ =	strace $0x8000004D;
	[dreg:$0x6] =	wrdreg s24  }
0x8: {  	s26 =	simm.s32 $0x13CF0;
	[dreg:$0x7] =	wrdreg s25  }
0x9: {  	s7 =	simm.s32 $0x14450;
	[dreg:$0x8] =	wrdreg s26  }
0xa: {  	s8 =	simm.s32 $0x13D90;
	[dreg:$0xa] =	wrdreg s7  }
0xb: {  	s10 =	simm.s32 $0x144A0;
	[dreg:$0xb] =	wrdreg s8  }
0xc: {  	s12 =	sadd.s32 $0x16C00, s0;
	[dreg:$0xc] =	wrdreg s10  }
0xd: {  	s11 =	simm.s32 $0x13DE0;
	[smem:$0x7EF] =	sst s12  }
0xe: {  	s13 =	simm.s32 $0x144F0;
	[dreg:$0xd] =	wrdreg s11  }
0xf: {  	s15 =	simm.s32 $0x13E30;
	s16 =	simm.s32 $0x14540;
	[dreg:$0xe] =	wrdreg s13  }
0x10: {  	s17 =	simm.s32 $0x13E80;
	s18 =	simm.s32 $0x14590;
	[dreg:$0xf] =	wrdreg s15  }
0x11: {  	s20 =	simm.s32 $0x13ED0;
	s21 =	simm.s32 $0x145E0;
	[dreg:$0x10] =	wrdreg s16  }
0x12: {  	s23 =	simm.s32 $0x13F20;
	s28 =	simm.s32 $0x14330;
	[dreg:$0x11] =	wrdreg s17  }
0x13: {  	s29 =	simm.s32 $0x14A40;
	s30 =	simm.s32 $0x14380;
	[dreg:$0x12] =	wrdreg s18  }
0x14: {  	s31 =	simm.s32 $0x14A90;
	s22 =	sshll.u32 s9, $0x6;
	[dreg:$0x13] =	wrdreg s20  }
0x15: {  	s14 =	ssub.s32 $0x2, s1;
	p0 =	seq.s32 s1, $0x1;
	[dreg:$0x14] =	wrdreg s21  }
0x16: {  	s1 =	simm.s32 $0x14AE0;
	[dreg:$0x15] =	wrdreg s23;
	s24 =	simm.s32 $0x14630  }
0x17: {  	s8 =	smul.u32 $0x4F000, s9;
	s25 =	simm.s32 $0x13F70;
	[dreg:$0x16] =	wrdreg s24  }
0x18: {  	s26 =	smul.u32 $0x2780, s9;
	s9 =	simm.s32 $0x14680;
	[dreg:$0x17] =	wrdreg s25  }
0x19: {  	s5 =	sshrl.u32 s5, $0x3;
	s10 =	simm.s32 $0x13FC0;
	[dreg:$0x18] =	wrdreg s9  }
0x1a: {  	s5 =	sadd.s32 s5, s0;
	s11 =	simm.s32 $0x146D0;
	[dreg:$0x19] =	wrdreg s10  }
0x1b: {  	s7 =	sshrl.u32 s14, $0x1;
	s12 =	simm.s32 $0x14010;
	[dreg:$0x1a] =	wrdreg s11  }
0x1c: {  	s13 =	simm.s32 $0x14720;
	s15 =	simm.s32 $0x14770;
	[dreg:$0x1b] =	wrdreg s12  }
0x1d: {  	s16 =	simm.s32 $0x140B0;
	s17 =	simm.s32 $0x147C0;
	[dreg:$0x1c] =	wrdreg s13  }
0x1e: {  	s18 =	simm.s32 $0x14100;
	s20 =	simm.s32 $0x14150;
	[dreg:$0x1e] =	wrdreg s15  }
0x1f: {  	s21 =	simm.s32 $0x14860;
	s23 =	simm.s32 $0x148B0;
	[dreg:$0x1f] =	wrdreg s16  }
0x20: {  	s6 =	sadd.s32 $0xCE00, s5;
	s5 =	sadd.s32 $0x3000, s5;
	[smem:$0x7F2] =	sst s17  }
0x21: {  	s10 =	simm.s32 $0x5;
	s11 =	simm.s32 $0x13C00;
	[smem:$0x7F3] =	sst s18  }
0x22: {  	s12 =	simm.s32 $0x14400;
	s13 =	simm.s32 $0x50;
	[smem:$0x7F5] =	sst s20  }
0x23: {  	s15 =	simm.s32 $0x17400;
	s16 =	simm.s32 $0x19C00;
	[smem:$0x7F6] =	sst s21  }
0x24: {  	s17 =	simm.s32 $0x1C400;
	s18 =	simm.s32 $0x1;
	[smem:$0x7F8] =	sst s23  }
0x25: {  	s24 =	simm.s32 $0x141F0;
	s25 =	simm.s32 $0x14900;
	s20 =	simm.s32 $0x3  }
0x26: {  	s21 =	simm.s32 $0x4;
	s23 =	simm.s32 $0x14290;
	[dreg:$0x4] =	wrdreg s6  }
0x27: {  	s9 =	simm.s32 $0x0;
	[dreg:$0x5] =	wrdreg s5;
	s6 =	simm.s32 $0x13D40  }
0x28: {  	s19 =	sshrl.u32 s8, $0x2;
	s8 =	sor.u32 $0x1C05, s22;
	[smem:$0x7F9] =	sst s24  }
0x29: {  	s22 =	simm.s32 $0x141A0;
	[smem:$0x7FA] =	sst s25;
	s24 =	simm.s32 $0x149A0  }
0x2a: {  	s25 =	simm.s32 $0x142E0;
	s5 =	simm.s32 $0x14B80;
	[dreg:$0x9] =	wrdreg s6  }
0x2b: {  	s6 =	ssub.s32 s14, s7;
	s7 =	sadd.s32 s19, s3;
	[smem:$0x7F7] =	sst s22  }
0x2c: {  	s14 =	simm.s32 $0x14060;
	[smem:$0x7FC] =	sst s8;
	s6 =	smax.u32 s6, $0x1  }
0x2d: {  	s19 =	simm.s32 $0x14810;
	[smem:$0x7F0] =	sst s6;
	s6 =	simm.s32 $0x40C00  }
0x2e: {  	s22 =	simm.s32 $0x14950;
	[dreg:$0x1d] =	wrdreg s14;
	s6 =	simm.s32 @!p0 $0x19400  }
0x2f: {  	s7 =	sshrl.u32 s7, $0x3;
	[smem:$0x7F4] =	sst s19;
	s0 =	sadd.s32 s6, s0  }
0x30: {  	s14 =	simm.s32 $0x14C00;
	[smem:$0x7FD] =	sst s7;
	s0 =	sadd.s32 s0, s26  }
0x31: {  	s19 =	simm.s32 $0x2;
	s26 =	simm.s32 $0x14240;
	[smem:$0x7F1] =	sst s0  }
0x32: {  	[smem:$0x7FB] =	sst s26;
	s26 =	simm.s32 $0x149F0;
	s0 =	simm.s32 $0x14B30  }
.LBB2_1:
0x33: {  	s6 =	sld [smem:$0x7EF];
	_ =	sdelay $0x1  }
0x34: {  	[smem:$0x7EE] =	sst s9  }
0x35: {  	[spmem:s7], [sflag:s8] =	dma.local [hbm:s6], $0x2780  }
0x36: {  	_ =	swait.ge [sflag:s10], $0x2780  }
0x37: {  	[sflag:s10] =	ssyncset.done $0x0  }
0x38: {  	[sflag:s10] =	ssyncadd.s32 $0xFFFFD880  }
0x39: {  	[bflag:$0x0] =	sbarrier.arrive $0xFFFF  }
0x3a: {  	s7 =	rddreg [dreg:$0x5]  }
0x3b: {  	s6 =	sadd.s32 $0x0, s7  }
0x3c: {  	[tilespmem:s11], [sflag:$0x5] =	stream.linear.gather [hbm4b:s6+s4], $0x7D0, $0x38;
	[tilespmem:$0x1EC00] =	vst v63  }
0x3d: {  	_ =	swait.ge [sflag:s10], $0x7D0  }
0x3e: {  	s8 =	rddreg [dreg:$0x4];
	[sflag:s10] =	ssyncset.done $0x0  }
0x3f: {  	[sflag:s10] =	ssyncadd.s32 $0xFFFFF830;
	s6 =	sadd.s32 $0x0, s8  }
0x40: {  	[tilespmem:s12], [sflag:$0x5] =	stream.linear.gather [hbm4b:s6+s4], $0x7D0, $0x38;
	[tilespmem:$0x1EC00] =	vst v63  }
0x41: {  	_ =	swait.ge [sflag:s10], $0x7D0  }
0x42: {  	[sflag:s10] =	ssyncset.done $0x0  }
0x43: {  	[sflag:s10] =	ssyncadd.s32 $0xFFFFF830  }
0x44: {  	[tilespmem:s14], [sflag:$0x1] =	stream.indirect.gather [hbm4b:s2+s13], $0x80, s11, s13, $0xb8;
	[tilespmem:$0x1EC00] =	vst v63  }
0x45: {  	s9 =	rddreg [dreg:$0x6]  }
0x46: {  	[tilespmem:s15], [sflag:$0x2] =	stream.indirect.gather [hbm4b:s2+s13], $0x80, s9, s13, $0xb8;
	[tilespmem:$0x1EC00] =	vst v63  }
0x47: {  	s7 =	rddreg [dreg:$0x7]  }
0x48: {  	[tilespmem:s16], [sflag:$0x3] =	stream.indirect.gather [hbm4b:s2+s13], $0x80, s7, s13, $0xb8;
	[tilespmem:$0x1EC00] =	vst v63  }
0x49: {  	s9 =	rddreg [dreg:$0x8]  }
0x4a: {  	[tilespmem:s17], [sflag:$0x4] =	stream.indirect.gather [hbm4b:s2+s13], $0x80, s9, s13, $0xb8;
	[tilespmem:$0x1EC00] =	vst v63  }
0x4b: {  	_ =	swait.ge [sflag:s18], $0x2800  }
0x4c: {  	[sflag:s18] =	ssyncset.done $0x0  }
0x4d: {  	[sflag:s18] =	ssyncadd.s32 $0xFFFFD800  }
0x4e: {  	[spmem:s3] =	stream.indirect.scatter.add.f32 [tilespmem:s14], [sflag:$0x5], $0x80, s12, s13, $0xb8;
	[tilespmem:$0x1EC00] =	vst v63  }
0x4f: {  	_ =	swait.ge [sflag:s10], $0x2800  }
0x50: {  	[sflag:s10] =	ssyncset.done $0x0  }
0x51: {  	s7 =	rddreg [dreg:$0x9];
	[sflag:s10] =	ssyncadd.s32 $0xFFFFD800  }
0x52: {  	[tilespmem:s14], [sflag:$0x1] =	stream.indirect.gather [hbm4b:s2+s13], $0x80, s7, s13, $0xb8;
	[tilespmem:$0x1EC00] =	vst v63  }
0x53: {  	_ =	swait.ge [sflag:s19], $0x2800  }
0x54: {  	[sflag:s19] =	ssyncset.done $0x0  }
0x55: {  	s8 =	rddreg [dreg:$0xa];
	[sflag:s19] =	ssyncadd.s32 $0xFFFFD800  }
0x56: {  	[spmem:s3] =	stream.indirect.scatter.add.f32 [tilespmem:s15], [sflag:$0x5], $0x80, s8, s13, $0xb8;
	[tilespmem:$0x1EC00] =	vst v63  }
0x57: {  	_ =	swait.ge [sflag:s10], $0x2800  }
0x58: {  	[sflag:s10] =	ssyncset.done $0x0  }
0x59: {  	s9 =	rddreg [dreg:$0xb];
	[sflag:s10] =	ssyncadd.s32 $0xFFFFD800  }
0x5a: {  	[tilespmem:s15], [sflag:$0x2] =	stream.indirect.gather [hbm4b:s2+s13], $0x80, s9, s13, $0xb8;
	[tilespmem:$0x1EC00] =	vst v63  }
0x5b: {  	_ =	swait.ge [sflag:s20], $0x2800  }
0x5c: {  	[sflag:s20] =	ssyncset.done $0x0  }
0x5d: {  	s7 =	rddreg [dreg:$0xc];
	[sflag:s20] =	ssyncadd.s32 $0xFFFFD800  }
0x5e: {  	[spmem:s3] =	stream.indirect.scatter.add.f32 [tilespmem:s16], [sflag:$0x5], $0x80, s7, s13, $0xb8;
	[tilespmem:$0x1EC00] =	vst v63  }
0x5f: {  	_ =	swait.ge [sflag:s10], $0x2800  }
0x60: {  	[sflag:s10] =	ssyncset.done $0x0  }
0x61: {  	s8 =	rddreg [dreg:$0xd];
	[sflag:s10] =	ssyncadd.s32 $0xFFFFD800  }
0x62: {  	[tilespmem:s16], [sflag:$0x3] =	stream.indirect.gather [hbm4b:s2+s13], $0x80, s8, s13, $0xb8;
	[tilespmem:$0x1EC00] =	vst v63  }
0x63: {  	_ =	swait.ge [sflag:s21], $0x2800  }
0x64: {  	[sflag:s21] =	ssyncset.done $0x0  }
0x65: {  	s9 =	rddreg [dreg:$0xe];
	[sflag:s21] =	ssyncadd.s32 $0xFFFFD800  }
0x66: {  	[spmem:s3] =	stream.indirect.scatter.add.f32 [tilespmem:s17], [sflag:$0x5], $0x80, s9, s13, $0xb8;
	[tilespmem:$0x1EC00] =	vst v63  }
0x67: {  	_ =	swait.ge [sflag:s10], $0x2800  }
0x68: {  	[sflag:s10] =	ssyncset.done $0x0  }
0x69: {  	s7 =	rddreg [dreg:$0xf];
	[sflag:s10] =	ssyncadd.s32 $0xFFFFD800  }
0x6a: {  	[tilespmem:s17], [sflag:$0x4] =	stream.indirect.gather [hbm4b:s2+s13], $0x80, s7, s13, $0xb8;
	[tilespmem:$0x1EC00] =	vst v63  }
0x6b: {  	_ =	swait.ge [sflag:s18], $0x2800  }
0x6c: {  	[sflag:s18] =	ssyncset.done $0x0  }
0x6d: {  	s8 =	rddreg [dreg:$0x10];
	[sflag:s18] =	ssyncadd.s32 $0xFFFFD800  }
0x6e: {  	[spmem:s3] =	stream.indirect.scatter.add.f32 [tilespmem:s14], [sflag:$0x5], $0x80, s8, s13, $0xb8;
	[tilespmem:$0x1EC00] =	vst v63  }
0x6f: {  	_ =	swait.ge [sflag:s10], $0x2800  }
0x70: {  	[sflag:s10] =	ssyncset.done $0x0  }
0x71: {  	s9 =	rddreg [dreg:$0x11];
	[sflag:s10] =	ssyncadd.s32 $0xFFFFD800  }
0x72: {  	[tilespmem:s14], [sflag:$0x1] =	stream.indirect.gather [hbm4b:s2+s13], $0x80, s9, s13, $0xb8;
	[tilespmem:$0x1EC00] =	vst v63  }
0x73: {  	_ =	swait.ge [sflag:s19], $0x2800  }
0x74: {  	[sflag:s19] =	ssyncset.done $0x0  }
0x75: {  	s7 =	rddreg [dreg:$0x12];
	[sflag:s19] =	ssyncadd.s32 $0xFFFFD800  }
0x76: {  	[spmem:s3] =	stream.indirect.scatter.add.f32 [tilespmem:s15], [sflag:$0x5], $0x80, s7, s13, $0xb8;
	[tilespmem:$0x1EC00] =	vst v63  }
0x77: {  	_ =	swait.ge [sflag:s10], $0x2800  }
0x78: {  	[sflag:s10] =	ssyncset.done $0x0  }
0x79: {  	s8 =	rddreg [dreg:$0x13];
	[sflag:s10] =	ssyncadd.s32 $0xFFFFD800  }
0x7a: {  	[tilespmem:s15], [sflag:$0x2] =	stream.indirect.gather [hbm4b:s2+s13], $0x80, s8, s13, $0xb8;
	[tilespmem:$0x1EC00] =	vst v63  }
0x7b: {  	_ =	swait.ge [sflag:s20], $0x2800  }
0x7c: {  	[sflag:s20] =	ssyncset.done $0x0  }
0x7d: {  	s9 =	rddreg [dreg:$0x14];
	[sflag:s20] =	ssyncadd.s32 $0xFFFFD800  }
0x7e: {  	[spmem:s3] =	stream.indirect.scatter.add.f32 [tilespmem:s16], [sflag:$0x5], $0x80, s9, s13, $0xb8;
	[tilespmem:$0x1EC00] =	vst v63  }
0x7f: {  	_ =	swait.ge [sflag:s10], $0x2800  }
0x80: {  	[sflag:s10] =	ssyncset.done $0x0  }
0x81: {  	s7 =	rddreg [dreg:$0x15];
	[sflag:s10] =	ssyncadd.s32 $0xFFFFD800  }
0x82: {  	[tilespmem:s16], [sflag:$0x3] =	stream.indirect.gather [hbm4b:s2+s13], $0x80, s7, s13, $0xb8;
	[tilespmem:$0x1EC00] =	vst v63  }
0x83: {  	_ =	swait.ge [sflag:s21], $0x2800  }
0x84: {  	[sflag:s21] =	ssyncset.done $0x0  }
0x85: {  	s8 =	rddreg [dreg:$0x16];
	[sflag:s21] =	ssyncadd.s32 $0xFFFFD800  }
0x86: {  	[spmem:s3] =	stream.indirect.scatter.add.f32 [tilespmem:s17], [sflag:$0x5], $0x80, s8, s13, $0xb8;
	[tilespmem:$0x1EC00] =	vst v63  }
0x87: {  	_ =	swait.ge [sflag:s10], $0x2800  }
0x88: {  	[sflag:s10] =	ssyncset.done $0x0  }
0x89: {  	s9 =	rddreg [dreg:$0x17];
	[sflag:s10] =	ssyncadd.s32 $0xFFFFD800  }
0x8a: {  	[tilespmem:s17], [sflag:$0x4] =	stream.indirect.gather [hbm4b:s2+s13], $0x80, s9, s13, $0xb8;
	[tilespmem:$0x1EC00] =	vst v63  }
0x8b: {  	_ =	swait.ge [sflag:s18], $0x2800  }
0x8c: {  	[sflag:s18] =	ssyncset.done $0x0  }
0x8d: {  	s7 =	rddreg [dreg:$0x18];
	[sflag:s18] =	ssyncadd.s32 $0xFFFFD800  }
0x8e: {  	[spmem:s3] =	stream.indirect.scatter.add.f32 [tilespmem:s14], [sflag:$0x5], $0x80, s7, s13, $0xb8;
	[tilespmem:$0x1EC00] =	vst v63  }
0x8f: {  	_ =	swait.ge [sflag:s10], $0x2800  }
0x90: {  	[sflag:s10] =	ssyncset.done $0x0  }
0x91: {  	s8 =	rddreg [dreg:$0x19];
	[sflag:s10] =	ssyncadd.s32 $0xFFFFD800  }
0x92: {  	[tilespmem:s14], [sflag:$0x1] =	stream.indirect.gather [hbm4b:s2+s13], $0x80, s8, s13, $0xb8;
	[tilespmem:$0x1EC00] =	vst v63  }
0x93: {  	_ =	swait.ge [sflag:s19], $0x2800  }
0x94: {  	[sflag:s19] =	ssyncset.done $0x0  }
0x95: {  	s9 =	rddreg [dreg:$0x1a];
	[sflag:s19] =	ssyncadd.s32 $0xFFFFD800  }
0x96: {  	[spmem:s3] =	stream.indirect.scatter.add.f32 [tilespmem:s15], [sflag:$0x5], $0x80, s9, s13, $0xb8;
	[tilespmem:$0x1EC00] =	vst v63  }
0x97: {  	_ =	swait.ge [sflag:s10], $0x2800  }
0x98: {  	[sflag:s10] =	ssyncset.done $0x0  }
0x99: {  	s7 =	rddreg [dreg:$0x1b];
	[sflag:s10] =	ssyncadd.s32 $0xFFFFD800  }
0x9a: {  	[tilespmem:s15], [sflag:$0x2] =	stream.indirect.gather [hbm4b:s2+s13], $0x80, s7, s13, $0xb8;
	[tilespmem:$0x1EC00] =	vst v63  }
0x9b: {  	_ =	swait.ge [sflag:s20], $0x2800  }
0x9c: {  	[sflag:s20] =	ssyncset.done $0x0  }
0x9d: {  	s8 =	rddreg [dreg:$0x1c];
	[sflag:s20] =	ssyncadd.s32 $0xFFFFD800  }
0x9e: {  	[spmem:s3] =	stream.indirect.scatter.add.f32 [tilespmem:s16], [sflag:$0x5], $0x80, s8, s13, $0xb8;
	[tilespmem:$0x1EC00] =	vst v63  }
0x9f: {  	_ =	swait.ge [sflag:s10], $0x2800  }
0xa0: {  	[sflag:s10] =	ssyncset.done $0x0  }
0xa1: {  	s9 =	rddreg [dreg:$0x1d];
	[sflag:s10] =	ssyncadd.s32 $0xFFFFD800  }
0xa2: {  	[tilespmem:s16], [sflag:$0x3] =	stream.indirect.gather [hbm4b:s2+s13], $0x80, s9, s13, $0xb8;
	[tilespmem:$0x1EC00] =	vst v63  }
0xa3: {  	_ =	swait.ge [sflag:s21], $0x2800  }
0xa4: {  	[sflag:s21] =	ssyncset.done $0x0  }
0xa5: {  	s7 =	rddreg [dreg:$0x1e];
	[sflag:s21] =	ssyncadd.s32 $0xFFFFD800  }
0xa6: {  	[spmem:s3] =	stream.indirect.scatter.add.f32 [tilespmem:s17], [sflag:$0x5], $0x80, s7, s13, $0xb8;
	[tilespmem:$0x1EC00] =	vst v63  }
0xa7: {  	_ =	swait.ge [sflag:s10], $0x2800  }
0xa8: {  	[sflag:s10] =	ssyncset.done $0x0  }
0xa9: {  	s8 =	rddreg [dreg:$0x1f];
	[sflag:s10] =	ssyncadd.s32 $0xFFFFD800  }
0xaa: {  	[tilespmem:s17], [sflag:$0x4] =	stream.indirect.gather [hbm4b:s2+s13], $0x80, s8, s13, $0xb8;
	[tilespmem:$0x1EC00] =	vst v63  }
0xab: {  	_ =	swait.ge [sflag:s18], $0x2800  }
0xac: {  	s9 =	sld [smem:$0x7F2]  }
0xad: {  	[sflag:s18] =	ssyncset.done $0x0  }
0xae: {  	[sflag:s18] =	ssyncadd.s32 $0xFFFFD800  }
0xaf: {  	[spmem:s3] =	stream.indirect.scatter.add.f32 [tilespmem:s14], [sflag:$0x5], $0x80, s9, s13, $0xb8;
	[tilespmem:$0x1EC00] =	vst v63  }
0xb0: {  	_ =	swait.ge [sflag:s10], $0x2800  }
0xb1: {  	s7 =	sld [smem:$0x7F3]  }
0xb2: {  	[sflag:s10] =	ssyncset.done $0x0  }
0xb3: {  	[sflag:s10] =	ssyncadd.s32 $0xFFFFD800  }
0xb4: {  	[tilespmem:s14], [sflag:$0x1] =	stream.indirect.gather [hbm4b:s2+s13], $0x80, s7, s13, $0xb8;
	[tilespmem:$0x1EC00] =	vst v63  }
0xb5: {  	_ =	swait.ge [sflag:s19], $0x2800  }
0xb6: {  	s8 =	sld [smem:$0x7F4]  }
0xb7: {  	[sflag:s19] =	ssyncset.done $0x0  }
0xb8: {  	[sflag:s19] =	ssyncadd.s32 $0xFFFFD800  }
0xb9: {  	[spmem:s3] =	stream.indirect.scatter.add.f32 [tilespmem:s15], [sflag:$0x5], $0x80, s8, s13, $0xb8;
	[tilespmem:$0x1EC00] =	vst v63  }
0xba: {  	_ =	swait.ge [sflag:s10], $0x2800  }
0xbb: {  	s9 =	sld [smem:$0x7F5]  }
0xbc: {  	[sflag:s10] =	ssyncset.done $0x0  }
0xbd: {  	[sflag:s10] =	ssyncadd.s32 $0xFFFFD800  }
0xbe: {  	[tilespmem:s15], [sflag:$0x2] =	stream.indirect.gather [hbm4b:s2+s13], $0x80, s9, s13, $0xb8;
	[tilespmem:$0x1EC00] =	vst v63  }
0xbf: {  	_ =	swait.ge [sflag:s20], $0x2800  }
0xc0: {  	s7 =	sld [smem:$0x7F6]  }
0xc1: {  	[sflag:s20] =	ssyncset.done $0x0  }
0xc2: {  	[sflag:s20] =	ssyncadd.s32 $0xFFFFD800  }
0xc3: {  	[spmem:s3] =	stream.indirect.scatter.add.f32 [tilespmem:s16], [sflag:$0x5], $0x80, s7, s13, $0xb8;
	[tilespmem:$0x1EC00] =	vst v63  }
0xc4: {  	_ =	swait.ge [sflag:s10], $0x2800  }
0xc5: {  	s8 =	sld [smem:$0x7F7]  }
0xc6: {  	[sflag:s10] =	ssyncset.done $0x0  }
0xc7: {  	[sflag:s10] =	ssyncadd.s32 $0xFFFFD800  }
0xc8: {  	[tilespmem:s16], [sflag:$0x3] =	stream.indirect.gather [hbm4b:s2+s13], $0x80, s8, s13, $0xb8;
	[tilespmem:$0x1EC00] =	vst v63  }
0xc9: {  	_ =	swait.ge [sflag:s21], $0x2800  }
0xca: {  	s9 =	sld [smem:$0x7F8]  }
0xcb: {  	[sflag:s21] =	ssyncset.done $0x0  }
0xcc: {  	[sflag:s21] =	ssyncadd.s32 $0xFFFFD800  }
0xcd: {  	[spmem:s3] =	stream.indirect.scatter.add.f32 [tilespmem:s17], [sflag:$0x5], $0x80, s9, s13, $0xb8;
	[tilespmem:$0x1EC00] =	vst v63  }
0xce: {  	_ =	swait.ge [sflag:s10], $0x2800  }
0xcf: {  	s7 =	sld [smem:$0x7F9]  }
0xd0: {  	[sflag:s10] =	ssyncset.done $0x0  }
0xd1: {  	[sflag:s10] =	ssyncadd.s32 $0xFFFFD800  }
0xd2: {  	[tilespmem:s17], [sflag:$0x4] =	stream.indirect.gather [hbm4b:s2+s13], $0x80, s7, s13, $0xb8;
	[tilespmem:$0x1EC00] =	vst v63  }
0xd3: {  	_ =	swait.ge [sflag:s18], $0x2800  }
0xd4: {  	s8 =	sld [smem:$0x7FA]  }
0xd5: {  	[sflag:s18] =	ssyncset.done $0x0  }
0xd6: {  	[sflag:s18] =	ssyncadd.s32 $0xFFFFD800  }
0xd7: {  	[spmem:s3] =	stream.indirect.scatter.add.f32 [tilespmem:s14], [sflag:$0x5], $0x80, s8, s13, $0xb8;
	[tilespmem:$0x1EC00] =	vst v63  }
0xd8: {  	_ =	swait.ge [sflag:s10], $0x2800  }
0xd9: {  	s9 =	sld [smem:$0x7FB]  }
0xda: {  	[sflag:s10] =	ssyncset.done $0x0  }
0xdb: {  	[sflag:s10] =	ssyncadd.s32 $0xFFFFD800  }
0xdc: {  	[tilespmem:s14], [sflag:$0x1] =	stream.indirect.gather [hbm4b:s2+s13], $0x80, s9, s13, $0xb8;
	[tilespmem:$0x1EC00] =	vst v63  }
0xdd: {  	_ =	swait.ge [sflag:s19], $0x2800  }
0xde: {  	[sflag:s19] =	ssyncset.done $0x0  }
0xdf: {  	[sflag:s19] =	ssyncadd.s32 $0xFFFFD800  }
0xe0: {  	[spmem:s3] =	stream.indirect.scatter.add.f32 [tilespmem:s15], [sflag:$0x5], $0x80, s22, s13, $0xb8;
	[tilespmem:$0x1EC00] =	vst v63  }
0xe1: {  	_ =	swait.ge [sflag:s10], $0x2800  }
0xe2: {  	[sflag:s10] =	ssyncset.done $0x0  }
0xe3: {  	[sflag:s10] =	ssyncadd.s32 $0xFFFFD800  }
0xe4: {  	[tilespmem:s15], [sflag:$0x2] =	stream.indirect.gather [hbm4b:s2+s13], $0x80, s23, s13, $0xb8;
	[tilespmem:$0x1EC00] =	vst v63  }
0xe5: {  	_ =	swait.ge [sflag:s20], $0x2800  }
0xe6: {  	[sflag:s20] =	ssyncset.done $0x0  }
0xe7: {  	[sflag:s20] =	ssyncadd.s32 $0xFFFFD800  }
0xe8: {  	[spmem:s3] =	stream.indirect.scatter.add.f32 [tilespmem:s16], [sflag:$0x5], $0x80, s24, s13, $0xb8;
	[tilespmem:$0x1EC00] =	vst v63  }
0xe9: {  	_ =	swait.ge [sflag:s10], $0x2800  }
0xea: {  	[sflag:s10] =	ssyncset.done $0x0  }
0xeb: {  	[sflag:s10] =	ssyncadd.s32 $0xFFFFD800  }
0xec: {  	[tilespmem:s16], [sflag:$0x3] =	stream.indirect.gather [hbm4b:s2+s13], $0x80, s25, s13, $0xb8;
	[tilespmem:$0x1EC00] =	vst v63  }
0xed: {  	_ =	swait.ge [sflag:s21], $0x2800  }
0xee: {  	[sflag:s21] =	ssyncset.done $0x0  }
0xef: {  	[sflag:s21] =	ssyncadd.s32 $0xFFFFD800  }
0xf0: {  	[spmem:s3] =	stream.indirect.scatter.add.f32 [tilespmem:s17], [sflag:$0x5], $0x80, s26, s13, $0xb8;
	[tilespmem:$0x1EC00] =	vst v63  }
0xf1: {  	_ =	swait.ge [sflag:s10], $0x2800  }
0xf2: {  	[sflag:s10] =	ssyncset.done $0x0  }
0xf3: {  	[sflag:s10] =	ssyncadd.s32 $0xFFFFD800  }
0xf4: {  	[tilespmem:s17], [sflag:$0x4] =	stream.indirect.gather [hbm4b:s2+s13], $0x80, s28, s13, $0xb8;
	[tilespmem:$0x1EC00] =	vst v63  }
0xf5: {  	_ =	swait.ge [sflag:s18], $0x2800  }
0xf6: {  	[sflag:s18] =	ssyncset.done $0x0  }
0xf7: {  	[sflag:s18] =	ssyncadd.s32 $0xFFFFD800  }
0xf8: {  	[spmem:s3] =	stream.indirect.scatter.add.f32 [tilespmem:s14], [sflag:$0x5], $0x80, s29, s13, $0xb8;
	[tilespmem:$0x1EC00] =	vst v63  }
0xf9: {  	_ =	swait.ge [sflag:s10], $0x2800  }
0xfa: {  	[sflag:s10] =	ssyncset.done $0x0  }
0xfb: {  	[sflag:s10] =	ssyncadd.s32 $0xFFFFD800  }
0xfc: {  	[tilespmem:s14], [sflag:$0x1] =	stream.indirect.gather [hbm4b:s2+s13], $0x80, s30, s13, $0xb8;
	[tilespmem:$0x1EC00] =	vst v63  }
0xfd: {  	_ =	swait.ge [sflag:s19], $0x2800  }
0xfe: {  	[sflag:s19] =	ssyncset.done $0x0  }
0xff: {  	[sflag:s19] =	ssyncadd.s32 $0xFFFFD800  }
0x100: {  	[spmem:s3] =	stream.indirect.scatter.add.f32 [tilespmem:s15], [sflag:$0x5], $0x80, s31, s13, $0xb8;
	[tilespmem:$0x1EC00] =	vst v63  }
0x101: {  	_ =	swait.ge [sflag:s10], $0x2800  }
0x102: {  	[sflag:s10] =	ssyncset.done $0x0  }
0x103: {  	[sflag:s10] =	ssyncadd.s32 $0xFFFFD800  }
0x104: {  	_ =	swait.ge [sflag:s20], $0x2800  }
0x105: {  	[sflag:s20] =	ssyncset.done $0x0  }
0x106: {  	[sflag:s20] =	ssyncadd.s32 $0xFFFFD800  }
0x107: {  	[spmem:s3] =	stream.indirect.scatter.add.f32 [tilespmem:s16], [sflag:$0x5], $0x80, s1, s13, $0xb8;
	[tilespmem:$0x1EC00] =	vst v63  }
0x108: {  	_ =	swait.ge [sflag:s10], $0x2800  }
0x109: {  	[sflag:s10] =	ssyncset.done $0x0  }
0x10a: {  	[sflag:s10] =	ssyncadd.s32 $0xFFFFD800  }
0x10b: {  	_ =	swait.ge [sflag:s21], $0x2800  }
0x10c: {  	[sflag:s21] =	ssyncset.done $0x0  }
0x10d: {  	[sflag:s21] =	ssyncadd.s32 $0xFFFFD800  }
0x10e: {  	[spmem:s3] =	stream.indirect.scatter.add.f32 [tilespmem:s17], [sflag:$0x5], $0x80, s0, s13, $0xb8;
	[tilespmem:$0x1EC00] =	vst v63  }
0x10f: {  	_ =	swait.ge [sflag:s10], $0x2800  }
0x110: {  	[sflag:s10] =	ssyncset.done $0x0  }
0x111: {  	[sflag:s10] =	ssyncadd.s32 $0xFFFFD800  }
0x112: {  	_ =	swait.ge [sflag:s18], $0x2800  }
0x113: {  	[sflag:s18] =	ssyncset.done $0x0  }
0x114: {  	[sflag:s18] =	ssyncadd.s32 $0xFFFFD800  }
0x115: {  	[spmem:s3] =	stream.indirect.scatter.add.f32 [tilespmem:s14], [sflag:$0x5], $0x80, s5, s13, $0xb8;
	[tilespmem:$0x1EC00] =	vst v63  }
0x116: {  	s6 =	simm.s32 $0x1F4;
	_ =	swait.ge [sflag:s10], $0x2800  }
0x117: {  	s8 =	simm.s32 $0xFA;
	s9 =	rddreg [dreg:$0x5];
	[sflag:s10] =	ssyncset.done $0x0  }
.LBB2_2:
0x118: {  	[sflag:s10] =	ssyncadd.s32 $0xFFFFD800;
	s9 =	sadd.s32 s8, s9  }
0x119: {  	[tilespmem:s11], [sflag:$0x5] =	stream.linear.gather [hbm4b:s9+s4], $0x7D0, $0x38;
	[tilespmem:$0x1EC00] =	vst v63  }
0x11a: {  	_ =	swait.ge [sflag:s10], $0x7D0  }
0x11b: {  	s9 =	rddreg [dreg:$0x4];
	[sflag:s10] =	ssyncset.done $0x0  }
0x11c: {  	[sflag:s10] =	ssyncadd.s32 $0xFFFFF830;
	s9 =	sadd.s32 s8, s9  }
0x11d: {  	[tilespmem:s12], [sflag:$0x5] =	stream.linear.gather [hbm4b:s9+s4], $0x7D0, $0x38;
	[tilespmem:$0x1EC00] =	vst v63  }
0x11e: {  	_ =	swait.ge [sflag:s10], $0x7D0  }
0x11f: {  	[sflag:s10] =	ssyncset.done $0x0  }
0x120: {  	s7 =	smov.u32 s6;
	[sflag:s10] =	ssyncadd.s32 $0xFFFFF830  }
0x121: {  	[tilespmem:s14], [sflag:$0x1] =	stream.indirect.gather [hbm4b:s2+s13], $0x80, s11, s13, $0xb8;
	[tilespmem:$0x1EC00] =	vst v63  }
0x122: {  	s8 =	smov.u32 s7;
	s7 =	rddreg [dreg:$0x6]  }
0x123: {  	[tilespmem:s15], [sflag:$0x2] =	stream.indirect.gather [hbm4b:s2+s13], $0x80, s7, s13, $0xb8;
	[tilespmem:$0x1EC00] =	vst v63  }
0x124: {  	s9 =	rddreg [dreg:$0x7]  }
0x125: {  	[tilespmem:s16], [sflag:$0x3] =	stream.indirect.gather [hbm4b:s2+s13], $0x80, s9, s13, $0xb8;
	[tilespmem:$0x1EC00] =	vst v63  }
0x126: {  	s7 =	rddreg [dreg:$0x8]  }
0x127: {  	[tilespmem:s17], [sflag:$0x4] =	stream.indirect.gather [hbm4b:s2+s13], $0x80, s7, s13, $0xb8;
	[tilespmem:$0x1EC00] =	vst v63  }
0x128: {  	_ =	swait.ge [sflag:s18], $0x2800  }
0x129: {  	[sflag:s18] =	ssyncset.done $0x0  }
0x12a: {  	[sflag:s18] =	ssyncadd.s32 $0xFFFFD800  }
0x12b: {  	[spmem:s3] =	stream.indirect.scatter.add.f32 [tilespmem:s14], [sflag:$0x5], $0x80, s12, s13, $0xb8;
	[tilespmem:$0x1EC00] =	vst v63  }
0x12c: {  	_ =	swait.ge [sflag:s10], $0x2800  }
0x12d: {  	[sflag:s10] =	ssyncset.done $0x0  }
0x12e: {  	s9 =	rddreg [dreg:$0x9];
	[sflag:s10] =	ssyncadd.s32 $0xFFFFD800  }
0x12f: {  	[tilespmem:s14], [sflag:$0x1] =	stream.indirect.gather [hbm4b:s2+s13], $0x80, s9, s13, $0xb8;
	[tilespmem:$0x1EC00] =	vst v63  }
0x130: {  	_ =	swait.ge [sflag:s19], $0x2800  }
0x131: {  	[sflag:s19] =	ssyncset.done $0x0  }
0x132: {  	s9 =	rddreg [dreg:$0xa];
	[sflag:s19] =	ssyncadd.s32 $0xFFFFD800  }
0x133: {  	[spmem:s3] =	stream.indirect.scatter.add.f32 [tilespmem:s15], [sflag:$0x5], $0x80, s9, s13, $0xb8;
	[tilespmem:$0x1EC00] =	vst v63  }
0x134: {  	_ =	swait.ge [sflag:s10], $0x2800  }
0x135: {  	[sflag:s10] =	ssyncset.done $0x0  }
0x136: {  	s9 =	rddreg [dreg:$0xb];
	[sflag:s10] =	ssyncadd.s32 $0xFFFFD800  }
0x137: {  	[tilespmem:s15], [sflag:$0x2] =	stream.indirect.gather [hbm4b:s2+s13], $0x80, s9, s13, $0xb8;
	[tilespmem:$0x1EC00] =	vst v63  }
0x138: {  	_ =	swait.ge [sflag:s20], $0x2800  }
0x139: {  	[sflag:s20] =	ssyncset.done $0x0  }
0x13a: {  	s9 =	rddreg [dreg:$0xc];
	[sflag:s20] =	ssyncadd.s32 $0xFFFFD800  }
0x13b: {  	[spmem:s3] =	stream.indirect.scatter.add.f32 [tilespmem:s16], [sflag:$0x5], $0x80, s9, s13, $0xb8;
	[tilespmem:$0x1EC00] =	vst v63  }
0x13c: {  	_ =	swait.ge [sflag:s10], $0x2800  }
0x13d: {  	[sflag:s10] =	ssyncset.done $0x0  }
0x13e: {  	s9 =	rddreg [dreg:$0xd];
	[sflag:s10] =	ssyncadd.s32 $0xFFFFD800  }
0x13f: {  	[tilespmem:s16], [sflag:$0x3] =	stream.indirect.gather [hbm4b:s2+s13], $0x80, s9, s13, $0xb8;
	[tilespmem:$0x1EC00] =	vst v63  }
0x140: {  	_ =	swait.ge [sflag:s21], $0x2800  }
0x141: {  	[sflag:s21] =	ssyncset.done $0x0  }
0x142: {  	s9 =	rddreg [dreg:$0xe];
	[sflag:s21] =	ssyncadd.s32 $0xFFFFD800  }
0x143: {  	[spmem:s3] =	stream.indirect.scatter.add.f32 [tilespmem:s17], [sflag:$0x5], $0x80, s9, s13, $0xb8;
	[tilespmem:$0x1EC00] =	vst v63  }
0x144: {  	_ =	swait.ge [sflag:s10], $0x2800  }
0x145: {  	[sflag:s10] =	ssyncset.done $0x0  }
0x146: {  	s9 =	rddreg [dreg:$0xf];
	[sflag:s10] =	ssyncadd.s32 $0xFFFFD800  }
0x147: {  	[tilespmem:s17], [sflag:$0x4] =	stream.indirect.gather [hbm4b:s2+s13], $0x80, s9, s13, $0xb8;
	[tilespmem:$0x1EC00] =	vst v63  }
0x148: {  	_ =	swait.ge [sflag:s18], $0x2800  }
0x149: {  	[sflag:s18] =	ssyncset.done $0x0  }
0x14a: {  	s9 =	rddreg [dreg:$0x10];
	[sflag:s18] =	ssyncadd.s32 $0xFFFFD800  }
0x14b: {  	[spmem:s3] =	stream.indirect.scatter.add.f32 [tilespmem:s14], [sflag:$0x5], $0x80, s9, s13, $0xb8;
	[tilespmem:$0x1EC00] =	vst v63  }
0x14c: {  	_ =	swait.ge [sflag:s10], $0x2800  }
0x14d: {  	[sflag:s10] =	ssyncset.done $0x0  }
0x14e: {  	s9 =	rddreg [dreg:$0x11];
	[sflag:s10] =	ssyncadd.s32 $0xFFFFD800  }
0x14f: {  	[tilespmem:s14], [sflag:$0x1] =	stream.indirect.gather [hbm4b:s2+s13], $0x80, s9, s13, $0xb8;
	[tilespmem:$0x1EC00] =	vst v63  }
0x150: {  	_ =	swait.ge [sflag:s19], $0x2800  }
0x151: {  	[sflag:s19] =	ssyncset.done $0x0  }
0x152: {  	s9 =	rddreg [dreg:$0x12];
	[sflag:s19] =	ssyncadd.s32 $0xFFFFD800  }
0x153: {  	[spmem:s3] =	stream.indirect.scatter.add.f32 [tilespmem:s15], [sflag:$0x5], $0x80, s9, s13, $0xb8;
	[tilespmem:$0x1EC00] =	vst v63  }
0x154: {  	_ =	swait.ge [sflag:s10], $0x2800  }
0x155: {  	[sflag:s10] =	ssyncset.done $0x0  }
0x156: {  	s9 =	rddreg [dreg:$0x13];
	[sflag:s10] =	ssyncadd.s32 $0xFFFFD800  }
0x157: {  	[tilespmem:s15], [sflag:$0x2] =	stream.indirect.gather [hbm4b:s2+s13], $0x80, s9, s13, $0xb8;
	[tilespmem:$0x1EC00] =	vst v63  }
0x158: {  	_ =	swait.ge [sflag:s20], $0x2800  }
0x159: {  	[sflag:s20] =	ssyncset.done $0x0  }
0x15a: {  	s9 =	rddreg [dreg:$0x14];
	[sflag:s20] =	ssyncadd.s32 $0xFFFFD800  }
0x15b: {  	[spmem:s3] =	stream.indirect.scatter.add.f32 [tilespmem:s16], [sflag:$0x5], $0x80, s9, s13, $0xb8;
	[tilespmem:$0x1EC00] =	vst v63  }
0x15c: {  	_ =	swait.ge [sflag:s10], $0x2800  }
0x15d: {  	[sflag:s10] =	ssyncset.done $0x0  }
0x15e: {  	s9 =	rddreg [dreg:$0x15];
	[sflag:s10] =	ssyncadd.s32 $0xFFFFD800  }
0x15f: {  	[tilespmem:s16], [sflag:$0x3] =	stream.indirect.gather [hbm4b:s2+s13], $0x80, s9, s13, $0xb8;
	[tilespmem:$0x1EC00] =	vst v63  }
0x160: {  	_ =	swait.ge [sflag:s21], $0x2800  }
0x161: {  	[sflag:s21] =	ssyncset.done $0x0  }
0x162: {  	s9 =	rddreg [dreg:$0x16];
	[sflag:s21] =	ssyncadd.s32 $0xFFFFD800  }
0x163: {  	[spmem:s3] =	stream.indirect.scatter.add.f32 [tilespmem:s17], [sflag:$0x5], $0x80, s9, s13, $0xb8;
	[tilespmem:$0x1EC00] =	vst v63  }
0x164: {  	_ =	swait.ge [sflag:s10], $0x2800  }
0x165: {  	[sflag:s10] =	ssyncset.done $0x0  }
0x166: {  	s9 =	rddreg [dreg:$0x17];
	[sflag:s10] =	ssyncadd.s32 $0xFFFFD800  }
0x167: {  	[tilespmem:s17], [sflag:$0x4] =	stream.indirect.gather [hbm4b:s2+s13], $0x80, s9, s13, $0xb8;
	[tilespmem:$0x1EC00] =	vst v63  }
0x168: {  	_ =	swait.ge [sflag:s18], $0x2800  }
0x169: {  	[sflag:s18] =	ssyncset.done $0x0  }
0x16a: {  	s9 =	rddreg [dreg:$0x18];
	[sflag:s18] =	ssyncadd.s32 $0xFFFFD800  }
0x16b: {  	[spmem:s3] =	stream.indirect.scatter.add.f32 [tilespmem:s14], [sflag:$0x5], $0x80, s9, s13, $0xb8;
	[tilespmem:$0x1EC00] =	vst v63  }
0x16c: {  	_ =	swait.ge [sflag:s10], $0x2800  }
0x16d: {  	[sflag:s10] =	ssyncset.done $0x0  }
0x16e: {  	s9 =	rddreg [dreg:$0x19];
	[sflag:s10] =	ssyncadd.s32 $0xFFFFD800  }
0x16f: {  	[tilespmem:s14], [sflag:$0x1] =	stream.indirect.gather [hbm4b:s2+s13], $0x80, s9, s13, $0xb8;
	[tilespmem:$0x1EC00] =	vst v63  }
0x170: {  	_ =	swait.ge [sflag:s19], $0x2800  }
0x171: {  	[sflag:s19] =	ssyncset.done $0x0  }
0x172: {  	s9 =	rddreg [dreg:$0x1a];
	[sflag:s19] =	ssyncadd.s32 $0xFFFFD800  }
0x173: {  	[spmem:s3] =	stream.indirect.scatter.add.f32 [tilespmem:s15], [sflag:$0x5], $0x80, s9, s13, $0xb8;
	[tilespmem:$0x1EC00] =	vst v63  }
0x174: {  	_ =	swait.ge [sflag:s10], $0x2800  }
0x175: {  	[sflag:s10] =	ssyncset.done $0x0  }
0x176: {  	s9 =	rddreg [dreg:$0x1b];
	[sflag:s10] =	ssyncadd.s32 $0xFFFFD800  }
0x177: {  	[tilespmem:s15], [sflag:$0x2] =	stream.indirect.gather [hbm4b:s2+s13], $0x80, s9, s13, $0xb8;
	[tilespmem:$0x1EC00] =	vst v63  }
0x178: {  	_ =	swait.ge [sflag:s20], $0x2800  }
0x179: {  	[sflag:s20] =	ssyncset.done $0x0  }
0x17a: {  	s9 =	rddreg [dreg:$0x1c];
	[sflag:s20] =	ssyncadd.s32 $0xFFFFD800  }
0x17b: {  	[spmem:s3] =	stream.indirect.scatter.add.f32 [tilespmem:s16], [sflag:$0x5], $0x80, s9, s13, $0xb8;
	[tilespmem:$0x1EC00] =	vst v63  }
0x17c: {  	_ =	swait.ge [sflag:s10], $0x2800  }
0x17d: {  	[sflag:s10] =	ssyncset.done $0x0  }
0x17e: {  	s9 =	rddreg [dreg:$0x1d];
	[sflag:s10] =	ssyncadd.s32 $0xFFFFD800  }
0x17f: {  	[tilespmem:s16], [sflag:$0x3] =	stream.indirect.gather [hbm4b:s2+s13], $0x80, s9, s13, $0xb8;
	[tilespmem:$0x1EC00] =	vst v63  }
0x180: {  	_ =	swait.ge [sflag:s21], $0x2800  }
0x181: {  	[sflag:s21] =	ssyncset.done $0x0  }
0x182: {  	s9 =	rddreg [dreg:$0x1e];
	[sflag:s21] =	ssyncadd.s32 $0xFFFFD800  }
0x183: {  	[spmem:s3] =	stream.indirect.scatter.add.f32 [tilespmem:s17], [sflag:$0x5], $0x80, s9, s13, $0xb8;
	[tilespmem:$0x1EC00] =	vst v63  }
0x184: {  	_ =	swait.ge [sflag:s10], $0x2800  }
0x185: {  	[sflag:s10] =	ssyncset.done $0x0  }
0x186: {  	s9 =	rddreg [dreg:$0x1f];
	[sflag:s10] =	ssyncadd.s32 $0xFFFFD800  }
0x187: {  	[tilespmem:s17], [sflag:$0x4] =	stream.indirect.gather [hbm4b:s2+s13], $0x80, s9, s13, $0xb8;
	[tilespmem:$0x1EC00] =	vst v63  }
0x188: {  	_ =	swait.ge [sflag:s18], $0x2800  }
0x189: {  	s9 =	sld [smem:$0x7F2]  }
0x18a: {  	[sflag:s18] =	ssyncset.done $0x0  }
0x18b: {  	[sflag:s18] =	ssyncadd.s32 $0xFFFFD800  }
0x18c: {  	[spmem:s3] =	stream.indirect.scatter.add.f32 [tilespmem:s14], [sflag:$0x5], $0x80, s9, s13, $0xb8;
	[tilespmem:$0x1EC00] =	vst v63  }
0x18d: {  	_ =	swait.ge [sflag:s10], $0x2800  }
0x18e: {  	s9 =	sld [smem:$0x7F3]  }
0x18f: {  	[sflag:s10] =	ssyncset.done $0x0  }
0x190: {  	[sflag:s10] =	ssyncadd.s32 $0xFFFFD800  }
0x191: {  	[tilespmem:s14], [sflag:$0x1] =	stream.indirect.gather [hbm4b:s2+s13], $0x80, s9, s13, $0xb8;
	[tilespmem:$0x1EC00] =	vst v63  }
0x192: {  	_ =	swait.ge [sflag:s19], $0x2800  }
0x193: {  	s9 =	sld [smem:$0x7F4]  }
0x194: {  	[sflag:s19] =	ssyncset.done $0x0  }
0x195: {  	[sflag:s19] =	ssyncadd.s32 $0xFFFFD800  }
0x196: {  	[spmem:s3] =	stream.indirect.scatter.add.f32 [tilespmem:s15], [sflag:$0x5], $0x80, s9, s13, $0xb8;
	[tilespmem:$0x1EC00] =	vst v63  }
0x197: {  	_ =	swait.ge [sflag:s10], $0x2800  }
0x198: {  	s9 =	sld [smem:$0x7F5]  }
0x199: {  	[sflag:s10] =	ssyncset.done $0x0  }
0x19a: {  	[sflag:s10] =	ssyncadd.s32 $0xFFFFD800  }
0x19b: {  	[tilespmem:s15], [sflag:$0x2] =	stream.indirect.gather [hbm4b:s2+s13], $0x80, s9, s13, $0xb8;
	[tilespmem:$0x1EC00] =	vst v63  }
0x19c: {  	_ =	swait.ge [sflag:s20], $0x2800  }
0x19d: {  	s9 =	sld [smem:$0x7F6]  }
0x19e: {  	[sflag:s20] =	ssyncset.done $0x0  }
0x19f: {  	[sflag:s20] =	ssyncadd.s32 $0xFFFFD800  }
0x1a0: {  	[spmem:s3] =	stream.indirect.scatter.add.f32 [tilespmem:s16], [sflag:$0x5], $0x80, s9, s13, $0xb8;
	[tilespmem:$0x1EC00] =	vst v63  }
0x1a1: {  	_ =	swait.ge [sflag:s10], $0x2800  }
0x1a2: {  	s9 =	sld [smem:$0x7F7]  }
0x1a3: {  	[sflag:s10] =	ssyncset.done $0x0  }
0x1a4: {  	[sflag:s10] =	ssyncadd.s32 $0xFFFFD800  }
0x1a5: {  	[tilespmem:s16], [sflag:$0x3] =	stream.indirect.gather [hbm4b:s2+s13], $0x80, s9, s13, $0xb8;
	[tilespmem:$0x1EC00] =	vst v63  }
0x1a6: {  	_ =	swait.ge [sflag:s21], $0x2800  }
0x1a7: {  	s9 =	sld [smem:$0x7F8]  }
0x1a8: {  	[sflag:s21] =	ssyncset.done $0x0  }
0x1a9: {  	[sflag:s21] =	ssyncadd.s32 $0xFFFFD800  }
0x1aa: {  	[spmem:s3] =	stream.indirect.scatter.add.f32 [tilespmem:s17], [sflag:$0x5], $0x80, s9, s13, $0xb8;
	[tilespmem:$0x1EC00] =	vst v63  }
0x1ab: {  	_ =	swait.ge [sflag:s10], $0x2800  }
0x1ac: {  	s9 =	sld [smem:$0x7F9]  }
0x1ad: {  	[sflag:s10] =	ssyncset.done $0x0  }
0x1ae: {  	[sflag:s10] =	ssyncadd.s32 $0xFFFFD800  }
0x1af: {  	[tilespmem:s17], [sflag:$0x4] =	stream.indirect.gather [hbm4b:s2+s13], $0x80, s9, s13, $0xb8;
	[tilespmem:$0x1EC00] =	vst v63  }
0x1b0: {  	_ =	swait.ge [sflag:s18], $0x2800  }
0x1b1: {  	s9 =	sld [smem:$0x7FA]  }
0x1b2: {  	[sflag:s18] =	ssyncset.done $0x0  }
0x1b3: {  	[sflag:s18] =	ssyncadd.s32 $0xFFFFD800  }
0x1b4: {  	[spmem:s3] =	stream.indirect.scatter.add.f32 [tilespmem:s14], [sflag:$0x5], $0x80, s9, s13, $0xb8;
	[tilespmem:$0x1EC00] =	vst v63  }
0x1b5: {  	_ =	swait.ge [sflag:s10], $0x2800  }
0x1b6: {  	s9 =	sld [smem:$0x7FB]  }
0x1b7: {  	[sflag:s10] =	ssyncset.done $0x0  }
0x1b8: {  	[sflag:s10] =	ssyncadd.s32 $0xFFFFD800  }
0x1b9: {  	[tilespmem:s14], [sflag:$0x1] =	stream.indirect.gather [hbm4b:s2+s13], $0x80, s9, s13, $0xb8;
	[tilespmem:$0x1EC00] =	vst v63  }
0x1ba: {  	_ =	swait.ge [sflag:s19], $0x2800  }
0x1bb: {  	[sflag:s19] =	ssyncset.done $0x0  }
0x1bc: {  	[sflag:s19] =	ssyncadd.s32 $0xFFFFD800  }
0x1bd: {  	[spmem:s3] =	stream.indirect.scatter.add.f32 [tilespmem:s15], [sflag:$0x5], $0x80, s22, s13, $0xb8;
	[tilespmem:$0x1EC00] =	vst v63  }
0x1be: {  	_ =	swait.ge [sflag:s10], $0x2800  }
0x1bf: {  	[sflag:s10] =	ssyncset.done $0x0  }
0x1c0: {  	[sflag:s10] =	ssyncadd.s32 $0xFFFFD800  }
0x1c1: {  	[tilespmem:s15], [sflag:$0x2] =	stream.indirect.gather [hbm4b:s2+s13], $0x80, s23, s13, $0xb8;
	[tilespmem:$0x1EC00] =	vst v63  }
0x1c2: {  	_ =	swait.ge [sflag:s20], $0x2800  }
0x1c3: {  	[sflag:s20] =	ssyncset.done $0x0  }
0x1c4: {  	[sflag:s20] =	ssyncadd.s32 $0xFFFFD800  }
0x1c5: {  	[spmem:s3] =	stream.indirect.scatter.add.f32 [tilespmem:s16], [sflag:$0x5], $0x80, s24, s13, $0xb8;
	[tilespmem:$0x1EC00] =	vst v63  }
0x1c6: {  	_ =	swait.ge [sflag:s10], $0x2800  }
0x1c7: {  	[sflag:s10] =	ssyncset.done $0x0  }
0x1c8: {  	[sflag:s10] =	ssyncadd.s32 $0xFFFFD800  }
0x1c9: {  	[tilespmem:s16], [sflag:$0x3] =	stream.indirect.gather [hbm4b:s2+s13], $0x80, s25, s13, $0xb8;
	[tilespmem:$0x1EC00] =	vst v63  }
0x1ca: {  	_ =	swait.ge [sflag:s21], $0x2800  }
0x1cb: {  	[sflag:s21] =	ssyncset.done $0x0  }
0x1cc: {  	[sflag:s21] =	ssyncadd.s32 $0xFFFFD800  }
0x1cd: {  	[spmem:s3] =	stream.indirect.scatter.add.f32 [tilespmem:s17], [sflag:$0x5], $0x80, s26, s13, $0xb8;
	[tilespmem:$0x1EC00] =	vst v63  }
0x1ce: {  	_ =	swait.ge [sflag:s10], $0x2800  }
0x1cf: {  	[sflag:s10] =	ssyncset.done $0x0  }
0x1d0: {  	[sflag:s10] =	ssyncadd.s32 $0xFFFFD800  }
0x1d1: {  	[tilespmem:s17], [sflag:$0x4] =	stream.indirect.gather [hbm4b:s2+s13], $0x80, s28, s13, $0xb8;
	[tilespmem:$0x1EC00] =	vst v63  }
0x1d2: {  	_ =	swait.ge [sflag:s18], $0x2800  }
0x1d3: {  	[sflag:s18] =	ssyncset.done $0x0  }
0x1d4: {  	[sflag:s18] =	ssyncadd.s32 $0xFFFFD800  }
0x1d5: {  	[spmem:s3] =	stream.indirect.scatter.add.f32 [tilespmem:s14], [sflag:$0x5], $0x80, s29, s13, $0xb8;
	[tilespmem:$0x1EC00] =	vst v63  }
0x1d6: {  	_ =	swait.ge [sflag:s10], $0x2800  }
0x1d7: {  	[sflag:s10] =	ssyncset.done $0x0  }
0x1d8: {  	[sflag:s10] =	ssyncadd.s32 $0xFFFFD800  }
0x1d9: {  	[tilespmem:s14], [sflag:$0x1] =	stream.indirect.gather [hbm4b:s2+s13], $0x80, s30, s13, $0xb8;
	[tilespmem:$0x1EC00] =	vst v63  }
0x1da: {  	_ =	swait.ge [sflag:s19], $0x2800  }
0x1db: {  	[sflag:s19] =	ssyncset.done $0x0  }
0x1dc: {  	[sflag:s19] =	ssyncadd.s32 $0xFFFFD800  }
0x1dd: {  	[spmem:s3] =	stream.indirect.scatter.add.f32 [tilespmem:s15], [sflag:$0x5], $0x80, s31, s13, $0xb8;
	[tilespmem:$0x1EC00] =	vst v63  }
0x1de: {  	_ =	swait.ge [sflag:s10], $0x2800  }
0x1df: {  	[sflag:s10] =	ssyncset.done $0x0  }
0x1e0: {  	[sflag:s10] =	ssyncadd.s32 $0xFFFFD800  }
0x1e1: {  	_ =	swait.ge [sflag:s20], $0x2800  }
0x1e2: {  	[sflag:s20] =	ssyncset.done $0x0  }
0x1e3: {  	[sflag:s20] =	ssyncadd.s32 $0xFFFFD800  }
0x1e4: {  	[spmem:s3] =	stream.indirect.scatter.add.f32 [tilespmem:s16], [sflag:$0x5], $0x80, s1, s13, $0xb8;
	[tilespmem:$0x1EC00] =	vst v63  }
0x1e5: {  	_ =	swait.ge [sflag:s10], $0x2800  }
0x1e6: {  	[sflag:s10] =	ssyncset.done $0x0  }
0x1e7: {  	[sflag:s10] =	ssyncadd.s32 $0xFFFFD800  }
0x1e8: {  	_ =	swait.ge [sflag:s21], $0x2800  }
0x1e9: {  	[sflag:s21] =	ssyncset.done $0x0  }
0x1ea: {  	[sflag:s21] =	ssyncadd.s32 $0xFFFFD800  }
0x1eb: {  	[spmem:s3] =	stream.indirect.scatter.add.f32 [tilespmem:s17], [sflag:$0x5], $0x80, s0, s13, $0xb8;
	[tilespmem:$0x1EC00] =	vst v63  }
0x1ec: {  	_ =	swait.ge [sflag:s10], $0x2800  }
0x1ed: {  	[sflag:s10] =	ssyncset.done $0x0  }
0x1ee: {  	[sflag:s10] =	ssyncadd.s32 $0xFFFFD800  }
0x1ef: {  	p0 =	sne.s32 s6, $0x3E8;
	_ =	swait.ge [sflag:s18], $0x2800  }
.Ltmp0:
0x1f0: {  	[sflag:s18] =	ssyncset.done $0x0;
	(pc) =	sbr.rel @p0 .LBB2_2-.Ltmp0, $4  }
0x1f1: {  	[sflag:s18] =	ssyncadd.s32 $0xFFFFD800  }
0x1f2: {  	[spmem:s3] =	stream.indirect.scatter.add.f32 [tilespmem:s14], [sflag:$0x5], $0x80, s5, s13, $0xb8;
	[tilespmem:$0x1EC00] =	vst v63  }
0x1f3: {  	_ =	swait.ge [sflag:s10], $0x2800  }
0x1f4: {  	s6 =	sadd.s32 $0xFA, s6;
	s9 =	rddreg [dreg:$0x5];
	[sflag:s10] =	ssyncset.done $0x0  }
0x1f5: {  	[sflag:s10] =	ssyncadd.s32 $0xFFFFD800;
	s6 =	sadd.s32 s8, s9  }
0x1f6: {  	[tilespmem:s11], [sflag:$0x5] =	stream.linear.gather [hbm4b:s6+s4], $0x7D0, $0x38;
	[tilespmem:$0x1EC00] =	vst v63  }
0x1f7: {  	_ =	swait.ge [sflag:s10], $0x7D0  }
0x1f8: {  	s7 =	rddreg [dreg:$0x4];
	[sflag:s10] =	ssyncset.done $0x0  }
0x1f9: {  	[sflag:s10] =	ssyncadd.s32 $0xFFFFF830;
	s6 =	sadd.s32 s8, s7  }
0x1fa: {  	[tilespmem:s12], [sflag:$0x5] =	stream.linear.gather [hbm4b:s6+s4], $0x7D0, $0x38;
	[tilespmem:$0x1EC00] =	vst v63  }
0x1fb: {  	_ =	swait.ge [sflag:s10], $0x7D0  }
0x1fc: {  	[sflag:s10] =	ssyncset.done $0x0  }
0x1fd: {  	[sflag:s10] =	ssyncadd.s32 $0xFFFFF830  }
0x1fe: {  	[tilespmem:s14], [sflag:$0x1] =	stream.indirect.gather [hbm4b:s2+s13], $0x80, s11, s13, $0xb8;
	[tilespmem:$0x1EC00] =	vst v63  }
0x1ff: {  	s9 =	rddreg [dreg:$0x6]  }
0x200: {  	[tilespmem:s15], [sflag:$0x2] =	stream.indirect.gather [hbm4b:s2+s13], $0x80, s9, s13, $0xb8;
	[tilespmem:$0x1EC00] =	vst v63  }
0x201: {  	s7 =	rddreg [dreg:$0x7]  }
0x202: {  	[tilespmem:s16], [sflag:$0x3] =	stream.indirect.gather [hbm4b:s2+s13], $0x80, s7, s13, $0xb8;
	[tilespmem:$0x1EC00] =	vst v63  }
0x203: {  	s8 =	rddreg [dreg:$0x8]  }
0x204: {  	[tilespmem:s17], [sflag:$0x4] =	stream.indirect.gather [hbm4b:s2+s13], $0x80, s8, s13, $0xb8;
	[tilespmem:$0x1EC00] =	vst v63  }
0x205: {  	_ =	swait.ge [sflag:s18], $0x2800  }
0x206: {  	[sflag:s18] =	ssyncset.done $0x0  }
0x207: {  	[sflag:s18] =	ssyncadd.s32 $0xFFFFD800  }
0x208: {  	[spmem:s3] =	stream.indirect.scatter.add.f32 [tilespmem:s14], [sflag:$0x5], $0x80, s12, s13, $0xb8;
	[tilespmem:$0x1EC00] =	vst v63  }
0x209: {  	_ =	swait.ge [sflag:s10], $0x2800  }
0x20a: {  	[sflag:s10] =	ssyncset.done $0x0  }
0x20b: {  	s9 =	rddreg [dreg:$0x9];
	[sflag:s10] =	ssyncadd.s32 $0xFFFFD800  }
0x20c: {  	[tilespmem:s14], [sflag:$0x1] =	stream.indirect.gather [hbm4b:s2+s13], $0x80, s9, s13, $0xb8;
	[tilespmem:$0x1EC00] =	vst v63  }
0x20d: {  	_ =	swait.ge [sflag:s19], $0x2800  }
0x20e: {  	[sflag:s19] =	ssyncset.done $0x0  }
0x20f: {  	s7 =	rddreg [dreg:$0xa];
	[sflag:s19] =	ssyncadd.s32 $0xFFFFD800  }
0x210: {  	[spmem:s3] =	stream.indirect.scatter.add.f32 [tilespmem:s15], [sflag:$0x5], $0x80, s7, s13, $0xb8;
	[tilespmem:$0x1EC00] =	vst v63  }
0x211: {  	_ =	swait.ge [sflag:s10], $0x2800  }
0x212: {  	[sflag:s10] =	ssyncset.done $0x0  }
0x213: {  	s8 =	rddreg [dreg:$0xb];
	[sflag:s10] =	ssyncadd.s32 $0xFFFFD800  }
0x214: {  	[tilespmem:s15], [sflag:$0x2] =	stream.indirect.gather [hbm4b:s2+s13], $0x80, s8, s13, $0xb8;
	[tilespmem:$0x1EC00] =	vst v63  }
0x215: {  	_ =	swait.ge [sflag:s20], $0x2800  }
0x216: {  	[sflag:s20] =	ssyncset.done $0x0  }
0x217: {  	s9 =	rddreg [dreg:$0xc];
	[sflag:s20] =	ssyncadd.s32 $0xFFFFD800  }
0x218: {  	[spmem:s3] =	stream.indirect.scatter.add.f32 [tilespmem:s16], [sflag:$0x5], $0x80, s9, s13, $0xb8;
	[tilespmem:$0x1EC00] =	vst v63  }
0x219: {  	_ =	swait.ge [sflag:s10], $0x2800  }
0x21a: {  	[sflag:s10] =	ssyncset.done $0x0  }
0x21b: {  	s7 =	rddreg [dreg:$0xd];
	[sflag:s10] =	ssyncadd.s32 $0xFFFFD800  }
0x21c: {  	[tilespmem:s16], [sflag:$0x3] =	stream.indirect.gather [hbm4b:s2+s13], $0x80, s7, s13, $0xb8;
	[tilespmem:$0x1EC00] =	vst v63  }
0x21d: {  	_ =	swait.ge [sflag:s21], $0x2800  }
0x21e: {  	[sflag:s21] =	ssyncset.done $0x0  }
0x21f: {  	s8 =	rddreg [dreg:$0xe];
	[sflag:s21] =	ssyncadd.s32 $0xFFFFD800  }
0x220: {  	[spmem:s3] =	stream.indirect.scatter.add.f32 [tilespmem:s17], [sflag:$0x5], $0x80, s8, s13, $0xb8;
	[tilespmem:$0x1EC00] =	vst v63  }
0x221: {  	_ =	swait.ge [sflag:s10], $0x2800  }
0x222: {  	[sflag:s10] =	ssyncset.done $0x0  }
0x223: {  	s9 =	rddreg [dreg:$0xf];
	[sflag:s10] =	ssyncadd.s32 $0xFFFFD800  }
0x224: {  	[tilespmem:s17], [sflag:$0x4] =	stream.indirect.gather [hbm4b:s2+s13], $0x80, s9, s13, $0xb8;
	[tilespmem:$0x1EC00] =	vst v63  }
0x225: {  	_ =	swait.ge [sflag:s18], $0x2800  }
0x226: {  	[sflag:s18] =	ssyncset.done $0x0  }
0x227: {  	s7 =	rddreg [dreg:$0x10];
	[sflag:s18] =	ssyncadd.s32 $0xFFFFD800  }
0x228: {  	[spmem:s3] =	stream.indirect.scatter.add.f32 [tilespmem:s14], [sflag:$0x5], $0x80, s7, s13, $0xb8;
	[tilespmem:$0x1EC00] =	vst v63  }
0x229: {  	_ =	swait.ge [sflag:s10], $0x2800  }
0x22a: {  	[sflag:s10] =	ssyncset.done $0x0  }
0x22b: {  	s8 =	rddreg [dreg:$0x11];
	[sflag:s10] =	ssyncadd.s32 $0xFFFFD800  }
0x22c: {  	[tilespmem:s14], [sflag:$0x1] =	stream.indirect.gather [hbm4b:s2+s13], $0x80, s8, s13, $0xb8;
	[tilespmem:$0x1EC00] =	vst v63  }
0x22d: {  	_ =	swait.ge [sflag:s19], $0x2800  }
0x22e: {  	[sflag:s19] =	ssyncset.done $0x0  }
0x22f: {  	s9 =	rddreg [dreg:$0x12];
	[sflag:s19] =	ssyncadd.s32 $0xFFFFD800  }
0x230: {  	[spmem:s3] =	stream.indirect.scatter.add.f32 [tilespmem:s15], [sflag:$0x5], $0x80, s9, s13, $0xb8;
	[tilespmem:$0x1EC00] =	vst v63  }
0x231: {  	_ =	swait.ge [sflag:s10], $0x2800  }
0x232: {  	[sflag:s10] =	ssyncset.done $0x0  }
0x233: {  	s7 =	rddreg [dreg:$0x13];
	[sflag:s10] =	ssyncadd.s32 $0xFFFFD800  }
0x234: {  	[tilespmem:s15], [sflag:$0x2] =	stream.indirect.gather [hbm4b:s2+s13], $0x80, s7, s13, $0xb8;
	[tilespmem:$0x1EC00] =	vst v63  }
0x235: {  	_ =	swait.ge [sflag:s20], $0x2800  }
0x236: {  	[sflag:s20] =	ssyncset.done $0x0  }
0x237: {  	s8 =	rddreg [dreg:$0x14];
	[sflag:s20] =	ssyncadd.s32 $0xFFFFD800  }
0x238: {  	[spmem:s3] =	stream.indirect.scatter.add.f32 [tilespmem:s16], [sflag:$0x5], $0x80, s8, s13, $0xb8;
	[tilespmem:$0x1EC00] =	vst v63  }
0x239: {  	_ =	swait.ge [sflag:s10], $0x2800  }
0x23a: {  	[sflag:s10] =	ssyncset.done $0x0  }
0x23b: {  	s9 =	rddreg [dreg:$0x15];
	[sflag:s10] =	ssyncadd.s32 $0xFFFFD800  }
0x23c: {  	[tilespmem:s16], [sflag:$0x3] =	stream.indirect.gather [hbm4b:s2+s13], $0x80, s9, s13, $0xb8;
	[tilespmem:$0x1EC00] =	vst v63  }
0x23d: {  	_ =	swait.ge [sflag:s21], $0x2800  }
0x23e: {  	[sflag:s21] =	ssyncset.done $0x0  }
0x23f: {  	s7 =	rddreg [dreg:$0x16];
	[sflag:s21] =	ssyncadd.s32 $0xFFFFD800  }
0x240: {  	[spmem:s3] =	stream.indirect.scatter.add.f32 [tilespmem:s17], [sflag:$0x5], $0x80, s7, s13, $0xb8;
	[tilespmem:$0x1EC00] =	vst v63  }
0x241: {  	_ =	swait.ge [sflag:s10], $0x2800  }
0x242: {  	[sflag:s10] =	ssyncset.done $0x0  }
0x243: {  	s8 =	rddreg [dreg:$0x17];
	[sflag:s10] =	ssyncadd.s32 $0xFFFFD800  }
0x244: {  	[tilespmem:s17], [sflag:$0x4] =	stream.indirect.gather [hbm4b:s2+s13], $0x80, s8, s13, $0xb8;
	[tilespmem:$0x1EC00] =	vst v63  }
0x245: {  	_ =	swait.ge [sflag:s18], $0x2800  }
0x246: {  	[sflag:s18] =	ssyncset.done $0x0  }
0x247: {  	s9 =	rddreg [dreg:$0x18];
	[sflag:s18] =	ssyncadd.s32 $0xFFFFD800  }
0x248: {  	[spmem:s3] =	stream.indirect.scatter.add.f32 [tilespmem:s14], [sflag:$0x5], $0x80, s9, s13, $0xb8;
	[tilespmem:$0x1EC00] =	vst v63  }
0x249: {  	_ =	swait.ge [sflag:s10], $0x2800  }
0x24a: {  	[sflag:s10] =	ssyncset.done $0x0  }
0x24b: {  	s7 =	rddreg [dreg:$0x19];
	[sflag:s10] =	ssyncadd.s32 $0xFFFFD800  }
0x24c: {  	[tilespmem:s14], [sflag:$0x1] =	stream.indirect.gather [hbm4b:s2+s13], $0x80, s7, s13, $0xb8;
	[tilespmem:$0x1EC00] =	vst v63  }
0x24d: {  	_ =	swait.ge [sflag:s19], $0x2800  }
0x24e: {  	[sflag:s19] =	ssyncset.done $0x0  }
0x24f: {  	s8 =	rddreg [dreg:$0x1a];
	[sflag:s19] =	ssyncadd.s32 $0xFFFFD800  }
0x250: {  	[spmem:s3] =	stream.indirect.scatter.add.f32 [tilespmem:s15], [sflag:$0x5], $0x80, s8, s13, $0xb8;
	[tilespmem:$0x1EC00] =	vst v63  }
0x251: {  	_ =	swait.ge [sflag:s10], $0x2800  }
0x252: {  	[sflag:s10] =	ssyncset.done $0x0  }
0x253: {  	s9 =	rddreg [dreg:$0x1b];
	[sflag:s10] =	ssyncadd.s32 $0xFFFFD800  }
0x254: {  	[tilespmem:s15], [sflag:$0x2] =	stream.indirect.gather [hbm4b:s2+s13], $0x80, s9, s13, $0xb8;
	[tilespmem:$0x1EC00] =	vst v63  }
0x255: {  	_ =	swait.ge [sflag:s20], $0x2800  }
0x256: {  	[sflag:s20] =	ssyncset.done $0x0  }
0x257: {  	s7 =	rddreg [dreg:$0x1c];
	[sflag:s20] =	ssyncadd.s32 $0xFFFFD800  }
0x258: {  	[spmem:s3] =	stream.indirect.scatter.add.f32 [tilespmem:s16], [sflag:$0x5], $0x80, s7, s13, $0xb8;
	[tilespmem:$0x1EC00] =	vst v63  }
0x259: {  	_ =	swait.ge [sflag:s10], $0x2800  }
0x25a: {  	[sflag:s10] =	ssyncset.done $0x0  }
0x25b: {  	s8 =	rddreg [dreg:$0x1d];
	[sflag:s10] =	ssyncadd.s32 $0xFFFFD800  }
0x25c: {  	[tilespmem:s16], [sflag:$0x3] =	stream.indirect.gather [hbm4b:s2+s13], $0x80, s8, s13, $0xb8;
	[tilespmem:$0x1EC00] =	vst v63  }
0x25d: {  	_ =	swait.ge [sflag:s21], $0x2800  }
0x25e: {  	[sflag:s21] =	ssyncset.done $0x0  }
0x25f: {  	s9 =	rddreg [dreg:$0x1e];
	[sflag:s21] =	ssyncadd.s32 $0xFFFFD800  }
0x260: {  	[spmem:s3] =	stream.indirect.scatter.add.f32 [tilespmem:s17], [sflag:$0x5], $0x80, s9, s13, $0xb8;
	[tilespmem:$0x1EC00] =	vst v63  }
0x261: {  	_ =	swait.ge [sflag:s10], $0x2800  }
0x262: {  	[sflag:s10] =	ssyncset.done $0x0  }
0x263: {  	s7 =	rddreg [dreg:$0x1f];
	[sflag:s10] =	ssyncadd.s32 $0xFFFFD800  }
0x264: {  	[tilespmem:s17], [sflag:$0x4] =	stream.indirect.gather [hbm4b:s2+s13], $0x80, s7, s13, $0xb8;
	[tilespmem:$0x1EC00] =	vst v63  }
0x265: {  	_ =	swait.ge [sflag:s18], $0x2800  }
0x266: {  	s8 =	sld [smem:$0x7F2]  }
0x267: {  	[sflag:s18] =	ssyncset.done $0x0  }
0x268: {  	[sflag:s18] =	ssyncadd.s32 $0xFFFFD800  }
0x269: {  	[spmem:s3] =	stream.indirect.scatter.add.f32 [tilespmem:s14], [sflag:$0x5], $0x80, s8, s13, $0xb8;
	[tilespmem:$0x1EC00] =	vst v63  }
0x26a: {  	_ =	swait.ge [sflag:s10], $0x2800  }
0x26b: {  	s9 =	sld [smem:$0x7F3]  }
0x26c: {  	[sflag:s10] =	ssyncset.done $0x0  }
0x26d: {  	[sflag:s10] =	ssyncadd.s32 $0xFFFFD800  }
0x26e: {  	[tilespmem:s14], [sflag:$0x1] =	stream.indirect.gather [hbm4b:s2+s13], $0x80, s9, s13, $0xb8;
	[tilespmem:$0x1EC00] =	vst v63  }
0x26f: {  	_ =	swait.ge [sflag:s19], $0x2800  }
0x270: {  	s7 =	sld [smem:$0x7F4]  }
0x271: {  	[sflag:s19] =	ssyncset.done $0x0  }
0x272: {  	[sflag:s19] =	ssyncadd.s32 $0xFFFFD800  }
0x273: {  	[spmem:s3] =	stream.indirect.scatter.add.f32 [tilespmem:s15], [sflag:$0x5], $0x80, s7, s13, $0xb8;
	[tilespmem:$0x1EC00] =	vst v63  }
0x274: {  	_ =	swait.ge [sflag:s10], $0x2800  }
0x275: {  	s8 =	sld [smem:$0x7F5]  }
0x276: {  	[sflag:s10] =	ssyncset.done $0x0  }
0x277: {  	[sflag:s10] =	ssyncadd.s32 $0xFFFFD800  }
0x278: {  	[tilespmem:s15], [sflag:$0x2] =	stream.indirect.gather [hbm4b:s2+s13], $0x80, s8, s13, $0xb8;
	[tilespmem:$0x1EC00] =	vst v63  }
0x279: {  	_ =	swait.ge [sflag:s20], $0x2800  }
0x27a: {  	s9 =	sld [smem:$0x7F6]  }
0x27b: {  	[sflag:s20] =	ssyncset.done $0x0  }
0x27c: {  	[sflag:s20] =	ssyncadd.s32 $0xFFFFD800  }
0x27d: {  	[spmem:s3] =	stream.indirect.scatter.add.f32 [tilespmem:s16], [sflag:$0x5], $0x80, s9, s13, $0xb8;
	[tilespmem:$0x1EC00] =	vst v63  }
0x27e: {  	_ =	swait.ge [sflag:s10], $0x2800  }
0x27f: {  	s7 =	sld [smem:$0x7F7]  }
0x280: {  	[sflag:s10] =	ssyncset.done $0x0  }
0x281: {  	[sflag:s10] =	ssyncadd.s32 $0xFFFFD800  }
0x282: {  	[tilespmem:s16], [sflag:$0x3] =	stream.indirect.gather [hbm4b:s2+s13], $0x80, s7, s13, $0xb8;
	[tilespmem:$0x1EC00] =	vst v63  }
0x283: {  	_ =	swait.ge [sflag:s21], $0x2800  }
0x284: {  	s8 =	sld [smem:$0x7F8]  }
0x285: {  	[sflag:s21] =	ssyncset.done $0x0  }
0x286: {  	[sflag:s21] =	ssyncadd.s32 $0xFFFFD800  }
0x287: {  	[spmem:s3] =	stream.indirect.scatter.add.f32 [tilespmem:s17], [sflag:$0x5], $0x80, s8, s13, $0xb8;
	[tilespmem:$0x1EC00] =	vst v63  }
0x288: {  	_ =	swait.ge [sflag:s10], $0x2800  }
0x289: {  	s9 =	sld [smem:$0x7F9]  }
0x28a: {  	[sflag:s10] =	ssyncset.done $0x0  }
0x28b: {  	[sflag:s10] =	ssyncadd.s32 $0xFFFFD800  }
0x28c: {  	[tilespmem:s17], [sflag:$0x4] =	stream.indirect.gather [hbm4b:s2+s13], $0x80, s9, s13, $0xb8;
	[tilespmem:$0x1EC00] =	vst v63  }
0x28d: {  	_ =	swait.ge [sflag:s18], $0x2800  }
0x28e: {  	s7 =	sld [smem:$0x7FA]  }
0x28f: {  	[sflag:s18] =	ssyncset.done $0x0  }
0x290: {  	[sflag:s18] =	ssyncadd.s32 $0xFFFFD800  }
0x291: {  	[spmem:s3] =	stream.indirect.scatter.add.f32 [tilespmem:s14], [sflag:$0x5], $0x80, s7, s13, $0xb8;
	[tilespmem:$0x1EC00] =	vst v63  }
0x292: {  	_ =	swait.ge [sflag:s10], $0x2800  }
0x293: {  	s8 =	sld [smem:$0x7FB]  }
0x294: {  	[sflag:s10] =	ssyncset.done $0x0  }
0x295: {  	[sflag:s10] =	ssyncadd.s32 $0xFFFFD800  }
0x296: {  	[tilespmem:s14], [sflag:$0x1] =	stream.indirect.gather [hbm4b:s2+s13], $0x80, s8, s13, $0xb8;
	[tilespmem:$0x1EC00] =	vst v63  }
0x297: {  	_ =	swait.ge [sflag:s19], $0x2800  }
0x298: {  	[sflag:s19] =	ssyncset.done $0x0  }
0x299: {  	[sflag:s19] =	ssyncadd.s32 $0xFFFFD800  }
0x29a: {  	[spmem:s3] =	stream.indirect.scatter.add.f32 [tilespmem:s15], [sflag:$0x5], $0x80, s22, s13, $0xb8;
	[tilespmem:$0x1EC00] =	vst v63  }
0x29b: {  	_ =	swait.ge [sflag:s10], $0x2800  }
0x29c: {  	[sflag:s10] =	ssyncset.done $0x0  }
0x29d: {  	[sflag:s10] =	ssyncadd.s32 $0xFFFFD800  }
0x29e: {  	[tilespmem:s15], [sflag:$0x2] =	stream.indirect.gather [hbm4b:s2+s13], $0x80, s23, s13, $0xb8;
	[tilespmem:$0x1EC00] =	vst v63  }
0x29f: {  	_ =	swait.ge [sflag:s20], $0x2800  }
0x2a0: {  	[sflag:s20] =	ssyncset.done $0x0  }
0x2a1: {  	[sflag:s20] =	ssyncadd.s32 $0xFFFFD800  }
0x2a2: {  	[spmem:s3] =	stream.indirect.scatter.add.f32 [tilespmem:s16], [sflag:$0x5], $0x80, s24, s13, $0xb8;
	[tilespmem:$0x1EC00] =	vst v63  }
0x2a3: {  	_ =	swait.ge [sflag:s10], $0x2800  }
0x2a4: {  	[sflag:s10] =	ssyncset.done $0x0  }
0x2a5: {  	[sflag:s10] =	ssyncadd.s32 $0xFFFFD800  }
0x2a6: {  	[tilespmem:s16], [sflag:$0x3] =	stream.indirect.gather [hbm4b:s2+s13], $0x80, s25, s13, $0xb8;
	[tilespmem:$0x1EC00] =	vst v63  }
0x2a7: {  	_ =	swait.ge [sflag:s21], $0x2800  }
0x2a8: {  	[sflag:s21] =	ssyncset.done $0x0  }
0x2a9: {  	[sflag:s21] =	ssyncadd.s32 $0xFFFFD800  }
0x2aa: {  	[spmem:s3] =	stream.indirect.scatter.add.f32 [tilespmem:s17], [sflag:$0x5], $0x80, s26, s13, $0xb8;
	[tilespmem:$0x1EC00] =	vst v63  }
0x2ab: {  	_ =	swait.ge [sflag:s10], $0x2800  }
0x2ac: {  	[sflag:s10] =	ssyncset.done $0x0  }
0x2ad: {  	[sflag:s10] =	ssyncadd.s32 $0xFFFFD800  }
0x2ae: {  	[tilespmem:s17], [sflag:$0x4] =	stream.indirect.gather [hbm4b:s2+s13], $0x80, s28, s13, $0xb8;
	[tilespmem:$0x1EC00] =	vst v63  }
0x2af: {  	_ =	swait.ge [sflag:s18], $0x2800  }
0x2b0: {  	[sflag:s18] =	ssyncset.done $0x0  }
0x2b1: {  	[sflag:s18] =	ssyncadd.s32 $0xFFFFD800  }
0x2b2: {  	[spmem:s3] =	stream.indirect.scatter.add.f32 [tilespmem:s14], [sflag:$0x5], $0x80, s29, s13, $0xb8;
	[tilespmem:$0x1EC00] =	vst v63  }
0x2b3: {  	_ =	swait.ge [sflag:s10], $0x2800  }
0x2b4: {  	[sflag:s10] =	ssyncset.done $0x0  }
0x2b5: {  	[sflag:s10] =	ssyncadd.s32 $0xFFFFD800  }
0x2b6: {  	[tilespmem:s14], [sflag:$0x1] =	stream.indirect.gather [hbm4b:s2+s13], $0x80, s30, s13, $0xb8;
	[tilespmem:$0x1EC00] =	vst v63  }
0x2b7: {  	_ =	swait.ge [sflag:s19], $0x2800  }
0x2b8: {  	[sflag:s19] =	ssyncset.done $0x0  }
0x2b9: {  	[sflag:s19] =	ssyncadd.s32 $0xFFFFD800  }
0x2ba: {  	[spmem:s3] =	stream.indirect.scatter.add.f32 [tilespmem:s15], [sflag:$0x5], $0x80, s31, s13, $0xb8;
	[tilespmem:$0x1EC00] =	vst v63  }
0x2bb: {  	_ =	swait.ge [sflag:s10], $0x2800  }
0x2bc: {  	[sflag:s10] =	ssyncset.done $0x0  }
0x2bd: {  	[sflag:s10] =	ssyncadd.s32 $0xFFFFD800  }
0x2be: {  	_ =	swait.ge [sflag:s20], $0x2800  }
0x2bf: {  	[sflag:s20] =	ssyncset.done $0x0  }
0x2c0: {  	[sflag:s20] =	ssyncadd.s32 $0xFFFFD800  }
0x2c1: {  	[spmem:s3] =	stream.indirect.scatter.add.f32 [tilespmem:s16], [sflag:$0x5], $0x80, s1, s13, $0xb8;
	[tilespmem:$0x1EC00] =	vst v63  }
0x2c2: {  	_ =	swait.ge [sflag:s10], $0x2800  }
0x2c3: {  	[sflag:s10] =	ssyncset.done $0x0  }
0x2c4: {  	[sflag:s10] =	ssyncadd.s32 $0xFFFFD800  }
0x2c5: {  	_ =	swait.ge [sflag:s21], $0x2800  }
0x2c6: {  	[sflag:s21] =	ssyncset.done $0x0  }
0x2c7: {  	[sflag:s21] =	ssyncadd.s32 $0xFFFFD800  }
0x2c8: {  	[spmem:s3] =	stream.indirect.scatter.add.f32 [tilespmem:s17], [sflag:$0x5], $0x80, s0, s13, $0xb8;
	[tilespmem:$0x1EC00] =	vst v63  }
0x2c9: {  	_ =	swait.ge [sflag:s10], $0x2800  }
0x2ca: {  	[sflag:s10] =	ssyncset.done $0x0  }
0x2cb: {  	[sflag:s10] =	ssyncadd.s32 $0xFFFFD800  }
0x2cc: {  	_ =	swait.ge [sflag:s18], $0x2800  }
0x2cd: {  	[sflag:s18] =	ssyncset.done $0x0  }
0x2ce: {  	[sflag:s18] =	ssyncadd.s32 $0xFFFFD800  }
0x2cf: {  	[spmem:s3] =	stream.indirect.scatter.add.f32 [tilespmem:s14], [sflag:$0x5], $0x80, s5, s13, $0xb8;
	[tilespmem:$0x1EC00] =	vst v63  }
0x2d0: {  	_ =	swait.ge [sflag:s10], $0x2800  }
0x2d1: {  	[sflag:s10] =	ssyncset.done $0x0  }
0x2d2: {  	[sflag:s10] =	ssyncadd.s32 $0xFFFFD800  }
0x2d3: {  	[bflag:$0x0] =	sbarrier.arrive $0xFFFF  }
0x2d4: {  	s8 =	sld [smem:$0x7FC]  }
0x2d5: {  	s9 =	sld [smem:$0x7F1]  }
0x2d6: {  	s7 =	sld [smem:$0x7FD];
	_ =	sdelay $0x2  }
0x2d7: {  	[hbm:s9], [sflag:s8] =	dma.local [spmem:s7], $0x2780  }
0x2d8: {  	_ =	swait.ge [sflag:s10], $0x2780  }
0x2d9: {  	s6 =	sld [smem:$0x7EE];
	_ =	sdelay $0x2  }
0x2da: {  	s9 =	sadd.s32 $0x1, s6;
	s6 =	sld [smem:$0x7F0];
	_ =	sdelay $0x2  }
0x2db: {  	p0 =	sne.s32 s9, s6  }
.Ltmp1:
0x2dc: {  	_ = 	snop;
	(pc) =	sbr.rel @p0 .LBB2_1-.Ltmp1, $3  }
0x2dd: {  	_ =	sdelay $0x1  }
0x2de: {  	[sflag:s10] =	ssyncset.done $0x0  }
0x2df: {  	[sflag:s10] =	ssyncadd.s32 $0xFFFFD880  }
0x2e0: {  	_ =	sfence.sel $0x180000  }
0x2e1: {  	[bflag:$0x0] =	sbarrier.arrive $0xFFFF  }
0x2e2: {  	_ =	strace $0x9000004D  }
0x2e3: {  	s0 =	stileid.u32;
	[bflag:$0x2] =	sbarrier.arrive $0xFFFF  }
0x2e4: {  	p0 =	sne.s32 s0, $0x0;
	s0 =	rddreg [dreg:$0x3]  }
0x2e5: {  	s0 =	sadd.s32 @!p0 $0x100000, s0  }
0x2e6: {  	[sflag:s0] =	ssyncadd.tile.s32 @!p0 $0x1;
	_ =	shalt  }
.Lfunc_end2:
_tile_overlayer_lowered:
.L_overlay_start_2:
0x2e7: {  	(tag) =	ssettag $0x2  }
0x2e8: {  	s0 =	rddreg [dreg:$0x0];
	s2 =	stileid.u32  }
0x2e9: {  	s1 =	rddreg [dreg:$0x1];
	p0 =	sne.s32 s2, $0x0  }
0x2ea: {  	s3 =	rddreg [dreg:$0x2];
	[bflag:$0x3] =	sbarrier.arrive $0xFFFF;
	s2 =	simm.s32 @!p0 $0x1C05  }
0x2eb: {  	[timem:s3], [sflag:s2] =	dma.local @!p0 [hbm:s0], s1  }
0x2ec: {  	s0 =	simm.s32 @!p0 $0x5  }
0x2ed: {  	_ =	swait.ge @!p0 [sflag:s0], s1  }
0x2ee: {  	s1 =	ssub.s32 @!p0 $0x0, s1;
	[sflag:s0] =	ssyncset.done @!p0 $0x0  }
0x2ef: {  	[sflag:s0] =	ssyncadd.s32 @!p0 s1  }
0x2f0: {  	[bflag:$0x3] =	sbarrier.arrive $0xFFFF  }
0x2f1: {  	_ =	shalt  }

// kernel: _run.8.cloned.1.call-start
scs
__scs_entry_jumppad:
0x0: {  	(pc) =	sbr.rel $0x88, $3  }
0x1: {  	(tag) =	ssettag $0x0;
	lr =	simm.s32 $0x1  }
0x2: {  	[smem:$0x3F96] =	sst lr;
	_ =	strace $0xD0000000  }
0x3: {  	_ = 	snop  }
0x4: {  	_ = 	snop  }
0x5: {  	_ = 	snop  }
0x6: {  	_ = 	snop  }
0x7: {  	_ = 	snop  }
__scs_overlays_trampoline_lowered:
0x8: {  	[smem:$0x3FA5] =	sst s0  }
0x9: {  	[smem:$0x3FA6] =	sst s1  }
0xa: {  	[smem:$0x3FA7] =	sst s2  }
0xb: {  	[smem:$0x3FA8] =	sst s3  }
0xc: {  	[smem:$0x3FA9] =	sst s4  }
0xd: {  	[smem:$0x3FAA] =	sst s5  }
0xe: {  	[smem:$0x3FAB] =	sst s6  }
0xf: {  	[smem:$0x3FAC] =	sst s7  }
0x10: {  	[smem:$0x3FAD] =	sst s8  }
0x11: {  	[smem:$0x3FAE] =	sst s9;
	s0 =	simm.s32 @!p0 $0x0  }
0x12: {  	s1 =	sld [smem:$0x3F94];
	s0 =	simm.s32 @p0 $0x1  }
0x13: {  	[smem:$0x3FAF] =	sst s0;
	s0 =	simm.s32 @!p1 $0x0  }
0x14: {  	s2 =	sld [smem:$0x3F93];
	s0 =	simm.s32 @p1 $0x1  }
0x15: {  	[smem:$0x3FB0] =	sst s0;
	s0 =	simm.s32 @!p2 $0x0  }
0x16: {  	s3 =	sld [smem:$0x3FDB];
	s0 =	simm.s32 @p2 $0x1  }
0x17: {  	s4 =	simm.s32 $0x1BF5;
	[smem:$0x3FB2] =	sst s0  }
0x18: {  	s0 =	sld [smem:$0x3F95];
	_ =	swait.ge [sflag:s4], $0x0  }
0x19: {  	s7 =	sld [smem:$0x3F96]  }
0x1a: {  	s8 =	sadd.s32 $0xFFFFE003, lr  }
0x1b: {  	s9 =	sadd.s32 $0xFFFFFEF7, lr;
	s5 =	simm.s32 $0xFFFFFFFF;
	p2 =	slt.u32 s8, $0xFFFFF086  }
0x1c: {  	p1 =	slt.u32 s9, $0xF7A;
	s5 =	simm.s32 @!p2 $0x0  }
0x1d: {  	s5 =	simm.s32 @p1 $0x1;
	p0 =	seq.s32 s7, s2  }
0x1e: {  	s7 =	smul.u32 @!p0 $0xF7A, s2;
	p2 =	seq.s32 @!p0 s5, $0x0  }
0x1f: {  	s9 =	smul.u32 $0xF7A, s1;
	s8 =	simm.s32 @!p0 $0x1BF5;
	p2 =	por !p2, p0  }
0x20: {  	[sflag:s8] =	ssyncset.s32 @!p0 $0xFFFFF086;
	s6 =	sadd.s32 @!p0 s3, s7;
	s7 =	simm.s32 @!p0 $0x108  }
0x21: {  	s3 =	sadd.s32 s3, s9;
	s6 =	sadd.s32 @!p0 $0x88, s6;
	s7 =	simm.s32 @p2 $0x1082  }
0x22: {  	[simem:s7], [sflag:s8] =	dma.local @!p0 [hbm:s6], $0xF7A  }
0x23: {  	s9 =	sor.u32 $0xD0000000, s2;
	s6 =	simm.s32 $0x108;
	_ =	swait.ge @!p0 [sflag:s8], $0x0  }
0x24: {  	s3 =	sadd.s32 $0x88, s3;
	s6 =	simm.s32 @!p1 $0x1082;
	[sflag:s4] =	ssyncset.s32 $0xFFFFF086  }
0x25: {  	[simem:s6], [sflag:s4] =	dma.local [hbm:s3], $0xF7A  }
0x26: {  	[smem:$0x3F96] =	sst s1;
	(tag) =	ssettag s2;
	_ =	strace s9  }
0x27: {  	s1 =	sld [smem:$0x3FA6]  }
0x28: {  	s2 =	sld [smem:$0x3FA7]  }
0x29: {  	s4 =	sld [smem:$0x3FA9]  }
0x2a: {  	p0 =	seq.s32 s5, $0x0;
	s5 =	sld [smem:$0x3FAA]  }
0x2b: {  	s6 =	sld [smem:$0x3FAB]  }
0x2c: {  	s7 =	sld [smem:$0x3FAC]  }
0x2d: {  	s3 =	simm.s32 $0x108;
	s8 =	sld [smem:$0x3FAD]  }
0x2e: {  	s3 =	simm.s32 @!p0 $0x1082;
	s9 =	sld [smem:$0x3FAE]  }
0x2f: {  	lr =	sadd.s32 s0, s3;
	s0 =	sld [smem:$0x3FA5]  }
0x30: {  	s3 =	sld [smem:$0x3FA8]  }
0x31: {  	[smem:$0x3FB1] =	sst s10  }
0x32: {  	s10 =	sld [smem:$0x3FAF];
	_ =	sdelay $0x3  }
0x33: {  	p0 =	seq.s32 s10, $0x1;
	s10 =	sld [smem:$0x3FB1];
	_ =	sdelay $0x3  }
0x34: {  	[smem:$0x3FB1] =	sst s10  }
0x35: {  	s10 =	sld [smem:$0x3FB0];
	_ =	sdelay $0x3  }
0x36: {  	p1 =	seq.s32 s10, $0x1;
	s10 =	sld [smem:$0x3FB1];
	_ =	sdelay $0x3  }
0x37: {  	[smem:$0x3FB1] =	sst s10  }
0x38: {  	s10 =	sld [smem:$0x3FB2]  }
0x39: {  	_ = 	snop;
	(pc) =	sbr.ind lr, $3  }
0x3a: {  	_ = 	snop  }
0x3b: {  	_ = 	snop  }
0x3c: {  	p2 =	seq.s32 s10, $0x1;
	s10 =	sld [smem:$0x3FB1]  }
0x3d: {  	_ =	shalt  }
0x3e: {  	_ =	shalt  }
0x3f: {  	_ =	shalt  }
0x40: {  	_ =	shalt  }
0x41: {  	_ =	shalt  }
0x42: {  	_ =	shalt  }
0x43: {  	_ =	shalt  }
0x44: {  	_ =	shalt  }
0x45: {  	_ =	shalt  }
0x46: {  	_ =	shalt  }
0x47: {  	_ =	shalt  }
0x48: {  	_ =	shalt  }
0x49: {  	_ =	shalt  }
0x4a: {  	_ =	shalt  }
0x4b: {  	_ =	shalt  }
0x4c: {  	_ =	shalt  }
0x4d: {  	_ =	shalt  }
0x4e: {  	_ =	shalt  }
0x4f: {  	_ =	shalt  }
0x50: {  	_ =	shalt  }
0x51: {  	_ =	shalt  }
0x52: {  	_ =	shalt  }
0x53: {  	_ =	shalt  }
0x54: {  	_ =	shalt  }
0x55: {  	_ =	shalt  }
0x56: {  	_ =	shalt  }
0x57: {  	_ =	shalt  }
0x58: {  	_ =	shalt  }
0x59: {  	_ =	shalt  }
0x5a: {  	_ =	shalt  }
0x5b: {  	_ =	shalt  }
0x5c: {  	_ =	shalt  }
0x5d: {  	_ =	shalt  }
0x5e: {  	_ =	shalt  }
0x5f: {  	_ =	shalt  }
0x60: {  	_ =	shalt  }
0x61: {  	_ =	shalt  }
0x62: {  	_ =	shalt  }
0x63: {  	_ =	shalt  }
0x64: {  	_ =	shalt  }
0x65: {  	_ =	shalt  }
0x66: {  	_ =	shalt  }
0x67: {  	_ =	shalt  }
0x68: {  	_ =	shalt  }
0x69: {  	_ =	shalt  }
0x6a: {  	_ =	shalt  }
0x6b: {  	_ =	shalt  }
0x6c: {  	_ =	shalt  }
0x6d: {  	_ =	shalt  }
0x6e: {  	_ =	shalt  }
0x6f: {  	_ =	shalt  }
0x70: {  	_ =	shalt  }
0x71: {  	_ =	shalt  }
0x72: {  	_ =	shalt  }
0x73: {  	_ =	shalt  }
0x74: {  	_ =	shalt  }
0x75: {  	_ =	shalt  }
0x76: {  	_ =	shalt  }
0x77: {  	_ =	shalt  }
0x78: {  	_ =	shalt  }
0x79: {  	_ =	shalt  }
0x7a: {  	_ =	shalt  }
0x7b: {  	_ =	shalt  }
0x7c: {  	_ =	shalt  }
0x7d: {  	_ =	shalt  }
0x7e: {  	_ =	shalt  }
0x7f: {  	_ =	shalt  }
0x80: {  	_ =	shalt  }
0x81: {  	_ =	shalt  }
0x82: {  	_ =	shalt  }
0x83: {  	_ =	shalt  }
0x84: {  	_ =	shalt  }
0x85: {  	_ =	shalt  }
0x86: {  	_ =	shalt  }
0x87: {  	_ =	shalt  }
.Lfunc_end0:
.L_simem_size_0:
called_computation_lowered:
.L_overlay_start_0:
0x88: {  	s2 =	sld [smem:$0x3FD9]  }
0x89: {  	s3 =	sld [smem:$0x3FFE];
	_ =	sdelay $0x1  }
0x8a: {  	s1 =	srdreg.scid  }
0x8b: {  	s0 =	sand.u32 $0x1, s1  }
0x8c: {  	s17 =	sshll.u32 s0, $0xA;
	s2 =	sadd.s32 s3, s2  }
0x8d: {  	s2 =	sadd.s32 s2, s17  }
0x8e: {  	[smem:$0x3FBD] =	sst s2  }
0x8f: {  	_ = 	snop  }
0x90: {  	s2 =	sld [smem:$0x3FC8]  }
0x91: {  	s18 =	sld [smem:$0x3FD0];
	(tm) =	ssettm $0x1  }
0x92: {  	s4 =	sld [smem:$0x3FFB];
	_ =	sdelay $0x3  }
0x93: {  	_ =	strace s4  }
0x94: {  	s4 =	sld [smem:$0x3FFC];
	_ =	sdelay $0x3  }
0x95: {  	_ =	strace s4  }
0x96: {  	s4 =	sld [smem:$0x3FFD];
	_ =	sdelay $0x3  }
0x97: {  	_ =	strace s4  }
0x98: {  	_ =	strace $0x8FFFFFFF  }
0x99: {  	s19 =	sld [smem:$0x3FDB];
	_ =	sdelay $0x1  }
0x9a: {  	s5 =	simm.s32 $_scs_section_size  }
0x9b: {  	s6 =	simm.s32 $_size__tile_overlayer_lowered;
	s7 =	simm.s32 $_tile_overlayer_lowered  }
0x9c: {  	s22 =	simm.s32 $0x1BFF;
	s21 =	sshll.u32 s7, $0x1;
	s4 =	sadd.s32 s5, s19  }
0x9d: {  	s8 =	simm.s32 $0x0;
	s20 =	sshll.u32 s6, $0x1;
	s6 =	sadd.s32 s21, s4  }
0x9e: {  	[timem:s8], [sflag:s22] =	dma.local [hbm:s6], s20  }
0x9f: {  	_ =	swait.ge [sflag:s22], s20  }
0xa0: {  	s5 =	ssub.s32 $0x0, s20;
	[sflag:s22] =	ssyncset.done $0x0  }
0xa1: {  	[sflag:s22] =	ssyncadd.s32 s5;
	_ =	sdelay $0x1  }
0xa2: {  	s23 =	simm.s32 $0x1B8B  }
0xa3: {  	_ =	swait.ge [sflag:s23], $0x1  }
0xa4: {  	[sflag:s23] =	ssyncset.done $0x0  }
0xa5: {  	s25 =	simm.s32 $0x1B8E;
	s24 =	sld [smem:$0x3FFE];
	[sflag:s23] =	ssyncadd.s32 $0xFFFFFFFF  }
0xa6: {  	s26 =	simm.s32 $execute0_lowered;
	[smem:$0x3FD2] =	sst s25  }
0xa7: {  	s6 =	sshll.u32 s26, $0x1;
	_ =	strace $0x80000046;
	[dreg:$0x1] =	wrdreg $0xFFFFFFFF  }
0xa8: {  	s28 =	simm.s32 $_size_execute0_lowered;
	s4 =	sadd.s32 s4, s6;
	[dreg:$0x0] =	wrdreg $0x0  }
0xa9: {  	s6 =	sshll.u32 s28, $0x1;
	[dreg:$0x2] =	wrdreg s4  }
0xaa: {  	[dreg:$0x3] =	wrdreg s6  }
0xab: {  	[dreg:$0x4] =	wrdreg $0xC0  }
0xac: {  	_ =	task [dreg:s8], $0x5FFFF  }
0xad: {  	[dreg:$0x1] =	wrdreg $0xFFFFFFFF  }
0xae: {  	[dreg:$0x0] =	wrdreg $0x60  }
0xaf: {  	[dreg:$0x2] =	wrdreg s24  }
0xb0: {  	[dreg:$0x3] =	wrdreg s2  }
0xb1: {  	[dreg:$0x4] =	wrdreg s18  }
0xb2: {  	[dreg:$0x5] =	wrdreg $0x9  }
0xb3: {  	_ =	task.clear_ibuf [dreg:s8], $0x6FFFF;
	_ =	strace $0x90000046  }
0xb4: {  	s29 =	simm.s32 $0x9;
	_ =	strace $0x80000048  }
0xb5: {  	_ =	swait.ge [sflag:s29], $0x1  }
0xb6: {  	[sflag:s29] =	ssyncadd.s32 $0xFFFFFFFF  }
0xb7: {  	_ =	strace $0x90000048  }
0xb8: {  	_ =	sfence  }
0xb9: {  	s30 =	sld [smem:$0x0];
	_ =	sdelay $0x2  }
0xba: {  	s31 =	sshll.u32 s1, $0xD;
	s1 =	sshrl.u32 s1, $0x2  }
0xbb: {  	s3 =	sand.u32 $0x4000, s31;
	s1 =	sadd.s32 s1, s30  }
0xbc: {  	s0 =	sor.u32 s3, s0;
	s1 =	sshll.u32 s1, $0x11  }
0xbd: {  	s0 =	sor.u32 s1, s0  }
0xbe: {  	s0 =	sadd.s32 $0x8F2B, s0  }
0xbf: {  	[sflag:s0] =	ssyncadd.remote.s32 $0x1  }
0xc0: {  	_ =	sfence.sel $0xFFFF  }
0xc1: {  	[dreg:$0x0] =	wrdreg $0xFFFFFFFF;
	(pc) =	sbr.abs _section_cstart, $3  }
0xc2: {  	[dreg:$0x1] =	wrdreg $0xFFFFFFFF  }
0xc3: {  	_ =	task.clear_ibuf [dreg:s8], $0x2FFFF;
	_ =	strace $0x9FFFFFFF  }
0xc4: {  	(tm) =	ssettm $0x7FFFFFFF  }
0xc5: {  	_ =	shalt  }
tec
execute0_lowered:
.L_overlay_start_1:
0x0: {  	(tag) =	ssettag $0x1  }
0x1: {  	s6 =	rddreg [dreg:$0x0]  }
0x2: {  	s0 =	srdreg.scid;
	s2 =	rddreg [dreg:$0x1]  }
0x3: {  	s3 =	rddreg [dreg:$0x2];
	s1 =	stileid.u32  }
0x4: {  	s4 =	simm.s32 $0x0;
	s10 =	simm.s32 $0x13880;
	s5 =	sand.u32 $0x1, s0  }
0x5: {  	s11 =	simm.s32 $0x17700;
	s12 =	simm.s32 $0x1B580;
	s7 =	sshll.u32 s5, $0x4  }
0x6: {  	s14 =	simm.s32 $0x2;
	s0 =	rddreg [dreg:$0x3];
	s7 =	sor.u32 s1, s7  }
0x7: {  	s15 =	simm.s32 $0x0;
	[smem:$0x7FF] =	sst s4;
	s8 =	smul.u32 $0x1F40, s7  }
0x8: {  	_ =	strace $0x80000047;
	s9 =	ssub.s32 $0x2, s5;
	s13 =	smul.u32 $0x140, s7  }
0x9: {  	s5 =	sadd.s32 $0xCE00, s6;
	s31 =	sshrl.u32 s9, $0x1;
	s6 =	sadd.s32 s8, s6  }
0xa: {  	s8 =	ssub.s32 s9, s31;
	s9 =	simm.s32 $0xFA00;
	v0 =	vmov s13;
	s13 =	simm.s32 $0x1  }
0xb: {  	v1 =	vimm.f32 $1.000000000e+00;
	s6 =	sadd.s32 $0x16C00, s6;
	s7 =	smax.u32 s8, $0x1;
	s8 =	simm.s32 $0x3  }
.LBB2_1:
0xc: {  	[tilespmem:s4], [sflag:$0x3] =	stream.linear.gather [hbm4b:s3+s4], $0xFA00, $0x38;
	[tilespmem:$0x1F400] =	vst v63  }
0xd: {  	_ =	swait.ge [sflag:s8], $0xFA00  }
0xe: {  	[sflag:s8] =	ssyncset.done $0x0  }
0xf: {  	[sflag:s8] =	ssyncadd.s32 $0xFFFF0600  }
0x10: {  	[tilespmem:s9], [sflag:$0x1] =	stream.linear.gather [hbm4b:s5+s4], $0x3E80, $0x38;
	[tilespmem:$0x1F400] =	vst v63  }
0x11: {  	s16 =	simm.s32 $0x0  }
0x12: {  	[tilespmem:s10], [sflag:$0x1] =	stream.linear.gather [hbm4b:s2+s4], $0x3E80, $0x38;
	[tilespmem:$0x1F400] =	vst v63  }
.LBB2_2:
0x13: {  	s17 =	smul.u32 $0x7D00, s16;
	_ =	sdelay $0x1  }
0x14: {  	s18 =	sshrl.u32 s17, $0x3  }
0x15: {  	s19 =	sadd.s32 $0x7D0, s18  }
0x16: {  	s18 =	simm.s32 $0x0;
	s20 =	sadd.s32 s5, s19  }
0x17: {  	[tilespmem:s11], [sflag:$0x2] =	stream.linear.gather [hbm4b:s20+s18], $0x3E80, $0x38;
	[tilespmem:$0x1F400] =	vst v63  }
0x18: {  	s19 =	sadd.s32 s2, s19  }
0x19: {  	[tilespmem:s12], [sflag:$0x2] =	stream.linear.gather [hbm4b:s19+s18], $0x3E80, $0x38;
	[tilespmem:$0x1F400] =	vst v63  }
0x1a: {  	_ =	swait.ge [sflag:s13], $0x3E80  }
0x1b: {  	[sflag:s13] =	ssyncset.done $0x0  }
0x1c: {  	[sflag:s13] =	ssyncadd.s32 $0xFFFFC180  }
0x1d: {  	_ =	swait.ge [sflag:s13], $0x3E80  }
0x1e: {  	[sflag:s13] =	ssyncset.done $0x0  }
0x1f: {  	[sflag:s13] =	ssyncadd.s32 $0xFFFFC180  }
.LBB2_3:
0x20: {  	s19 =	sshra.s32 s18, $0x2  }
0x21: {  	v2 =	vld [tilespmem:s19+$0xFA00];
	_ =	sdelay $0x4  }
0x22: {  	v2 =	vsub.s32 v2, v0  }
0x23: {  	v3 =	vld [tilespmem:s19+$0x13880];
	vm0 =	vgt.s32 v2, $0x0  }
0x24: {  	v4 =	vnsel vm0, $0x0, v2  }
0x25: {  	v4 =	vmin.u32 v4, $0x13F  }
0x26: {  	v4 =	vmul.u32 $0xC8, v4  }
0x27: {  	vm7 =	vlt.u32 v2, $0x140  }
0x28: {  	v2 =	vadd.s32 v3, v4;
	_ =	sdelay $0x4  }
0x29: {  	[tilespmem:v2+s4+$0x0] =	vst.idx.add.f32.msk vm7, v1  }
0x2a: {  	v2 =	vld [tilespmem:s19+$0xFA10];
	_ =	sdelay $0x4  }
0x2b: {  	v2 =	vsub.s32 v2, v0  }
0x2c: {  	v3 =	vld [tilespmem:s19+$0x13890];
	vm8 =	vgt.s32 v2, $0x0  }
0x2d: {  	v60 =	vnsel vm8, $0x0, v2  }
0x2e: {  	v4 =	vmin.u32 v60, $0x13F  }
0x2f: {  	v4 =	vmul.u32 $0xC8, v4  }
0x30: {  	vm9 =	vlt.u32 v2, $0x140  }
0x31: {  	v2 =	vadd.s32 v3, v4;
	_ =	sdelay $0x4  }
0x32: {  	[tilespmem:v2+s4+$0x0] =	vst.idx.add.f32.msk vm9, v1  }
0x33: {  	v2 =	vld [tilespmem:s19+$0xFA20];
	_ =	sdelay $0x4  }
0x34: {  	v2 =	vsub.s32 v2, v0  }
0x35: {  	v3 =	vld [tilespmem:s19+$0x138A0];
	vm10 =	vgt.s32 v2, $0x0  }
0x36: {  	v61 =	vnsel vm10, $0x0, v2  }
0x37: {  	v4 =	vmin.u32 v61, $0x13F  }
0x38: {  	v4 =	vmul.u32 $0xC8, v4  }
0x39: {  	vm11 =	vlt.u32 v2, $0x140  }
0x3a: {  	v2 =	vadd.s32 v3, v4;
	_ =	sdelay $0x4  }
0x3b: {  	[tilespmem:v2+s4+$0x0] =	vst.idx.add.f32.msk vm11, v1  }
0x3c: {  	v2 =	vld [tilespmem:s19+$0xFA30];
	_ =	sdelay $0x4  }
0x3d: {  	v2 =	vsub.s32 v2, v0  }
0x3e: {  	v3 =	vld [tilespmem:s19+$0x138B0];
	vm12 =	vgt.s32 v2, $0x0  }
0x3f: {  	v62 =	vnsel vm12, $0x0, v2  }
0x40: {  	v4 =	vmin.u32 v62, $0x13F  }
0x41: {  	v4 =	vmul.u32 $0xC8, v4  }
0x42: {  	vm13 =	vlt.u32 v2, $0x140  }
0x43: {  	v2 =	vadd.s32 v3, v4;
	_ =	sdelay $0x4  }
0x44: {  	[tilespmem:v2+s4+$0x0] =	vst.idx.add.f32.msk vm13, v1  }
0x45: {  	v2 =	vld [tilespmem:s19+$0xFA40];
	_ =	sdelay $0x4  }
0x46: {  	v2 =	vsub.s32 v2, v0  }
0x47: {  	v3 =	vld [tilespmem:s19+$0x138C0];
	vm14 =	vgt.s32 v2, $0x0  }
0x48: {  	v63 =	vnsel vm14, $0x0, v2  }
0x49: {  	v4 =	vmin.u32 v63, $0x13F  }
0x4a: {  	v4 =	vmul.u32 $0xC8, v4  }
0x4b: {  	vm15 =	vlt.u32 v2, $0x140  }
0x4c: {  	p0 =	sne.s32 s18, $0xF8C0;
	v2 =	vadd.s32 v3, v4  }
.Ltmp0:
0x4d: {  	_ = 	snop;
	(pc) =	sbr.rel @p0 .LBB2_3-.Ltmp0, $2  }
0x4e: {  	_ =	sdelay $0x2  }
0x4f: {  	s18 =	sadd.s32 $0x140, s18;
	[tilespmem:v2+s4+$0x0] =	vst.idx.add.f32.msk vm15, v1  }
0x50: {  	p0 =	seq.s32 s16, $0x9  }
0x51: {  	s17 =	sshrl.u32 @!p0 s17, $0x3  }
0x52: {  	s17 =	sadd.s32 @!p0 $0xFA0, s17  }
0x53: {  	s19 =	simm.s32 @!p0 $0x0;
	s20 =	simm.s32 @!p0 $0xFA00;
	s18 =	sadd.s32 @!p0 s5, s17  }
0x54: {  	[tilespmem:s20], [sflag:$0x1] =	stream.linear.gather @!p0 [hbm4b:s18+s19], $0x3E80, $0x38;
	[tilespmem:$0x1F400] =	vst v63  }
0x55: {  	s17 =	sadd.s32 @!p0 s2, s17;
	s18 =	simm.s32 @!p0 $0x13880  }
0x56: {  	[tilespmem:s18], [sflag:$0x1] =	stream.linear.gather @!p0 [hbm4b:s17+s19], $0x3E80, $0x38;
	[tilespmem:$0x1F400] =	vst v63  }
0x57: {  	_ =	swait.ge [sflag:s14], $0x3E80  }
0x58: {  	[sflag:s14] =	ssyncset.done $0x0  }
0x59: {  	[sflag:s14] =	ssyncadd.s32 $0xFFFFC180  }
0x5a: {  	_ =	swait.ge [sflag:s14], $0x3E80  }
0x5b: {  	[sflag:s14] =	ssyncset.done $0x0  }
0x5c: {  	s17 =	simm.s32 $0x0;
	[sflag:s14] =	ssyncadd.s32 $0xFFFFC180  }
.LBB2_5:
0x5d: {  	s18 =	sshra.s32 s17, $0x2  }
0x5e: {  	v2 =	vld [tilespmem:s18+$0x17700];
	_ =	sdelay $0x4  }
0x5f: {  	v2 =	vsub.s32 v2, v0  }
0x60: {  	v3 =	vld [tilespmem:s18+$0x1B580];
	vm0 =	vgt.s32 v2, $0x0  }
0x61: {  	v4 =	vnsel vm0, $0x0, v2  }
0x62: {  	v4 =	vmin.u32 v4, $0x13F  }
0x63: {  	v4 =	vmul.u32 $0xC8, v4  }
0x64: {  	vm7 =	vlt.u32 v2, $0x140  }
0x65: {  	v2 =	vadd.s32 v3, v4;
	_ =	sdelay $0x4  }
0x66: {  	[tilespmem:v2+s4+$0x0] =	vst.idx.add.f32.msk vm7, v1  }
0x67: {  	v2 =	vld [tilespmem:s18+$0x17710];
	_ =	sdelay $0x4  }
0x68: {  	v2 =	vsub.s32 v2, v0  }
0x69: {  	v3 =	vld [tilespmem:s18+$0x1B590];
	vm8 =	vgt.s32 v2, $0x0  }
0x6a: {  	v60 =	vnsel vm8, $0x0, v2  }
0x6b: {  	v4 =	vmin.u32 v60, $0x13F  }
0x6c: {  	v4 =	vmul.u32 $0xC8, v4  }
0x6d: {  	vm9 =	vlt.u32 v2, $0x140  }
0x6e: {  	v2 =	vadd.s32 v3, v4;
	_ =	sdelay $0x4  }
0x6f: {  	[tilespmem:v2+s4+$0x0] =	vst.idx.add.f32.msk vm9, v1  }
0x70: {  	v2 =	vld [tilespmem:s18+$0x17720];
	_ =	sdelay $0x4  }
0x71: {  	v2 =	vsub.s32 v2, v0  }
0x72: {  	v3 =	vld [tilespmem:s18+$0x1B5A0];
	vm10 =	vgt.s32 v2, $0x0  }
0x73: {  	v61 =	vnsel vm10, $0x0, v2  }
0x74: {  	v4 =	vmin.u32 v61, $0x13F  }
0x75: {  	v4 =	vmul.u32 $0xC8, v4  }
0x76: {  	vm11 =	vlt.u32 v2, $0x140  }
0x77: {  	v2 =	vadd.s32 v3, v4;
	_ =	sdelay $0x4  }
0x78: {  	[tilespmem:v2+s4+$0x0] =	vst.idx.add.f32.msk vm11, v1  }
0x79: {  	v2 =	vld [tilespmem:s18+$0x17730];
	_ =	sdelay $0x4  }
0x7a: {  	v2 =	vsub.s32 v2, v0  }
0x7b: {  	v3 =	vld [tilespmem:s18+$0x1B5B0];
	vm12 =	vgt.s32 v2, $0x0  }
0x7c: {  	v62 =	vnsel vm12, $0x0, v2  }
0x7d: {  	v4 =	vmin.u32 v62, $0x13F  }
0x7e: {  	v4 =	vmul.u32 $0xC8, v4  }
0x7f: {  	vm13 =	vlt.u32 v2, $0x140  }
0x80: {  	v2 =	vadd.s32 v3, v4;
	_ =	sdelay $0x4  }
0x81: {  	[tilespmem:v2+s4+$0x0] =	vst.idx.add.f32.msk vm13, v1  }
0x82: {  	v2 =	vld [tilespmem:s18+$0x17740];
	_ =	sdelay $0x4  }
0x83: {  	v2 =	vsub.s32 v2, v0  }
0x84: {  	v3 =	vld [tilespmem:s18+$0x1B5C0];
	vm14 =	vgt.s32 v2, $0x0  }
0x85: {  	v63 =	vnsel vm14, $0x0, v2  }
0x86: {  	v4 =	vmin.u32 v63, $0x13F  }
0x87: {  	v4 =	vmul.u32 $0xC8, v4  }
0x88: {  	vm15 =	vlt.u32 v2, $0x140  }
0x89: {  	p0 =	sne.s32 s17, $0xF8C0;
	v2 =	vadd.s32 v3, v4  }
.Ltmp1:
0x8a: {  	_ = 	snop;
	(pc) =	sbr.rel @p0 .LBB2_5-.Ltmp1, $2  }
0x8b: {  	_ =	sdelay $0x2  }
0x8c: {  	s17 =	sadd.s32 $0x140, s17;
	[tilespmem:v2+s4+$0x0] =	vst.idx.add.f32.msk vm15, v1  }
0x8d: {  	s16 =	sadd.s32 $0x1, s16  }
0x8e: {  	p0 =	sne.s32 s16, $0xA  }
.Ltmp2:
0x8f: {  	_ = 	snop;
	(pc) =	sbr.rel @p0 .LBB2_2-.Ltmp2, $1  }
0x90: {  	_ =	sdelay $0x3  }
0x91: {  	s15 =	sadd.s32 $0x1, s15  }
0x92: {  	p0 =	sne.s32 s15, s7  }
.Ltmp3:
0x93: {  	_ = 	snop;
	(pc) =	sbr.rel @p0 .LBB2_1-.Ltmp3, $4  }
0x94: {  	[hbm4b:s6+s4] =	stream.linear.scatter [tilespmem:s4], [sflag:$0x3], $0xFA00, $0x38;
	[tilespmem:$0x1F400] =	vst v63  }
0x95: {  	_ =	swait.ge [sflag:s8], $0xFA00  }
0x96: {  	[sflag:s8] =	ssyncset.done $0x0  }
0x97: {  	[sflag:s8] =	ssyncadd.s32 $0xFFFF0600  }
0x98: {  	_ =	sfence.sel $0x180000  }
0x99: {  	[bflag:$0x0] =	sbarrier.arrive $0xFFFF  }
0x9a: {  	p0 =	sne.s32 s1, $0x0;
	_ =	strace $0x90000047  }
0x9b: {  	s0 =	sadd.s32 @!p0 $0x100000, s0;
	[bflag:$0x2] =	sbarrier.arrive $0xFFFF  }
0x9c: {  	[sflag:s0] =	ssyncadd.tile.s32 @!p0 $0x1;
	_ =	shalt  }
.Lfunc_end2:
_tile_overlayer_lowered:
.L_overlay_start_2:
0x9d: {  	(tag) =	ssettag $0x2  }
0x9e: {  	s0 =	rddreg [dreg:$0x0];
	s2 =	stileid.u32  }
0x9f: {  	s1 =	rddreg [dreg:$0x1];
	p0 =	sne.s32 s2, $0x0  }
0xa0: {  	s3 =	rddreg [dreg:$0x2];
	[bflag:$0x3] =	sbarrier.arrive $0xFFFF;
	s2 =	simm.s32 @!p0 $0x1C03  }
0xa1: {  	[timem:s3], [sflag:s2] =	dma.local @!p0 [hbm:s0], s1  }
0xa2: {  	s0 =	simm.s32 @!p0 $0x3  }
0xa3: {  	_ =	swait.ge @!p0 [sflag:s0], s1  }
0xa4: {  	s1 =	ssub.s32 @!p0 $0x0, s1;
	[sflag:s0] =	ssyncset.done @!p0 $0x0  }
0xa5: {  	[sflag:s0] =	ssyncadd.s32 @!p0 s1  }
0xa6: {  	[bflag:$0x3] =	sbarrier.arrive $0xFFFF  }
0xa7: {  	_ =	shalt  }

</sc_bundles>
